<compile_context>
chip_gen: v7x
topology: tpu7x:2x2x1
jax: 0.10.2.dev20260603
libtpu: 0.0.44.dev20260713+nightly
codegen_flags: <defaults>
</compile_context>

<pallas_src>
import jax
import jax.numpy as jnp
from jax import lax
from jax.experimental import pallas as pl
from jax.experimental.pallas import tpu as pltpu
from jax.experimental.pallas import tpu_sc as plsc

N = 10000
G = 512
E = 320000
NP = 10240
CH = 128
ECH = 2560
CPT = ECH // 32
NST = 2
SCH = CPT // NST
NC, NS = 2, 16
RPT = NP // NS
BLK = 256
NBLK = NP // BLK


def _sc_mesh():
    return plsc.VectorSubcoreMesh(core_axis_name="c", subcore_axis_name="s")


def _deg_full_body(dst_hbm, batch_hbm, deg_hbm, cnt_hbm, deg_sh, cnt_sh,
                   dstage, bidx0, bidx1, bidx2, ones_v, half_v, work_v,
                   ss0, ss1):
    c = lax.axis_index("c")
    s = lax.axis_index("s")
    sss = (ss0, ss1)

    def fill(i, _):
        ones_v[pl.ds(i * 16, 16)] = jnp.full((16,), 1.0, jnp.float32)
        half_v[pl.ds(i * 16, 16)] = jnp.full((16,), 0.5, jnp.float32)
        work_v[pl.ds(i * 16, 16)] = jnp.zeros((16,), jnp.float32)
        return 0
    lax.fori_loop(0, CH // 16, fill, 0)

    base = s * RPT
    for k in range(RPT // CH):
        pltpu.sync_copy(half_v, deg_sh.at[pl.ds(base + k * CH, CH)])
    pltpu.sync_copy(work_v.at[pl.ds(0, 64)], cnt_sh.at[pl.ds(s * 64, 64)])
    plsc.subcore_barrier()

    crow = (c * NS + s) * CPT
    for st in range(NST):
        pltpu.sync_copy(dst_hbm.at[pl.ds(crow + st * SCH, SCH)], dstage)

        def body(r, _):
            for b in range(2):
                @pl.when(r > 0)
                def _(b=b):
                    pltpu.make_async_copy(
                        ones_v, deg_sh.at[dstage.at[0]], sss[b]).wait()
                pltpu.async_copy(ones_v, deg_sh.at[dstage.at[2 * r + b]],
                                 sss[b], add=True)
            return 0
        lax.fori_loop(0, SCH // 2, body, 0)
        for b in range(2):
            pltpu.make_async_copy(ones_v, deg_sh.at[dstage.at[0]],
                                  sss[b]).wait()

    nb = c * (NP // NC) + s * (NP // NC // NS)
    pltpu.sync_copy(batch_hbm.at[pl.ds(nb, CH)], bidx0)
    pltpu.sync_copy(ones_v, cnt_sh.at[bidx0], add=True)
    pltpu.sync_copy(batch_hbm.at[pl.ds(nb + CH, CH)], bidx1)
    pltpu.sync_copy(ones_v, cnt_sh.at[bidx1], add=True)
    pltpu.sync_copy(batch_hbm.at[pl.ds(nb + 2 * CH, 64)], bidx2)
    pltpu.sync_copy(ones_v.at[pl.ds(0, 64)], cnt_sh.at[bidx2], add=True)
    plsc.subcore_barrier()

    pltpu.sync_copy(deg_sh.at[pl.ds(base, RPT)], work_v)
    pltpu.sync_copy(work_v, deg_hbm.at[pl.ds(c * NP + base, RPT)])
    pltpu.sync_copy(cnt_sh.at[pl.ds(s * 32, 32)], work_v.at[pl.ds(0, 32)])
    pltpu.sync_copy(work_v.at[pl.ds(0, 32)],
                    cnt_hbm.at[pl.ds(c * G + s * 32, 32)])


def _deg(dst2, batch_p):
    k = pl.kernel(
        _deg_full_body,
        out_type=(jax.ShapeDtypeStruct((NC * NP,), jnp.float32),
                  jax.ShapeDtypeStruct((NC * G,), jnp.float32)),
        mesh=_sc_mesh(),
        scratch_types=[
            pltpu.VMEM_SHARED((NP,), jnp.float32),
            pltpu.VMEM_SHARED((1024,), jnp.float32),
            pltpu.VMEM((SCH, CH), jnp.int32),
            pltpu.VMEM((CH,), jnp.int32),
            pltpu.VMEM((CH,), jnp.int32),
            pltpu.VMEM((64,), jnp.int32),
            pltpu.VMEM((CH,), jnp.float32),
            pltpu.VMEM((CH,), jnp.float32),
            pltpu.VMEM((RPT,), jnp.float32),
            pltpu.SemaphoreType.DMA,
            pltpu.SemaphoreType.DMA,
        ],
    )
    return k(dst2, batch_p)


SB = 2
AR = 10112
ARPT = AR // NS


def _scatter_body(h_hbm, src_hbm, dst_hbm, out_hbm, acc_sh,
                  sstage, dstage, rows0, rows1, gs0, gs1, ss0, ss1):
    rows = (rows0, rows1)
    gss = (gs0, gs1)
    sss = (ss0, ss1)
    c = lax.axis_index("c")
    s = lax.axis_index("s")

    def zr(r, _):
        for k in range(8):
            rows0[r, pl.ds(k * 16, 16)] = jnp.zeros((16,), jnp.float32)
        return 0
    lax.fori_loop(0, CH, zr, 0)

    base = s * ARPT
    for k in range(ARPT // CH):
        pltpu.sync_copy(rows0, acc_sh.at[pl.ds(base + k * CH, CH)])
    pltpu.sync_copy(rows0.at[pl.ds(0, ARPT % CH)],
                    acc_sh.at[pl.ds(base + (ARPT // CH) * CH, ARPT % CH)])
    plsc.subcore_barrier()

    crow = (c * NS + s) * CPT

    for st in range(NST):
        pltpu.sync_copy(src_hbm.at[pl.ds(crow + st * SCH, SCH)], sstage)
        pltpu.sync_copy(dst_hbm.at[pl.ds(crow + st * SCH, SCH)], dstage)

        def body(r, _):
            for b in range(2):
                j = 2 * r + b

                @pl.when(r > 0)
                def _(b=b):
                    pltpu.make_async_copy(rows[b], acc_sh.at[dstage.at[0]],
                                          sss[b]).wait()
                pltpu.async_copy(h_hbm.at[sstage.at[j]], rows[b], gss[b])
            for b in range(2):
                j = 2 * r + b
                pltpu.make_async_copy(h_hbm.at[sstage.at[j]], rows[b],
                                      gss[b]).wait()
                pltpu.async_copy(rows[b], acc_sh.at[dstage.at[j]], sss[b],
                                 add=True)
            return 0
        lax.fori_loop(0, SCH // 2, body, 0)
        for b in range(2):
            pltpu.make_async_copy(rows[b], acc_sh.at[dstage.at[0]],
                                  sss[b]).wait()
    plsc.subcore_barrier()

    ob = c * NP + base
    pltpu.sync_copy(acc_sh.at[pl.ds(base, ARPT)],
                    out_hbm.at[pl.ds(ob, ARPT)])


def _edge_scatter(h, src2, dst2):
    k = pl.kernel(
        _scatter_body,
        out_type=jax.ShapeDtypeStruct((NC * NP, 128), jnp.float32),
        mesh=_sc_mesh(),
        scratch_types=(
            [pltpu.VMEM_SHARED((AR, 128), jnp.float32)]
            + [pltpu.VMEM((SCH, CH), jnp.int32) for _ in range(2)]
            + [pltpu.VMEM((CH, 128), jnp.float32) for _ in range(2)]
            + [pltpu.SemaphoreType.DMA for _ in range(4)]
        ),
    )
    return k(h, src2, dst2)


def _mm_scale_body(x_ref, w_ref, d0_ref, d1_ref, o_ref, dv_ref):
    dinv = lax.rsqrt(d0_ref[...] + d1_ref[...])
    dv_ref[...] = dinv
    o_ref[...] = jnp.dot(x_ref[...], w_ref[...],
                         preferred_element_type=jnp.float32) * dinv


def _mm_scale(x_p, W, deg2):
    return pl.pallas_call(
        _mm_scale_body,
        out_shape=(jax.ShapeDtypeStruct((NP, 128), jnp.float32),
                   jax.ShapeDtypeStruct((NP, 1), jnp.float32)),
        grid=(NBLK,),
        in_specs=[pl.BlockSpec((BLK, 128), lambda i: (i, 0)),
                  pl.BlockSpec((128, 128), lambda i: (0, 0)),
                  pl.BlockSpec((BLK, 1), lambda i: (i, 0)),
                  pl.BlockSpec((BLK, 1), lambda i: (i + NBLK, 0))],
        out_specs=(pl.BlockSpec((BLK, 128), lambda i: (i, 0)),
                   pl.BlockSpec((BLK, 1), lambda i: (i, 0))),
    )(x_p, W, deg2, deg2)


def _layer_mid_body(s0_ref, s1_ref, h_ref, d_ref, b_ref, w_ref, o_ref):
    i = pl.program_id(0)
    tot = s0_ref[...] + s1_ref[...] + h_ref[...]
    act = jnp.maximum(d_ref[...] * tot + b_ref[...], 0.0)
    row = i * BLK + lax.broadcasted_iota(jnp.int32, (BLK, 128), 0)
    act = jnp.where(row < N, act, 0.0)
    o_ref[...] = jnp.dot(act, w_ref[...],
                         preferred_element_type=jnp.float32) * d_ref[...]


def _layer_mid(s, ht, dinv2, b1r, W2):
    return pl.pallas_call(
        _layer_mid_body,
        out_shape=jax.ShapeDtypeStruct((NP, 128), jnp.float32),
        grid=(NBLK,),
        in_specs=[pl.BlockSpec((BLK, 128), lambda i: (i, 0)),
                  pl.BlockSpec((BLK, 128), lambda i: (i + NBLK, 0)),
                  pl.BlockSpec((BLK, 128), lambda i: (i, 0)),
                  pl.BlockSpec((BLK, 1), lambda i: (i, 0)),
                  pl.BlockSpec((1, 128), lambda i: (0, 0)),
                  pl.BlockSpec((128, 128), lambda i: (0, 0))],
        out_specs=pl.BlockSpec((BLK, 128), lambda i: (i, 0)),
    )(s, s, ht, dinv2, b1r, W2)


def _finale_body(s0_ref, s1_ref, h_ref, d_ref, b_ref, bt_ref, c0_ref, c1_ref,
                 wl_ref, bl_ref, wd1_ref, bd1_ref, wd2_ref, bd2_ref, o_ref):
    i = pl.program_id(0)
    tot = s0_ref[...] + s1_ref[...] + h_ref[...]
    act = jnp.maximum(d_ref[...] * tot + b_ref[...], 0.0)
    row = i * BLK + lax.broadcasted_iota(jnp.int32, (BLK, 128), 0)
    act = jnp.where(row < N, act, 0.0)
    gid = lax.broadcasted_iota(jnp.int32, (BLK, G), 1)
    onehot = jnp.where(bt_ref[...].astype(jnp.int32) == gid, 1.0, 0.0)
    part = lax.dot_general(onehot, act, (((0,), (0,)), ((), ())),
                           preferred_element_type=jnp.float32)

    @pl.when(i == 0)
    def _():
        o_ref[...] = jnp.zeros_like(o_ref)

    o_ref[...] += part

    @pl.when(i == NBLK - 1)
    def _():
        pooled = o_ref[...] / jnp.maximum(c0_ref[...] + c1_ref[...], 1.0)
        lab = jax.nn.sigmoid(
            jnp.dot(pooled, wl_ref[...], preferred_element_type=jnp.float32)
            + bl_ref[...])
        dmid = jnp.maximum(
            jnp.dot(pooled, wd1_ref[...], preferred_element_type=jnp.float32)
            + bd1_ref[...], 0.0)
        dom = (jnp.dot(dmid, wd2_ref[...], preferred_element_type=jnp.float32)
               + bd2_ref[...])
        col = lax.broadcasted_iota(jnp.int32, (G, 128), 1)
        o_ref[...] = jnp.where(col == 0, lab, dom)


def _finale(s, ht, dinv2, b2r, batchf, cnt2, Wlp, blp, Wd1, bd1r, Wd2p, bd2p):
    return pl.pallas_call(
        _finale_body,
        out_shape=jax.ShapeDtypeStruct((G, 128), jnp.float32),
        grid=(NBLK,),
        in_specs=[pl.BlockSpec((BLK, 128), lambda i: (i, 0)),
                  pl.BlockSpec((BLK, 128), lambda i: (i + NBLK, 0)),
                  pl.BlockSpec((BLK, 128), lambda i: (i, 0)),
                  pl.BlockSpec((BLK, 1), lambda i: (i, 0)),
                  pl.BlockSpec((1, 128), lambda i: (0, 0)),
                  pl.BlockSpec((BLK, 1), lambda i: (i, 0)),
                  pl.BlockSpec((G, 1), lambda i: (0, 0)),
                  pl.BlockSpec((G, 1), lambda i: (1, 0)),
                  pl.BlockSpec((128, 128), lambda i: (0, 0)),
                  pl.BlockSpec((1, 128), lambda i: (0, 0)),
                  pl.BlockSpec((128, 64), lambda i: (0, 0)),
                  pl.BlockSpec((1, 64), lambda i: (0, 0)),
                  pl.BlockSpec((64, 128), lambda i: (0, 0)),
                  pl.BlockSpec((1, 128), lambda i: (0, 0))],
        out_specs=pl.BlockSpec((G, 128), lambda i: (0, 0)),
    )(s, s, ht, dinv2, b2r, batchf, cnt2, cnt2, Wlp, blp, Wd1, bd1r, Wd2p, bd2p)


def kernel(x, edge_index, batch, W1, b1, W2, b2, Wl, bl, Wd1, bd1, Wd2, bd2):
    npad = NP - N
    epad = ECH * CH - E
    ar = jnp.arange(epad, dtype=jnp.int32)
    src2 = jnp.concatenate([edge_index[0], N + ar % npad]).reshape(ECH, CH)
    dst2 = jnp.concatenate([edge_index[1], N + ar % (AR - N)]).reshape(ECH, CH)
    batch_p = jnp.concatenate([batch, jnp.full((npad,), G, jnp.int32)])

    deg, cnt = _deg(dst2, batch_p)
    h1t, dinv2 = _mm_scale(x, W1, deg.reshape(NC * NP, 1))
    s1 = _edge_scatter(h1t, src2, dst2)
    h2t = _layer_mid(s1, h1t, dinv2, b1[None, :], W2)
    s2 = _edge_scatter(h2t, src2, dst2)

    heads = _finale(
        s2, h2t, dinv2, b2[None, :],
        batch_p.astype(jnp.float32).reshape(NP, 1), cnt.reshape(NC * G, 1),
        jnp.pad(Wl, ((0, 0), (0, 127))), jnp.pad(bl[None, :], ((0, 0), (0, 127))),
        Wd1, bd1[None, :],
        jnp.pad(Wd2, ((0, 0), (1, 125))), jnp.pad(bd2[None, :], ((0, 0), (1, 125))),
    )
    return heads[:, 0:1], heads[:, 1:3]

# --- scband reference (transcript-rebuilt; emitter-appended) ---
"""Pipeline reference for scband-jet-tagger-72619307041455 (READ-ONLY COPY).

The authoritative reference and input builder live on the scoring server;
editing this copy changes nothing except your own understanding.
"""

import jax, jax.numpy as jnp
import numpy as np

N = 10000
E = 320000
D = 128
H = 128
G = 512


def setup_inputs(seed: int = 0) -> dict:
    key = jax.random.key(seed)
    ks = jax.random.split(key, 16)
    x = jax.random.normal(ks[0], (N, D), dtype=jnp.float32)
    edge_index = jax.random.randint(ks[1], (2, E), 0, N, dtype=jnp.int32)
    batch = jnp.sort(jax.random.randint(ks[2], (N,), 0, G, dtype=jnp.int32))
    def lin(k, fan_in, fan_out):
        s = 1.0 / np.sqrt(fan_in)
        return jax.random.uniform(k, (fan_in, fan_out), jnp.float32, -s, s)
    def bias(k, fan_in, fan_out):
        s = 1.0 / np.sqrt(fan_in)
        return jax.random.uniform(k, (fan_out,), jnp.float32, -s, s)
    return {
        'x': x, 'edge_index': edge_index, 'batch': batch,
        'W1': lin(ks[3], D, H), 'b1': bias(ks[4], D, H),
        'W2': lin(ks[5], H, H), 'b2': bias(ks[6], H, H),
        'Wl': lin(ks[7], H, 1), 'bl': bias(ks[8], H, 1),
        'Wd1': lin(ks[9], H, 64), 'bd1': bias(ks[10], H, 64),
        'Wd2': lin(ks[11], 64, 2), 'bd2': bias(ks[12], 64, 2),
    }


def gcn_conv(x, edge_index, W, b):
    src = edge_index[0]
    dst = edge_index[1]
    loop = jnp.arange(N, dtype=src.dtype)
    src = jnp.concatenate([src, loop])
    dst = jnp.concatenate([dst, loop])
    deg = jax.ops.segment_sum(jnp.ones_like(src, dtype=x.dtype), dst, num_segments=N)
    deg_inv_sqrt = jnp.where(deg > 0, jax.lax.rsqrt(jnp.maximum(deg, 1e-12)), 0.0)
    norm = deg_inv_sqrt[src] * deg_inv_sqrt[dst]
    h = x @ W
    msg = h[src] * norm[:, None]
    out = jax.ops.segment_sum(msg, dst, num_segments=N)
    return out + b


def global_mean_pool(h, batch):
    sums = jax.ops.segment_sum(h, batch, num_segments=G)
    cnt = jax.ops.segment_sum(jnp.ones((h.shape[0],), h.dtype), batch, num_segments=G)
    return sums / jnp.maximum(cnt, 1.0)[:, None]


def reference(x, edge_index, batch, W1, b1, W2, b2, Wl, bl, Wd1, bd1, Wd2, bd2):
    h = jax.nn.relu(gcn_conv(x, edge_index, W1, b1))
    h = jax.nn.relu(gcn_conv(h, edge_index, W2, b2))
    pooled = global_mean_pool(h, batch)
    label_output = jax.nn.sigmoid(pooled @ Wl + bl)
    # grad_reverse is identity in forward (alpha=1.0)
    d = jax.nn.relu(pooled @ Wd1 + bd1)
    domain_output = d @ Wd2 + bd2
    return (label_output, domain_output)

if __name__ == "__main__":
    import jax
    _d = setup_inputs()
    print(jax.jit(kernel)(*tuple(_d.values())))

</pallas_src>

<mosaic_0001>
#map = affine_map<(d0, d1) -> (0, 0)>
#map1 = affine_map<(d0, d1) -> (0)>
module attributes {stable_mosaic.version = 14 : i64} {
  func.func @_deg_full_body(%arg0: i32, %arg1: i32, %arg2: memref<2560x128xi32, #tpu.memory_space<hbm>>, %arg3: memref<10240xi32, #tpu.memory_space<hbm>>, %arg4: memref<20480xf32, #tpu.memory_space<hbm>>, %arg5: memref<1024xf32, #tpu.memory_space<hbm>>, %arg6: memref<10240xf32, #tpu.memory_space<vmem_shared>>, %arg7: memref<1024xf32, #tpu.memory_space<vmem_shared>>, %arg8: memref<40x128xi32, #tpu.memory_space<vmem>>, %arg9: memref<128xi32, #tpu.memory_space<vmem>>, %arg10: memref<128xi32, #tpu.memory_space<vmem>>, %arg11: memref<64xi32, #tpu.memory_space<vmem>>, %arg12: memref<128xf32, #tpu.memory_space<vmem>>, %arg13: memref<128xf32, #tpu.memory_space<vmem>>, %arg14: memref<640xf32, #tpu.memory_space<vmem>>, %arg15: memref<!tpu.dma_semaphore, #tpu.memory_space<semaphore_mem>>, %arg16: memref<!tpu.dma_semaphore, #tpu.memory_space<semaphore_mem>>) attributes {dimension_semantics = [#tpu.dimension_semantics<core_parallel>, #tpu.dimension_semantics<subcore_parallel>], iteration_bounds = array<i64: 2, 16>, scalar_prefetch = 0 : i64, scratch_operands = 11 : i64, tpu.core_type = #tpu.core_type<sc_vector_subcore>, window_params = [{transform_indices = #map}, {transform_indices = #map1}, {transform_indices = #map1}, {transform_indices = #map1}]} {
    %scan3A = arith.constant 0 : i32
    %scan3A_0 = arith.constant 0 : i32
    %scan3A_1 = arith.constant 8 : i32
    %scan3A_2 = arith.addi %scan3A_0, %scan3A_1 : i32
    %scan3A_3 = arith.constant 1 : i32
    %scan3A_4 = scf.for %scan3A_84 = %scan3A_0 to %scan3A_2 step %scan3A_3 iter_args(%scan3A_85 = %scan3A) -> (i32)  : i32 {
      %broadcast_in_dim3A = arith.constant 1.000000e+00 : f32
      %broadcast_in_dim3A_86 = vector.broadcast %broadcast_in_dim3A : f32 to vector<16xf32>
      %mul3A_87 = arith.constant 16 : i32
      %mul3A_88 = arith.muli %scan3A_84, %mul3A_87 : i32
      %swap3A = arith.index_cast %mul3A_88 : i32 to index
      %swap3A_89 = tpu.vector_load %arg12[%swap3A] {strides = array<i32>} : memref<128xf32, #tpu.memory_space<vmem>>, vector<16xf32>,
      %swap3A_90 = vector.shape_cast %swap3A_89 : vector<16xf32> to vector<16xf32>
      %swap3A_91 = vector.shape_cast %broadcast_in_dim3A_86 : vector<16xf32> to vector<16xf32>
      tpu.vector_store %arg12[%swap3A], %swap3A_91 {strides = array<i32>} : memref<128xf32, #tpu.memory_space<vmem>>, vector<16xf32>,
      %broadcast_in_dim3A_92 = arith.constant 5.000000e-01 : f32
      %broadcast_in_dim3A_93 = vector.broadcast %broadcast_in_dim3A_92 : f32 to vector<16xf32>
      %mul3A_94 = arith.constant 16 : i32
      %mul3A_95 = arith.muli %scan3A_84, %mul3A_94 : i32
      %swap3A_96 = arith.index_cast %mul3A_95 : i32 to index
      %swap3A_97 = tpu.vector_load %arg13[%swap3A_96] {strides = array<i32>} : memref<128xf32, #tpu.memory_space<vmem>>, vector<16xf32>,
      %swap3A_98 = vector.shape_cast %swap3A_97 : vector<16xf32> to vector<16xf32>
      %swap3A_99 = vector.shape_cast %broadcast_in_dim3A_93 : vector<16xf32> to vector<16xf32>
      tpu.vector_store %arg13[%swap3A_96], %swap3A_99 {strides = array<i32>} : memref<128xf32, #tpu.memory_space<vmem>>, vector<16xf32>,
      %broadcast_in_dim3A_100 = arith.constant 0.000000e+00 : f32
      %broadcast_in_dim3A_101 = vector.broadcast %broadcast_in_dim3A_100 : f32 to vector<16xf32>
      %mul3A_102 = arith.constant 16 : i32
      %mul3A_103 = arith.muli %scan3A_84, %mul3A_102 : i32
      %swap3A_104 = arith.index_cast %mul3A_103 : i32 to index
      %swap3A_105 = tpu.vector_load %arg14[%swap3A_104] {strides = array<i32>} : memref<640xf32, #tpu.memory_space<vmem>>, vector<16xf32>,
      %swap3A_106 = vector.shape_cast %swap3A_105 : vector<16xf32> to vector<16xf32>
      %swap3A_107 = vector.shape_cast %broadcast_in_dim3A_101 : vector<16xf32> to vector<16xf32>
      tpu.vector_store %arg14[%swap3A_104], %swap3A_107 {strides = array<i32>} : memref<640xf32, #tpu.memory_space<vmem>>, vector<16xf32>,
      %scan3A_108 = arith.constant 0 : i32
      scf.yield %scan3A_108 : i32
    }
    %scan3A_5 = arith.constant 8 : i32
    %mul3A = arith.constant 640 : i32
    %mul3A_6 = arith.muli %arg1, %mul3A : i32
    %add3A = arith.constant 0 : i32
    %add3A_7 = arith.addi %mul3A_6, %add3A : i32
    "tpu.region"() ({
      %run_scoped3A = tpu.sem_alloc : memref<!tpu.dma_semaphore, #tpu.memory_space<semaphore_mem>>
      %dma_start3A = tpu.memref_slice %arg6[%add3A_7] : memref<10240xf32, #tpu.memory_space<vmem_shared>> -> memref<128xf32, #tpu.memory_space<vmem_shared>>
      %dma_start3A_84 = tpu.memref_slice %arg6[%add3A_7] : memref<10240xf32, #tpu.memory_space<vmem_shared>> -> memref<128xf32, #tpu.memory_space<vmem_shared>>
      tpu.enqueue_dma source(%arg13 : memref<128xf32, #tpu.memory_space<vmem>>) target(%dma_start3A_84 : memref<128xf32, #tpu.memory_space<vmem_shared>>) target_semaphore(%run_scoped3A : memref<!tpu.dma_semaphore, #tpu.memory_space<semaphore_mem>>)
      %dma_wait3A_85 = tpu.memref_slice %arg6[%add3A_7] : memref<10240xf32, #tpu.memory_space<vmem_shared>> -> memref<128xf32, #tpu.memory_space<vmem_shared>>
      %dma_wait3A_86 = tpu.memref_slice %arg6[%add3A_7] : memref<10240xf32, #tpu.memory_space<vmem_shared>> -> memref<128xf32, #tpu.memory_space<vmem_shared>>
      tpu.wait_dma2 semaphore(%run_scoped3A : memref<!tpu.dma_semaphore, #tpu.memory_space<semaphore_mem>>) src(%arg13 : memref<128xf32, #tpu.memory_space<vmem>>) dst(%dma_wait3A_86 : memref<128xf32, #tpu.memory_space<vmem_shared>>)
      tpu.yield
    }) : () -> ()
    %add3A_8 = arith.constant 128 : i32
    %add3A_9 = arith.addi %mul3A_6, %add3A_8 : i32
    "tpu.region"() ({
      %run_scoped3A = tpu.sem_alloc : memref<!tpu.dma_semaphore, #tpu.memory_space<semaphore_mem>>
      %dma_start3A = tpu.memref_slice %arg6[%add3A_9] : memref<10240xf32, #tpu.memory_space<vmem_shared>> -> memref<128xf32, #tpu.memory_space<vmem_shared>>
      %dma_start3A_84 = tpu.memref_slice %arg6[%add3A_9] : memref<10240xf32, #tpu.memory_space<vmem_shared>> -> memref<128xf32, #tpu.memory_space<vmem_shared>>
      tpu.enqueue_dma source(%arg13 : memref<128xf32, #tpu.memory_space<vmem>>) target(%dma_start3A_84 : memref<128xf32, #tpu.memory_space<vmem_shared>>) target_semaphore(%run_scoped3A : memref<!tpu.dma_semaphore, #tpu.memory_space<semaphore_mem>>)
      %dma_wait3A_85 = tpu.memref_slice %arg6[%add3A_9] : memref<10240xf32, #tpu.memory_space<vmem_shared>> -> memref<128xf32, #tpu.memory_space<vmem_shared>>
      %dma_wait3A_86 = tpu.memref_slice %arg6[%add3A_9] : memref<10240xf32, #tpu.memory_space<vmem_shared>> -> memref<128xf32, #tpu.memory_space<vmem_shared>>
      tpu.wait_dma2 semaphore(%run_scoped3A : memref<!tpu.dma_semaphore, #tpu.memory_space<semaphore_mem>>) src(%arg13 : memref<128xf32, #tpu.memory_space<vmem>>) dst(%dma_wait3A_86 : memref<128xf32, #tpu.memory_space<vmem_shared>>)
      tpu.yield
    }) : () -> ()
    %add3A_10 = arith.constant 256 : i32
    %add3A_11 = arith.addi %mul3A_6, %add3A_10 : i32
    "tpu.region"() ({
      %run_scoped3A = tpu.sem_alloc : memref<!tpu.dma_semaphore, #tpu.memory_space<semaphore_mem>>
      %dma_start3A = tpu.memref_slice %arg6[%add3A_11] : memref<10240xf32, #tpu.memory_space<vmem_shared>> -> memref<128xf32, #tpu.memory_space<vmem_shared>>
      %dma_start3A_84 = tpu.memref_slice %arg6[%add3A_11] : memref<10240xf32, #tpu.memory_space<vmem_shared>> -> memref<128xf32, #tpu.memory_space<vmem_shared>>
      tpu.enqueue_dma source(%arg13 : memref<128xf32, #tpu.memory_space<vmem>>) target(%dma_start3A_84 : memref<128xf32, #tpu.memory_space<vmem_shared>>) target_semaphore(%run_scoped3A : memref<!tpu.dma_semaphore, #tpu.memory_space<semaphore_mem>>)
      %dma_wait3A_85 = tpu.memref_slice %arg6[%add3A_11] : memref<10240xf32, #tpu.memory_space<vmem_shared>> -> memref<128xf32, #tpu.memory_space<vmem_shared>>
      %dma_wait3A_86 = tpu.memref_slice %arg6[%add3A_11] : memref<10240xf32, #tpu.memory_space<vmem_shared>> -> memref<128xf32, #tpu.memory_space<vmem_shared>>
      tpu.wait_dma2 semaphore(%run_scoped3A : memref<!tpu.dma_semaphore, #tpu.memory_space<semaphore_mem>>) src(%arg13 : memref<128xf32, #tpu.memory_space<vmem>>) dst(%dma_wait3A_86 : memref<128xf32, #tpu.memory_space<vmem_shared>>)
      tpu.yield
    }) : () -> ()
    %add3A_12 = arith.constant 384 : i32
    %add3A_13 = arith.addi %mul3A_6, %add3A_12 : i32
    "tpu.region"() ({
      %run_scoped3A = tpu.sem_alloc : memref<!tpu.dma_semaphore, #tpu.memory_space<semaphore_mem>>
      %dma_start3A = tpu.memref_slice %arg6[%add3A_13] : memref<10240xf32, #tpu.memory_space<vmem_shared>> -> memref<128xf32, #tpu.memory_space<vmem_shared>>
      %dma_start3A_84 = tpu.memref_slice %arg6[%add3A_13] : memref<10240xf32, #tpu.memory_space<vmem_shared>> -> memref<128xf32, #tpu.memory_space<vmem_shared>>
      tpu.enqueue_dma source(%arg13 : memref<128xf32, #tpu.memory_space<vmem>>) target(%dma_start3A_84 : memref<128xf32, #tpu.memory_space<vmem_shared>>) target_semaphore(%run_scoped3A : memref<!tpu.dma_semaphore, #tpu.memory_space<semaphore_mem>>)
      %dma_wait3A_85 = tpu.memref_slice %arg6[%add3A_13] : memref<10240xf32, #tpu.memory_space<vmem_shared>> -> memref<128xf32, #tpu.memory_space<vmem_shared>>
      %dma_wait3A_86 = tpu.memref_slice %arg6[%add3A_13] : memref<10240xf32, #tpu.memory_space<vmem_shared>> -> memref<128xf32, #tpu.memory_space<vmem_shared>>
      tpu.wait_dma2 semaphore(%run_scoped3A : memref<!tpu.dma_semaphore, #tpu.memory_space<semaphore_mem>>) src(%arg13 : memref<128xf32, #tpu.memory_space<vmem>>) dst(%dma_wait3A_86 : memref<128xf32, #tpu.memory_space<vmem_shared>>)
      tpu.yield
    }) : () -> ()
    %add3A_14 = arith.constant 512 : i32
    %add3A_15 = arith.addi %mul3A_6, %add3A_14 : i32
    "tpu.region"() ({
      %run_scoped3A = tpu.sem_alloc : memref<!tpu.dma_semaphore, #tpu.memory_space<semaphore_mem>>
      %dma_start3A = tpu.memref_slice %arg6[%add3A_15] : memref<10240xf32, #tpu.memory_space<vmem_shared>> -> memref<128xf32, #tpu.memory_space<vmem_shared>>
      %dma_start3A_84 = tpu.memref_slice %arg6[%add3A_15] : memref<10240xf32, #tpu.memory_space<vmem_shared>> -> memref<128xf32, #tpu.memory_space<vmem_shared>>
      tpu.enqueue_dma source(%arg13 : memref<128xf32, #tpu.memory_space<vmem>>) target(%dma_start3A_84 : memref<128xf32, #tpu.memory_space<vmem_shared>>) target_semaphore(%run_scoped3A : memref<!tpu.dma_semaphore, #tpu.memory_space<semaphore_mem>>)
      %dma_wait3A_85 = tpu.memref_slice %arg6[%add3A_15] : memref<10240xf32, #tpu.memory_space<vmem_shared>> -> memref<128xf32, #tpu.memory_space<vmem_shared>>
      %dma_wait3A_86 = tpu.memref_slice %arg6[%add3A_15] : memref<10240xf32, #tpu.memory_space<vmem_shared>> -> memref<128xf32, #tpu.memory_space<vmem_shared>>
      tpu.wait_dma2 semaphore(%run_scoped3A : memref<!tpu.dma_semaphore, #tpu.memory_space<semaphore_mem>>) src(%arg13 : memref<128xf32, #tpu.memory_space<vmem>>) dst(%dma_wait3A_86 : memref<128xf32, #tpu.memory_space<vmem_shared>>)
      tpu.yield
    }) : () -> ()
    %mul3A_16 = arith.constant 64 : i32
    %mul3A_17 = arith.muli %arg1, %mul3A_16 : i32
    "tpu.region"() ({
      %run_scoped3A = tpu.sem_alloc : memref<!tpu.dma_semaphore, #tpu.memory_space<semaphore_mem>>
      %dma_start3A = arith.constant 0 : i32
      %dma_start3A_84 = tpu.memref_slice %arg14[%dma_start3A] : memref<640xf32, #tpu.memory_space<vmem>> -> memref<64xf32, #tpu.memory_space<vmem>>
      %dma_start3A_85 = tpu.memref_slice %arg7[%mul3A_17] : memref<1024xf32, #tpu.memory_space<vmem_shared>> -> memref<64xf32, #tpu.memory_space<vmem_shared>>
      %dma_start3A_86 = tpu.memref_slice %arg7[%mul3A_17] : memref<1024xf32, #tpu.memory_space<vmem_shared>> -> memref<64xf32, #tpu.memory_space<vmem_shared>>
      %dma_start3A_87 = arith.constant 0 : i32
      %dma_start3A_88 = tpu.memref_slice %arg14[%dma_start3A_87] : memref<640xf32, #tpu.memory_space<vmem>> -> memref<64xf32, #tpu.memory_space<vmem>>
      tpu.enqueue_dma source(%dma_start3A_88 : memref<64xf32, #tpu.memory_space<vmem>>) target(%dma_start3A_86 : memref<64xf32, #tpu.memory_space<vmem_shared>>) target_semaphore(%run_scoped3A : memref<!tpu.dma_semaphore, #tpu.memory_space<semaphore_mem>>)
      %dma_wait3A_89 = arith.constant 0 : i32
      %dma_wait3A_90 = tpu.memref_slice %arg14[%dma_wait3A_89] : memref<640xf32, #tpu.memory_space<vmem>> -> memref<64xf32, #tpu.memory_space<vmem>>
      %dma_wait3A_91 = tpu.memref_slice %arg7[%mul3A_17] : memref<1024xf32, #tpu.memory_space<vmem_shared>> -> memref<64xf32, #tpu.memory_space<vmem_shared>>
      %dma_wait3A_92 = tpu.memref_slice %arg7[%mul3A_17] : memref<1024xf32, #tpu.memory_space<vmem_shared>> -> memref<64xf32, #tpu.memory_space<vmem_shared>>
      %dma_wait3A_93 = arith.constant 0 : i32
      %dma_wait3A_94 = tpu.memref_slice %arg14[%dma_wait3A_93] : memref<640xf32, #tpu.memory_space<vmem>> -> memref<64xf32, #tpu.memory_space<vmem>>
      tpu.wait_dma2 semaphore(%run_scoped3A : memref<!tpu.dma_semaphore, #tpu.memory_space<semaphore_mem>>) src(%dma_wait3A_94 : memref<64xf32, #tpu.memory_space<vmem>>) dst(%dma_wait3A_92 : memref<64xf32, #tpu.memory_space<vmem_shared>>)
      tpu.yield
    }) : () -> ()
    %barrier3A = arith.constant 0 : index
    tpu.barrier barrier_id(%barrier3A)
    %mul3A_18 = arith.constant 16 : i32
    %mul3A_19 = arith.muli %arg0, %mul3A_18 : i32
    %add3A_20 = arith.addi %mul3A_19, %arg1 : i32
    %mul3A_21 = arith.constant 80 : i32
    %mul3A_22 = arith.muli %add3A_20, %mul3A_21 : i32
    %add3A_23 = arith.constant 0 : i32
    %add3A_24 = arith.addi %mul3A_22, %add3A_23 : i32
    "tpu.region"() ({
      %run_scoped3A = tpu.sem_alloc : memref<!tpu.dma_semaphore, #tpu.memory_space<semaphore_mem>>
      %dma_start3A = arith.constant 0 : i32
      %dma_start3A_84 = tpu.memref_slice %arg2[%add3A_24, %dma_start3A] : memref<2560x128xi32, #tpu.memory_space<hbm>> -> memref<40x128xi32, #tpu.memory_space<hbm>>
      %dma_start3A_85 = arith.constant 0 : i32
      %dma_start3A_86 = tpu.memref_slice %arg2[%add3A_24, %dma_start3A_85] : memref<2560x128xi32, #tpu.memory_space<hbm>> -> memref<40x128xi32, #tpu.memory_space<hbm>>
      tpu.enqueue_dma source(%dma_start3A_86 : memref<40x128xi32, #tpu.memory_space<hbm>>) target(%arg8 : memref<40x128xi32, #tpu.memory_space<vmem>>) target_semaphore(%run_scoped3A : memref<!tpu.dma_semaphore, #tpu.memory_space<semaphore_mem>>)
      %dma_wait3A_87 = arith.constant 0 : i32
      %dma_wait3A_88 = tpu.memref_slice %arg2[%add3A_24, %dma_wait3A_87] : memref<2560x128xi32, #tpu.memory_space<hbm>> -> memref<40x128xi32, #tpu.memory_space<hbm>>
      %dma_wait3A_89 = arith.constant 0 : i32
      %dma_wait3A_90 = tpu.memref_slice %arg2[%add3A_24, %dma_wait3A_89] : memref<2560x128xi32, #tpu.memory_space<hbm>> -> memref<40x128xi32, #tpu.memory_space<hbm>>
      tpu.wait_dma2 semaphore(%run_scoped3A : memref<!tpu.dma_semaphore, #tpu.memory_space<semaphore_mem>>) src(%dma_wait3A_90 : memref<40x128xi32, #tpu.memory_space<hbm>>) dst(%arg8 : memref<40x128xi32, #tpu.memory_space<vmem>>)
      tpu.yield
    }) : () -> ()
    %scan3A_25 = arith.constant 0 : i32
    %scan3A_26 = arith.constant 0 : i32
    %scan3A_27 = arith.constant 20 : i32
    %scan3A_28 = arith.addi %scan3A_26, %scan3A_27 : i32
    %scan3A_29 = arith.constant 1 : i32
    %scan3A_30 = scf.for %scan3A_84 = %scan3A_26 to %scan3A_28 step %scan3A_29 iter_args(%scan3A_85 = %scan3A_25) -> (i32)  : i32 {
      %gt3A = arith.constant 0 : i32
      %gt3A_86 = arith.cmpi sgt, %scan3A_84, %gt3A : i32
      %convert_element_type3A = arith.extui %gt3A_86 : i1 to i32
      %cond3A = arith.constant 0 : i32
      %cond3A_87 = arith.cmpi ne, %convert_element_type3A, %cond3A : i32
      scf.if %cond3A_87 {
        %dma_wait3A_111 = arith.constant 0 : i32
        %dma_wait3A_112 = arith.constant 0 : i32
        %dma_wait3A_113 = tpu.memref_slice %arg8[%dma_wait3A_111, %dma_wait3A_112] : memref<40x128xi32, #tpu.memory_space<vmem>> -> memref<1x128xi32, #tpu.memory_space<vmem>>
        %dma_wait3A_114 = tpu.memref_squeeze %dma_wait3A_113 : memref<1x128xi32, #tpu.memory_space<vmem>> -> memref<128xi32, #tpu.memory_space<vmem>>
        %dma_wait3A_115 = arith.constant 0 : i32
        %dma_wait3A_116 = tpu.memref_slice %arg6[%dma_wait3A_115] : memref<10240xf32, #tpu.memory_space<vmem_shared>> -> memref<10240xf32, #tpu.memory_space<vmem_shared>>
        tpu.wait_indirect_dma semaphore(%arg15 : memref<!tpu.dma_semaphore, #tpu.memory_space<semaphore_mem>>) src(%arg12 : memref<128xf32, #tpu.memory_space<vmem>>) dst(%dma_wait3A_116 : memref<10240xf32, #tpu.memory_space<vmem_shared>>)
      } else {
      }
      %mul3A_88 = arith.constant 2 : i32
      %mul3A_89 = arith.muli %mul3A_88, %scan3A_84 : i32
      %add3A_90 = arith.constant 0 : i32
      %add3A_91 = arith.addi %mul3A_89, %add3A_90 : i32
      %dma_start3A = arith.constant 0 : i32
      %dma_start3A_92 = tpu.memref_slice %arg8[%add3A_91, %dma_start3A] : memref<40x128xi32, #tpu.memory_space<vmem>> -> memref<1x128xi32, #tpu.memory_space<vmem>>
      %dma_start3A_93 = tpu.memref_squeeze %dma_start3A_92 : memref<1x128xi32, #tpu.memory_space<vmem>> -> memref<128xi32, #tpu.memory_space<vmem>>
      %dma_start3A_94 = arith.constant 0 : i32
      %dma_start3A_95 = tpu.memref_slice %arg6[%dma_start3A_94] : memref<10240xf32, #tpu.memory_space<vmem_shared>> -> memref<10240xf32, #tpu.memory_space<vmem_shared>>
      tpu.enqueue_indirect_dma source(%arg12 : memref<128xf32, #tpu.memory_space<vmem>>) target(%dma_start3A_95 : memref<10240xf32, #tpu.memory_space<vmem_shared>>) offsets(%dma_start3A_93 : memref<128xi32, #tpu.memory_space<vmem>>) semaphore(%arg15 : memref<!tpu.dma_semaphore, #tpu.memory_space<semaphore_mem>>) {add = true}
      %gt3A_96 = arith.constant 0 : i32
      %gt3A_97 = arith.cmpi sgt, %scan3A_84, %gt3A_96 : i32
      %convert_element_type3A_98 = arith.extui %gt3A_97 : i1 to i32
      %cond3A_99 = arith.constant 0 : i32
      %cond3A_100 = arith.cmpi ne, %convert_element_type3A_98, %cond3A_99 : i32
      scf.if %cond3A_100 {
        %dma_wait3A_111 = arith.constant 0 : i32
        %dma_wait3A_112 = arith.constant 0 : i32
        %dma_wait3A_113 = tpu.memref_slice %arg8[%dma_wait3A_111, %dma_wait3A_112] : memref<40x128xi32, #tpu.memory_space<vmem>> -> memref<1x128xi32, #tpu.memory_space<vmem>>
        %dma_wait3A_114 = tpu.memref_squeeze %dma_wait3A_113 : memref<1x128xi32, #tpu.memory_space<vmem>> -> memref<128xi32, #tpu.memory_space<vmem>>
        %dma_wait3A_115 = arith.constant 0 : i32
        %dma_wait3A_116 = tpu.memref_slice %arg6[%dma_wait3A_115] : memref<10240xf32, #tpu.memory_space<vmem_shared>> -> memref<10240xf32, #tpu.memory_space<vmem_shared>>
        tpu.wait_indirect_dma semaphore(%arg16 : memref<!tpu.dma_semaphore, #tpu.memory_space<semaphore_mem>>) src(%arg12 : memref<128xf32, #tpu.memory_space<vmem>>) dst(%dma_wait3A_116 : memref<10240xf32, #tpu.memory_space<vmem_shared>>)
      } else {
      }
      %mul3A_101 = arith.constant 2 : i32
      %mul3A_102 = arith.muli %mul3A_101, %scan3A_84 : i32
      %add3A_103 = arith.constant 1 : i32
      %add3A_104 = arith.addi %mul3A_102, %add3A_103 : i32
      %dma_start3A_105 = arith.constant 0 : i32
      %dma_start3A_106 = tpu.memref_slice %arg8[%add3A_104, %dma_start3A_105] : memref<40x128xi32, #tpu.memory_space<vmem>> -> memref<1x128xi32, #tpu.memory_space<vmem>>
      %dma_start3A_107 = tpu.memref_squeeze %dma_start3A_106 : memref<1x128xi32, #tpu.memory_space<vmem>> -> memref<128xi32, #tpu.memory_space<vmem>>
      %dma_start3A_108 = arith.constant 0 : i32
      %dma_start3A_109 = tpu.memref_slice %arg6[%dma_start3A_108] : memref<10240xf32, #tpu.memory_space<vmem_shared>> -> memref<10240xf32, #tpu.memory_space<vmem_shared>>
      tpu.enqueue_indirect_dma source(%arg12 : memref<128xf32, #tpu.memory_space<vmem>>) target(%dma_start3A_109 : memref<10240xf32, #tpu.memory_space<vmem_shared>>) offsets(%dma_start3A_107 : memref<128xi32, #tpu.memory_space<vmem>>) semaphore(%arg16 : memref<!tpu.dma_semaphore, #tpu.memory_space<semaphore_mem>>) {add = true}
      %scan3A_110 = arith.constant 0 : i32
      scf.yield %scan3A_110 : i32
    }
    %scan3A_31 = arith.constant 20 : i32
    %dma_wait3A = arith.constant 0 : i32
    %dma_wait3A_32 = arith.constant 0 : i32
    %dma_wait3A_33 = tpu.memref_slice %arg8[%dma_wait3A, %dma_wait3A_32] : memref<40x128xi32, #tpu.memory_space<vmem>> -> memref<1x128xi32, #tpu.memory_space<vmem>>
    %dma_wait3A_34 = tpu.memref_squeeze %dma_wait3A_33 : memref<1x128xi32, #tpu.memory_space<vmem>> -> memref<128xi32, #tpu.memory_space<vmem>>
    %dma_wait3A_35 = arith.constant 0 : i32
    %dma_wait3A_36 = tpu.memref_slice %arg6[%dma_wait3A_35] : memref<10240xf32, #tpu.memory_space<vmem_shared>> -> memref<10240xf32, #tpu.memory_space<vmem_shared>>
    tpu.wait_indirect_dma semaphore(%arg15 : memref<!tpu.dma_semaphore, #tpu.memory_space<semaphore_mem>>) src(%arg12 : memref<128xf32, #tpu.memory_space<vmem>>) dst(%dma_wait3A_36 : memref<10240xf32, #tpu.memory_space<vmem_shared>>)
    %dma_wait3A_37 = arith.constant 0 : i32
    %dma_wait3A_38 = arith.constant 0 : i32
    %dma_wait3A_39 = tpu.memref_slice %arg8[%dma_wait3A_37, %dma_wait3A_38] : memref<40x128xi32, #tpu.memory_space<vmem>> -> memref<1x128xi32, #tpu.memory_space<vmem>>
    %dma_wait3A_40 = tpu.memref_squeeze %dma_wait3A_39 : memref<1x128xi32, #tpu.memory_space<vmem>> -> memref<128xi32, #tpu.memory_space<vmem>>
    %dma_wait3A_41 = arith.constant 0 : i32
    %dma_wait3A_42 = tpu.memref_slice %arg6[%dma_wait3A_41] : memref<10240xf32, #tpu.memory_space<vmem_shared>> -> memref<10240xf32, #tpu.memory_space<vmem_shared>>
    tpu.wait_indirect_dma semaphore(%arg16 : memref<!tpu.dma_semaphore, #tpu.memory_space<semaphore_mem>>) src(%arg12 : memref<128xf32, #tpu.memory_space<vmem>>) dst(%dma_wait3A_42 : memref<10240xf32, #tpu.memory_space<vmem_shared>>)
    %add3A_43 = arith.constant 40 : i32
    %add3A_44 = arith.addi %mul3A_22, %add3A_43 : i32
    "tpu.region"() ({
      %run_scoped3A = tpu.sem_alloc : memref<!tpu.dma_semaphore, #tpu.memory_space<semaphore_mem>>
      %dma_start3A = arith.constant 0 : i32
      %dma_start3A_84 = tpu.memref_slice %arg2[%add3A_44, %dma_start3A] : memref<2560x128xi32, #tpu.memory_space<hbm>> -> memref<40x128xi32, #tpu.memory_space<hbm>>
      %dma_start3A_85 = arith.constant 0 : i32
      %dma_start3A_86 = tpu.memref_slice %arg2[%add3A_44, %dma_start3A_85] : memref<2560x128xi32, #tpu.memory_space<hbm>> -> memref<40x128xi32, #tpu.memory_space<hbm>>
      tpu.enqueue_dma source(%dma_start3A_86 : memref<40x128xi32, #tpu.memory_space<hbm>>) target(%arg8 : memref<40x128xi32, #tpu.memory_space<vmem>>) target_semaphore(%run_scoped3A : memref<!tpu.dma_semaphore, #tpu.memory_space<semaphore_mem>>)
      %dma_wait3A_87 = arith.constant 0 : i32
      %dma_wait3A_88 = tpu.memref_slice %arg2[%add3A_44, %dma_wait3A_87] : memref<2560x128xi32, #tpu.memory_space<hbm>> -> memref<40x128xi32, #tpu.memory_space<hbm>>
      %dma_wait3A_89 = arith.constant 0 : i32
      %dma_wait3A_90 = tpu.memref_slice %arg2[%add3A_44, %dma_wait3A_89] : memref<2560x128xi32, #tpu.memory_space<hbm>> -> memref<40x128xi32, #tpu.memory_space<hbm>>
      tpu.wait_dma2 semaphore(%run_scoped3A : memref<!tpu.dma_semaphore, #tpu.memory_space<semaphore_mem>>) src(%dma_wait3A_90 : memref<40x128xi32, #tpu.memory_space<hbm>>) dst(%arg8 : memref<40x128xi32, #tpu.memory_space<vmem>>)
      tpu.yield
    }) : () -> ()
    %scan3A_45 = arith.constant 0 : i32
    %scan3A_46 = arith.constant 0 : i32
    %scan3A_47 = arith.constant 20 : i32
    %scan3A_48 = arith.addi %scan3A_46, %scan3A_47 : i32
    %scan3A_49 = arith.constant 1 : i32
    %scan3A_50 = scf.for %scan3A_84 = %scan3A_46 to %scan3A_48 step %scan3A_49 iter_args(%scan3A_85 = %scan3A_45) -> (i32)  : i32 {
      %gt3A = arith.constant 0 : i32
      %gt3A_86 = arith.cmpi sgt, %scan3A_84, %gt3A : i32
      %convert_element_type3A = arith.extui %gt3A_86 : i1 to i32
      %cond3A = arith.constant 0 : i32
      %cond3A_87 = arith.cmpi ne, %convert_element_type3A, %cond3A : i32
      scf.if %cond3A_87 {
        %dma_wait3A_111 = arith.constant 0 : i32
        %dma_wait3A_112 = arith.constant 0 : i32
        %dma_wait3A_113 = tpu.memref_slice %arg8[%dma_wait3A_111, %dma_wait3A_112] : memref<40x128xi32, #tpu.memory_space<vmem>> -> memref<1x128xi32, #tpu.memory_space<vmem>>
        %dma_wait3A_114 = tpu.memref_squeeze %dma_wait3A_113 : memref<1x128xi32, #tpu.memory_space<vmem>> -> memref<128xi32, #tpu.memory_space<vmem>>
        %dma_wait3A_115 = arith.constant 0 : i32
        %dma_wait3A_116 = tpu.memref_slice %arg6[%dma_wait3A_115] : memref<10240xf32, #tpu.memory_space<vmem_shared>> -> memref<10240xf32, #tpu.memory_space<vmem_shared>>
        tpu.wait_indirect_dma semaphore(%arg15 : memref<!tpu.dma_semaphore, #tpu.memory_space<semaphore_mem>>) src(%arg12 : memref<128xf32, #tpu.memory_space<vmem>>) dst(%dma_wait3A_116 : memref<10240xf32, #tpu.memory_space<vmem_shared>>)
      } else {
      }
      %mul3A_88 = arith.constant 2 : i32
      %mul3A_89 = arith.muli %mul3A_88, %scan3A_84 : i32
      %add3A_90 = arith.constant 0 : i32
      %add3A_91 = arith.addi %mul3A_89, %add3A_90 : i32
      %dma_start3A = arith.constant 0 : i32
      %dma_start3A_92 = tpu.memref_slice %arg8[%add3A_91, %dma_start3A] : memref<40x128xi32, #tpu.memory_space<vmem>> -> memref<1x128xi32, #tpu.memory_space<vmem>>
      %dma_start3A_93 = tpu.memref_squeeze %dma_start3A_92 : memref<1x128xi32, #tpu.memory_space<vmem>> -> memref<128xi32, #tpu.memory_space<vmem>>
      %dma_start3A_94 = arith.constant 0 : i32
      %dma_start3A_95 = tpu.memref_slice %arg6[%dma_start3A_94] : memref<10240xf32, #tpu.memory_space<vmem_shared>> -> memref<10240xf32, #tpu.memory_space<vmem_shared>>
      tpu.enqueue_indirect_dma source(%arg12 : memref<128xf32, #tpu.memory_space<vmem>>) target(%dma_start3A_95 : memref<10240xf32, #tpu.memory_space<vmem_shared>>) offsets(%dma_start3A_93 : memref<128xi32, #tpu.memory_space<vmem>>) semaphore(%arg15 : memref<!tpu.dma_semaphore, #tpu.memory_space<semaphore_mem>>) {add = true}
      %gt3A_96 = arith.constant 0 : i32
      %gt3A_97 = arith.cmpi sgt, %scan3A_84, %gt3A_96 : i32
      %convert_element_type3A_98 = arith.extui %gt3A_97 : i1 to i32
      %cond3A_99 = arith.constant 0 : i32
      %cond3A_100 = arith.cmpi ne, %convert_element_type3A_98, %cond3A_99 : i32
      scf.if %cond3A_100 {
        %dma_wait3A_111 = arith.constant 0 : i32
        %dma_wait3A_112 = arith.constant 0 : i32
        %dma_wait3A_113 = tpu.memref_slice %arg8[%dma_wait3A_111, %dma_wait3A_112] : memref<40x128xi32, #tpu.memory_space<vmem>> -> memref<1x128xi32, #tpu.memory_space<vmem>>
        %dma_wait3A_114 = tpu.memref_squeeze %dma_wait3A_113 : memref<1x128xi32, #tpu.memory_space<vmem>> -> memref<128xi32, #tpu.memory_space<vmem>>
        %dma_wait3A_115 = arith.constant 0 : i32
        %dma_wait3A_116 = tpu.memref_slice %arg6[%dma_wait3A_115] : memref<10240xf32, #tpu.memory_space<vmem_shared>> -> memref<10240xf32, #tpu.memory_space<vmem_shared>>
        tpu.wait_indirect_dma semaphore(%arg16 : memref<!tpu.dma_semaphore, #tpu.memory_space<semaphore_mem>>) src(%arg12 : memref<128xf32, #tpu.memory_space<vmem>>) dst(%dma_wait3A_116 : memref<10240xf32, #tpu.memory_space<vmem_shared>>)
      } else {
      }
      %mul3A_101 = arith.constant 2 : i32
      %mul3A_102 = arith.muli %mul3A_101, %scan3A_84 : i32
      %add3A_103 = arith.constant 1 : i32
      %add3A_104 = arith.addi %mul3A_102, %add3A_103 : i32
      %dma_start3A_105 = arith.constant 0 : i32
      %dma_start3A_106 = tpu.memref_slice %arg8[%add3A_104, %dma_start3A_105] : memref<40x128xi32, #tpu.memory_space<vmem>> -> memref<1x128xi32, #tpu.memory_space<vmem>>
      %dma_start3A_107 = tpu.memref_squeeze %dma_start3A_106 : memref<1x128xi32, #tpu.memory_space<vmem>> -> memref<128xi32, #tpu.memory_space<vmem>>
      %dma_start3A_108 = arith.constant 0 : i32
      %dma_start3A_109 = tpu.memref_slice %arg6[%dma_start3A_108] : memref<10240xf32, #tpu.memory_space<vmem_shared>> -> memref<10240xf32, #tpu.memory_space<vmem_shared>>
      tpu.enqueue_indirect_dma source(%arg12 : memref<128xf32, #tpu.memory_space<vmem>>) target(%dma_start3A_109 : memref<10240xf32, #tpu.memory_space<vmem_shared>>) offsets(%dma_start3A_107 : memref<128xi32, #tpu.memory_space<vmem>>) semaphore(%arg16 : memref<!tpu.dma_semaphore, #tpu.memory_space<semaphore_mem>>) {add = true}
      %scan3A_110 = arith.constant 0 : i32
      scf.yield %scan3A_110 : i32
    }
    %scan3A_51 = arith.constant 20 : i32
    %dma_wait3A_52 = arith.constant 0 : i32
    %dma_wait3A_53 = arith.constant 0 : i32
    %dma_wait3A_54 = tpu.memref_slice %arg8[%dma_wait3A_52, %dma_wait3A_53] : memref<40x128xi32, #tpu.memory_space<vmem>> -> memref<1x128xi32, #tpu.memory_space<vmem>>
    %dma_wait3A_55 = tpu.memref_squeeze %dma_wait3A_54 : memref<1x128xi32, #tpu.memory_space<vmem>> -> memref<128xi32, #tpu.memory_space<vmem>>
    %dma_wait3A_56 = arith.constant 0 : i32
    %dma_wait3A_57 = tpu.memref_slice %arg6[%dma_wait3A_56] : memref<10240xf32, #tpu.memory_space<vmem_shared>> -> memref<10240xf32, #tpu.memory_space<vmem_shared>>
    tpu.wait_indirect_dma semaphore(%arg15 : memref<!tpu.dma_semaphore, #tpu.memory_space<semaphore_mem>>) src(%arg12 : memref<128xf32, #tpu.memory_space<vmem>>) dst(%dma_wait3A_57 : memref<10240xf32, #tpu.memory_space<vmem_shared>>)
    %dma_wait3A_58 = arith.constant 0 : i32
    %dma_wait3A_59 = arith.constant 0 : i32
    %dma_wait3A_60 = tpu.memref_slice %arg8[%dma_wait3A_58, %dma_wait3A_59] : memref<40x128xi32, #tpu.memory_space<vmem>> -> memref<1x128xi32, #tpu.memory_space<vmem>>
    %dma_wait3A_61 = tpu.memref_squeeze %dma_wait3A_60 : memref<1x128xi32, #tpu.memory_space<vmem>> -> memref<128xi32, #tpu.memory_space<vmem>>
    %dma_wait3A_62 = arith.constant 0 : i32
    %dma_wait3A_63 = tpu.memref_slice %arg6[%dma_wait3A_62] : memref<10240xf32, #tpu.memory_space<vmem_shared>> -> memref<10240xf32, #tpu.memory_space<vmem_shared>>
    tpu.wait_indirect_dma semaphore(%arg16 : memref<!tpu.dma_semaphore, #tpu.memory_space<semaphore_mem>>) src(%arg12 : memref<128xf32, #tpu.memory_space<vmem>>) dst(%dma_wait3A_63 : memref<10240xf32, #tpu.memory_space<vmem_shared>>)
    %mul3A_64 = arith.constant 5120 : i32
    %mul3A_65 = arith.muli %arg0, %mul3A_64 : i32
    %mul3A_66 = arith.constant 320 : i32
    %mul3A_67 = arith.muli %arg1, %mul3A_66 : i32
    %add3A_68 = arith.addi %mul3A_65, %mul3A_67 : i32
    "tpu.region"() ({
      %run_scoped3A = tpu.sem_alloc : memref<!tpu.dma_semaphore, #tpu.memory_space<semaphore_mem>>
      %dma_start3A = tpu.memref_slice %arg3[%add3A_68] : memref<10240xi32, #tpu.memory_space<hbm>> -> memref<128xi32, #tpu.memory_space<hbm>>
      %dma_start3A_84 = tpu.memref_slice %arg3[%add3A_68] : memref<10240xi32, #tpu.memory_space<hbm>> -> memref<128xi32, #tpu.memory_space<hbm>>
      tpu.enqueue_dma source(%dma_start3A_84 : memref<128xi32, #tpu.memory_space<hbm>>) target(%arg9 : memref<128xi32, #tpu.memory_space<vmem>>) target_semaphore(%run_scoped3A : memref<!tpu.dma_semaphore, #tpu.memory_space<semaphore_mem>>)
      %dma_wait3A_85 = tpu.memref_slice %arg3[%add3A_68] : memref<10240xi32, #tpu.memory_space<hbm>> -> memref<128xi32, #tpu.memory_space<hbm>>
      %dma_wait3A_86 = tpu.memref_slice %arg3[%add3A_68] : memref<10240xi32, #tpu.memory_space<hbm>> -> memref<128xi32, #tpu.memory_space<hbm>>
      tpu.wait_dma2 semaphore(%run_scoped3A : memref<!tpu.dma_semaphore, #tpu.memory_space<semaphore_mem>>) src(%dma_wait3A_86 : memref<128xi32, #tpu.memory_space<hbm>>) dst(%arg9 : memref<128xi32, #tpu.memory_space<vmem>>)
      tpu.yield
    }) : () -> ()
    "tpu.region"() ({
      %run_scoped3A = tpu.sem_alloc : memref<!tpu.dma_semaphore, #tpu.memory_space<semaphore_mem>>
      %dma_start3A = arith.constant 0 : i32
      %dma_start3A_84 = tpu.memref_slice %arg7[%dma_start3A] : memref<1024xf32, #tpu.memory_space<vmem_shared>> -> memref<1024xf32, #tpu.memory_space<vmem_shared>>
      tpu.enqueue_indirect_dma source(%arg12 : memref<128xf32, #tpu.memory_space<vmem>>) target(%dma_start3A_84 : memref<1024xf32, #tpu.memory_space<vmem_shared>>) offsets(%arg9 : memref<128xi32, #tpu.memory_space<vmem>>) semaphore(%run_scoped3A : memref<!tpu.dma_semaphore, #tpu.memory_space<semaphore_mem>>) {add = true}
      %dma_wait3A_85 = arith.constant 0 : i32
      %dma_wait3A_86 = tpu.memref_slice %arg7[%dma_wait3A_85] : memref<1024xf32, #tpu.memory_space<vmem_shared>> -> memref<1024xf32, #tpu.memory_space<vmem_shared>>
      tpu.wait_indirect_dma semaphore(%run_scoped3A : memref<!tpu.dma_semaphore, #tpu.memory_space<semaphore_mem>>) src(%arg12 : memref<128xf32, #tpu.memory_space<vmem>>) dst(%dma_wait3A_86 : memref<1024xf32, #tpu.memory_space<vmem_shared>>)
      tpu.yield
    }) : () -> ()
    %add3A_69 = arith.constant 128 : i32
    %add3A_70 = arith.addi %add3A_68, %add3A_69 : i32
    "tpu.region"() ({
      %run_scoped3A = tpu.sem_alloc : memref<!tpu.dma_semaphore, #tpu.memory_space<semaphore_mem>>
      %dma_start3A = tpu.memref_slice %arg3[%add3A_70] : memref<10240xi32, #tpu.memory_space<hbm>> -> memref<128xi32, #tpu.memory_space<hbm>>
      %dma_start3A_84 = tpu.memref_slice %arg3[%add3A_70] : memref<10240xi32, #tpu.memory_space<hbm>> -> memref<128xi32, #tpu.memory_space<hbm>>
      tpu.enqueue_dma source(%dma_start3A_84 : memref<128xi32, #tpu.memory_space<hbm>>) target(%arg10 : memref<128xi32, #tpu.memory_space<vmem>>) target_semaphore(%run_scoped3A : memref<!tpu.dma_semaphore, #tpu.memory_space<semaphore_mem>>)
      %dma_wait3A_85 = tpu.memref_slice %arg3[%add3A_70] : memref<10240xi32, #tpu.memory_space<hbm>> -> memref<128xi32, #tpu.memory_space<hbm>>
      %dma_wait3A_86 = tpu.memref_slice %arg3[%add3A_70] : memref<10240xi32, #tpu.memory_space<hbm>> -> memref<128xi32, #tpu.memory_space<hbm>>
      tpu.wait_dma2 semaphore(%run_scoped3A : memref<!tpu.dma_semaphore, #tpu.memory_space<semaphore_mem>>) src(%dma_wait3A_86 : memref<128xi32, #tpu.memory_space<hbm>>) dst(%arg10 : memref<128xi32, #tpu.memory_space<vmem>>)
      tpu.yield
    }) : () -> ()
    "tpu.region"() ({
      %run_scoped3A = tpu.sem_alloc : memref<!tpu.dma_semaphore, #tpu.memory_space<semaphore_mem>>
      %dma_start3A = arith.constant 0 : i32
      %dma_start3A_84 = tpu.memref_slice %arg7[%dma_start3A] : memref<1024xf32, #tpu.memory_space<vmem_shared>> -> memref<1024xf32, #tpu.memory_space<vmem_shared>>
      tpu.enqueue_indirect_dma source(%arg12 : memref<128xf32, #tpu.memory_space<vmem>>) target(%dma_start3A_84 : memref<1024xf32, #tpu.memory_space<vmem_shared>>) offsets(%arg10 : memref<128xi32, #tpu.memory_space<vmem>>) semaphore(%run_scoped3A : memref<!tpu.dma_semaphore, #tpu.memory_space<semaphore_mem>>) {add = true}
      %dma_wait3A_85 = arith.constant 0 : i32
      %dma_wait3A_86 = tpu.memref_slice %arg7[%dma_wait3A_85] : memref<1024xf32, #tpu.memory_space<vmem_shared>> -> memref<1024xf32, #tpu.memory_space<vmem_shared>>
      tpu.wait_indirect_dma semaphore(%run_scoped3A : memref<!tpu.dma_semaphore, #tpu.memory_space<semaphore_mem>>) src(%arg12 : memref<128xf32, #tpu.memory_space<vmem>>) dst(%dma_wait3A_86 : memref<1024xf32, #tpu.memory_space<vmem_shared>>)
      tpu.yield
    }) : () -> ()
    %add3A_71 = arith.constant 256 : i32
    %add3A_72 = arith.addi %add3A_68, %add3A_71 : i32
    "tpu.region"() ({
      %run_scoped3A = tpu.sem_alloc : memref<!tpu.dma_semaphore, #tpu.memory_space<semaphore_mem>>
      %dma_start3A = tpu.memref_slice %arg3[%add3A_72] : memref<10240xi32, #tpu.memory_space<hbm>> -> memref<64xi32, #tpu.memory_space<hbm>>
      %dma_start3A_84 = tpu.memref_slice %arg3[%add3A_72] : memref<10240xi32, #tpu.memory_space<hbm>> -> memref<64xi32, #tpu.memory_space<hbm>>
      tpu.enqueue_dma source(%dma_start3A_84 : memref<64xi32, #tpu.memory_space<hbm>>) target(%arg11 : memref<64xi32, #tpu.memory_space<vmem>>) target_semaphore(%run_scoped3A : memref<!tpu.dma_semaphore, #tpu.memory_space<semaphore_mem>>)
      %dma_wait3A_85 = tpu.memref_slice %arg3[%add3A_72] : memref<10240xi32, #tpu.memory_space<hbm>> -> memref<64xi32, #tpu.memory_space<hbm>>
      %dma_wait3A_86 = tpu.memref_slice %arg3[%add3A_72] : memref<10240xi32, #tpu.memory_space<hbm>> -> memref<64xi32, #tpu.memory_space<hbm>>
      tpu.wait_dma2 semaphore(%run_scoped3A : memref<!tpu.dma_semaphore, #tpu.memory_space<semaphore_mem>>) src(%dma_wait3A_86 : memref<64xi32, #tpu.memory_space<hbm>>) dst(%arg11 : memref<64xi32, #tpu.memory_space<vmem>>)
      tpu.yield
    }) : () -> ()
    "tpu.region"() ({
      %run_scoped3A = tpu.sem_alloc : memref<!tpu.dma_semaphore, #tpu.memory_space<semaphore_mem>>
      %dma_start3A = arith.constant 0 : i32
      %dma_start3A_84 = tpu.memref_slice %arg12[%dma_start3A] : memref<128xf32, #tpu.memory_space<vmem>> -> memref<64xf32, #tpu.memory_space<vmem>>
      %dma_start3A_85 = arith.constant 0 : i32
      %dma_start3A_86 = tpu.memref_slice %arg7[%dma_start3A_85] : memref<1024xf32, #tpu.memory_space<vmem_shared>> -> memref<1024xf32, #tpu.memory_space<vmem_shared>>
      tpu.enqueue_indirect_dma source(%dma_start3A_84 : memref<64xf32, #tpu.memory_space<vmem>>) target(%dma_start3A_86 : memref<1024xf32, #tpu.memory_space<vmem_shared>>) offsets(%arg11 : memref<64xi32, #tpu.memory_space<vmem>>) semaphore(%run_scoped3A : memref<!tpu.dma_semaphore, #tpu.memory_space<semaphore_mem>>) {add = true}
      %dma_wait3A_87 = arith.constant 0 : i32
      %dma_wait3A_88 = tpu.memref_slice %arg12[%dma_wait3A_87] : memref<128xf32, #tpu.memory_space<vmem>> -> memref<64xf32, #tpu.memory_space<vmem>>
      %dma_wait3A_89 = arith.constant 0 : i32
      %dma_wait3A_90 = tpu.memref_slice %arg7[%dma_wait3A_89] : memref<1024xf32, #tpu.memory_space<vmem_shared>> -> memref<1024xf32, #tpu.memory_space<vmem_shared>>
      tpu.wait_indirect_dma semaphore(%run_scoped3A : memref<!tpu.dma_semaphore, #tpu.memory_space<semaphore_mem>>) src(%dma_wait3A_88 : memref<64xf32, #tpu.memory_space<vmem>>) dst(%dma_wait3A_90 : memref<1024xf32, #tpu.memory_space<vmem_shared>>)
      tpu.yield
    }) : () -> ()
    %barrier3A_73 = arith.constant 0 : index
    tpu.barrier barrier_id(%barrier3A_73)
    "tpu.region"() ({
      %run_scoped3A = tpu.sem_alloc : memref<!tpu.dma_semaphore, #tpu.memory_space<semaphore_mem>>
      %dma_start3A = tpu.memref_slice %arg6[%mul3A_6] : memref<10240xf32, #tpu.memory_space<vmem_shared>> -> memref<640xf32, #tpu.memory_space<vmem_shared>>
      %dma_start3A_84 = tpu.memref_slice %arg6[%mul3A_6] : memref<10240xf32, #tpu.memory_space<vmem_shared>> -> memref<640xf32, #tpu.memory_space<vmem_shared>>
      tpu.enqueue_dma source(%dma_start3A_84 : memref<640xf32, #tpu.memory_space<vmem_shared>>) target(%arg14 : memref<640xf32, #tpu.memory_space<vmem>>) target_semaphore(%run_scoped3A : memref<!tpu.dma_semaphore, #tpu.memory_space<semaphore_mem>>)
      %dma_wait3A_85 = tpu.memref_slice %arg6[%mul3A_6] : memref<10240xf32, #tpu.memory_space<vmem_shared>> -> memref<640xf32, #tpu.memory_space<vmem_shared>>
      %dma_wait3A_86 = tpu.memref_slice %arg6[%mul3A_6] : memref<10240xf32, #tpu.memory_space<vmem_shared>> -> memref<640xf32, #tpu.memory_space<vmem_shared>>
      tpu.wait_dma2 semaphore(%run_scoped3A : memref<!tpu.dma_semaphore, #tpu.memory_space<semaphore_mem>>) src(%dma_wait3A_86 : memref<640xf32, #tpu.memory_space<vmem_shared>>) dst(%arg14 : memref<640xf32, #tpu.memory_space<vmem>>)
      tpu.yield
    }) : () -> ()
    %mul3A_74 = arith.constant 10240 : i32
    %mul3A_75 = arith.muli %arg0, %mul3A_74 : i32
    %add3A_76 = arith.addi %mul3A_75, %mul3A_6 : i32
    "tpu.region"() ({
      %run_scoped3A = tpu.sem_alloc : memref<!tpu.dma_semaphore, #tpu.memory_space<semaphore_mem>>
      %dma_start3A = tpu.memref_slice %arg4[%add3A_76] : memref<20480xf32, #tpu.memory_space<hbm>> -> memref<640xf32, #tpu.memory_space<hbm>>
      %dma_start3A_84 = tpu.memref_slice %arg4[%add3A_76] : memref<20480xf32, #tpu.memory_space<hbm>> -> memref<640xf32, #tpu.memory_space<hbm>>
      tpu.enqueue_dma source(%arg14 : memref<640xf32, #tpu.memory_space<vmem>>) target(%dma_start3A_84 : memref<640xf32, #tpu.memory_space<hbm>>) target_semaphore(%run_scoped3A : memref<!tpu.dma_semaphore, #tpu.memory_space<semaphore_mem>>)
      %dma_wait3A_85 = tpu.memref_slice %arg4[%add3A_76] : memref<20480xf32, #tpu.memory_space<hbm>> -> memref<640xf32, #tpu.memory_space<hbm>>
      %dma_wait3A_86 = tpu.memref_slice %arg4[%add3A_76] : memref<20480xf32, #tpu.memory_space<hbm>> -> memref<640xf32, #tpu.memory_space<hbm>>
      tpu.wait_dma2 semaphore(%run_scoped3A : memref<!tpu.dma_semaphore, #tpu.memory_space<semaphore_mem>>) src(%arg14 : memref<640xf32, #tpu.memory_space<vmem>>) dst(%dma_wait3A_86 : memref<640xf32, #tpu.memory_space<hbm>>)
      tpu.yield
    }) : () -> ()
    %mul3A_77 = arith.constant 32 : i32
    %mul3A_78 = arith.muli %arg1, %mul3A_77 : i32
    "tpu.region"() ({
      %run_scoped3A = tpu.sem_alloc : memref<!tpu.dma_semaphore, #tpu.memory_space<semaphore_mem>>
      %dma_start3A = arith.constant 0 : i32
      %dma_start3A_84 = tpu.memref_slice %arg14[%dma_start3A] : memref<640xf32, #tpu.memory_space<vmem>> -> memref<32xf32, #tpu.memory_space<vmem>>
      %dma_start3A_85 = tpu.memref_slice %arg7[%mul3A_78] : memref<1024xf32, #tpu.memory_space<vmem_shared>> -> memref<32xf32, #tpu.memory_space<vmem_shared>>
      %dma_start3A_86 = arith.constant 0 : i32
      %dma_start3A_87 = tpu.memref_slice %arg14[%dma_start3A_86] : memref<640xf32, #tpu.memory_space<vmem>> -> memref<32xf32, #tpu.memory_space<vmem>>
      %dma_start3A_88 = tpu.memref_slice %arg7[%mul3A_78] : memref<1024xf32, #tpu.memory_space<vmem_shared>> -> memref<32xf32, #tpu.memory_space<vmem_shared>>
      tpu.enqueue_dma source(%dma_start3A_88 : memref<32xf32, #tpu.memory_space<vmem_shared>>) target(%dma_start3A_87 : memref<32xf32, #tpu.memory_space<vmem>>) target_semaphore(%run_scoped3A : memref<!tpu.dma_semaphore, #tpu.memory_space<semaphore_mem>>)
      %dma_wait3A_89 = arith.constant 0 : i32
      %dma_wait3A_90 = tpu.memref_slice %arg14[%dma_wait3A_89] : memref<640xf32, #tpu.memory_space<vmem>> -> memref<32xf32, #tpu.memory_space<vmem>>
      %dma_wait3A_91 = tpu.memref_slice %arg7[%mul3A_78] : memref<1024xf32, #tpu.memory_space<vmem_shared>> -> memref<32xf32, #tpu.memory_space<vmem_shared>>
      %dma_wait3A_92 = arith.constant 0 : i32
      %dma_wait3A_93 = tpu.memref_slice %arg14[%dma_wait3A_92] : memref<640xf32, #tpu.memory_space<vmem>> -> memref<32xf32, #tpu.memory_space<vmem>>
      %dma_wait3A_94 = tpu.memref_slice %arg7[%mul3A_78] : memref<1024xf32, #tpu.memory_space<vmem_shared>> -> memref<32xf32, #tpu.memory_space<vmem_shared>>
      tpu.wait_dma2 semaphore(%run_scoped3A : memref<!tpu.dma_semaphore, #tpu.memory_space<semaphore_mem>>) src(%dma_wait3A_94 : memref<32xf32, #tpu.memory_space<vmem_shared>>) dst(%dma_wait3A_93 : memref<32xf32, #tpu.memory_space<vmem>>)
      tpu.yield
    }) : () -> ()
    %mul3A_79 = arith.constant 512 : i32
    %mul3A_80 = arith.muli %arg0, %mul3A_79 : i32
    %mul3A_81 = arith.constant 32 : i32
    %mul3A_82 = arith.muli %arg1, %mul3A_81 : i32
    %add3A_83 = arith.addi %mul3A_80, %mul3A_82 : i32
    "tpu.region"() ({
      %run_scoped3A = tpu.sem_alloc : memref<!tpu.dma_semaphore, #tpu.memory_space<semaphore_mem>>
      %dma_start3A = arith.constant 0 : i32
      %dma_start3A_84 = tpu.memref_slice %arg14[%dma_start3A] : memref<640xf32, #tpu.memory_space<vmem>> -> memref<32xf32, #tpu.memory_space<vmem>>
      %dma_start3A_85 = tpu.memref_slice %arg5[%add3A_83] : memref<1024xf32, #tpu.memory_space<hbm>> -> memref<32xf32, #tpu.memory_space<hbm>>
      %dma_start3A_86 = tpu.memref_slice %arg5[%add3A_83] : memref<1024xf32, #tpu.memory_space<hbm>> -> memref<32xf32, #tpu.memory_space<hbm>>
      %dma_start3A_87 = arith.constant 0 : i32
      %dma_start3A_88 = tpu.memref_slice %arg14[%dma_start3A_87] : memref<640xf32, #tpu.memory_space<vmem>> -> memref<32xf32, #tpu.memory_space<vmem>>
      tpu.enqueue_dma source(%dma_start3A_88 : memref<32xf32, #tpu.memory_space<vmem>>) target(%dma_start3A_86 : memref<32xf32, #tpu.memory_space<hbm>>) target_semaphore(%run_scoped3A : memref<!tpu.dma_semaphore, #tpu.memory_space<semaphore_mem>>)
      %dma_wait3A_89 = arith.constant 0 : i32
      %dma_wait3A_90 = tpu.memref_slice %arg14[%dma_wait3A_89] : memref<640xf32, #tpu.memory_space<vmem>> -> memref<32xf32, #tpu.memory_space<vmem>>
      %dma_wait3A_91 = tpu.memref_slice %arg5[%add3A_83] : memref<1024xf32, #tpu.memory_space<hbm>> -> memref<32xf32, #tpu.memory_space<hbm>>
      %dma_wait3A_92 = tpu.memref_slice %arg5[%add3A_83] : memref<1024xf32, #tpu.memory_space<hbm>> -> memref<32xf32, #tpu.memory_space<hbm>>
      %dma_wait3A_93 = arith.constant 0 : i32
      %dma_wait3A_94 = tpu.memref_slice %arg14[%dma_wait3A_93] : memref<640xf32, #tpu.memory_space<vmem>> -> memref<32xf32, #tpu.memory_space<vmem>>
      tpu.wait_dma2 semaphore(%run_scoped3A : memref<!tpu.dma_semaphore, #tpu.memory_space<semaphore_mem>>) src(%dma_wait3A_94 : memref<32xf32, #tpu.memory_space<vmem>>) dst(%dma_wait3A_92 : memref<32xf32, #tpu.memory_space<hbm>>)
      tpu.yield
    }) : () -> ()
    return
  }
}

#map = affine_map<(d0, d1) -> (0, 0)>
module attributes {stable_mosaic.version = 14 : i64} {
  func.func @_scatter_body(%arg0: i32, %arg1: i32, %arg2: memref<10240x128xf32, #tpu.memory_space<hbm>>, %arg3: memref<2560x128xi32, #tpu.memory_space<hbm>>, %arg4: memref<2560x128xi32, #tpu.memory_space<hbm>>, %arg5: memref<20480x128xf32, #tpu.memory_space<hbm>>, %arg6: memref<10112x128xf32, #tpu.memory_space<vmem_shared>>, %arg7: memref<40x128xi32, #tpu.memory_space<vmem>>, %arg8: memref<40x128xi32, #tpu.memory_space<vmem>>, %arg9: memref<128x128xf32, #tpu.memory_space<vmem>>, %arg10: memref<128x128xf32, #tpu.memory_space<vmem>>, %arg11: memref<!tpu.dma_semaphore, #tpu.memory_space<semaphore_mem>>, %arg12: memref<!tpu.dma_semaphore, #tpu.memory_space<semaphore_mem>>, %arg13: memref<!tpu.dma_semaphore, #tpu.memory_space<semaphore_mem>>, %arg14: memref<!tpu.dma_semaphore, #tpu.memory_space<semaphore_mem>>) attributes {dimension_semantics = [#tpu.dimension_semantics<core_parallel>, #tpu.dimension_semantics<subcore_parallel>], iteration_bounds = array<i64: 2, 16>, scalar_prefetch = 0 : i64, scratch_operands = 9 : i64, tpu.core_type = #tpu.core_type<sc_vector_subcore>, window_params = [{transform_indices = #map}, {transform_indices = #map}, {transform_indices = #map}, {transform_indices = #map}]} {
    %scan3A = arith.constant 0 : i32
    %scan3A_0 = arith.constant 0 : i32
    %scan3A_1 = arith.constant 128 : i32
    %scan3A_2 = arith.addi %scan3A_0, %scan3A_1 : i32
    %scan3A_3 = arith.constant 1 : i32
    %scan3A_4 = scf.for %scan3A_74 = %scan3A_0 to %scan3A_2 step %scan3A_3 iter_args(%scan3A_75 = %scan3A) -> (i32)  : i32 {
      %broadcast_in_dim3A = arith.constant 0.000000e+00 : f32
      %broadcast_in_dim3A_76 = vector.broadcast %broadcast_in_dim3A : f32 to vector<16xf32>
      %swap3A = arith.index_cast %scan3A_74 : i32 to index
      %swap3A_77 = arith.constant 0 : index
      %swap3A_78 = tpu.vector_load %arg9[%swap3A, %swap3A_77] {strides = array<i32>} : memref<128x128xf32, #tpu.memory_space<vmem>>, vector<1x16xf32>,
      %swap3A_79 = vector.shape_cast %swap3A_78 : vector<1x16xf32> to vector<16xf32>
      %swap3A_80 = vector.shape_cast %broadcast_in_dim3A_76 : vector<16xf32> to vector<1x16xf32>
      tpu.vector_store %arg9[%swap3A, %swap3A_77], %swap3A_80 {strides = array<i32>} : memref<128x128xf32, #tpu.memory_space<vmem>>, vector<1x16xf32>,
      %broadcast_in_dim3A_81 = arith.constant 0.000000e+00 : f32
      %broadcast_in_dim3A_82 = vector.broadcast %broadcast_in_dim3A_81 : f32 to vector<16xf32>
      %swap3A_83 = arith.index_cast %scan3A_74 : i32 to index
      %swap3A_84 = arith.constant 16 : index
      %swap3A_85 = tpu.vector_load %arg9[%swap3A_83, %swap3A_84] {strides = array<i32>} : memref<128x128xf32, #tpu.memory_space<vmem>>, vector<1x16xf32>,
      %swap3A_86 = vector.shape_cast %swap3A_85 : vector<1x16xf32> to vector<16xf32>
      %swap3A_87 = vector.shape_cast %broadcast_in_dim3A_82 : vector<16xf32> to vector<1x16xf32>
      tpu.vector_store %arg9[%swap3A_83, %swap3A_84], %swap3A_87 {strides = array<i32>} : memref<128x128xf32, #tpu.memory_space<vmem>>, vector<1x16xf32>,
      %broadcast_in_dim3A_88 = arith.constant 0.000000e+00 : f32
      %broadcast_in_dim3A_89 = vector.broadcast %broadcast_in_dim3A_88 : f32 to vector<16xf32>
      %swap3A_90 = arith.index_cast %scan3A_74 : i32 to index
      %swap3A_91 = arith.constant 32 : index
      %swap3A_92 = tpu.vector_load %arg9[%swap3A_90, %swap3A_91] {strides = array<i32>} : memref<128x128xf32, #tpu.memory_space<vmem>>, vector<1x16xf32>,
      %swap3A_93 = vector.shape_cast %swap3A_92 : vector<1x16xf32> to vector<16xf32>
      %swap3A_94 = vector.shape_cast %broadcast_in_dim3A_89 : vector<16xf32> to vector<1x16xf32>
      tpu.vector_store %arg9[%swap3A_90, %swap3A_91], %swap3A_94 {strides = array<i32>} : memref<128x128xf32, #tpu.memory_space<vmem>>, vector<1x16xf32>,
      %broadcast_in_dim3A_95 = arith.constant 0.000000e+00 : f32
      %broadcast_in_dim3A_96 = vector.broadcast %broadcast_in_dim3A_95 : f32 to vector<16xf32>
      %swap3A_97 = arith.index_cast %scan3A_74 : i32 to index
      %swap3A_98 = arith.constant 48 : index
      %swap3A_99 = tpu.vector_load %arg9[%swap3A_97, %swap3A_98] {strides = array<i32>} : memref<128x128xf32, #tpu.memory_space<vmem>>, vector<1x16xf32>,
      %swap3A_100 = vector.shape_cast %swap3A_99 : vector<1x16xf32> to vector<16xf32>
      %swap3A_101 = vector.shape_cast %broadcast_in_dim3A_96 : vector<16xf32> to vector<1x16xf32>
      tpu.vector_store %arg9[%swap3A_97, %swap3A_98], %swap3A_101 {strides = array<i32>} : memref<128x128xf32, #tpu.memory_space<vmem>>, vector<1x16xf32>,
      %broadcast_in_dim3A_102 = arith.constant 0.000000e+00 : f32
      %broadcast_in_dim3A_103 = vector.broadcast %broadcast_in_dim3A_102 : f32 to vector<16xf32>
      %swap3A_104 = arith.index_cast %scan3A_74 : i32 to index
      %swap3A_105 = arith.constant 64 : index
      %swap3A_106 = tpu.vector_load %arg9[%swap3A_104, %swap3A_105] {strides = array<i32>} : memref<128x128xf32, #tpu.memory_space<vmem>>, vector<1x16xf32>,
      %swap3A_107 = vector.shape_cast %swap3A_106 : vector<1x16xf32> to vector<16xf32>
      %swap3A_108 = vector.shape_cast %broadcast_in_dim3A_103 : vector<16xf32> to vector<1x16xf32>
      tpu.vector_store %arg9[%swap3A_104, %swap3A_105], %swap3A_108 {strides = array<i32>} : memref<128x128xf32, #tpu.memory_space<vmem>>, vector<1x16xf32>,
      %broadcast_in_dim3A_109 = arith.constant 0.000000e+00 : f32
      %broadcast_in_dim3A_110 = vector.broadcast %broadcast_in_dim3A_109 : f32 to vector<16xf32>
      %swap3A_111 = arith.index_cast %scan3A_74 : i32 to index
      %swap3A_112 = arith.constant 80 : index
      %swap3A_113 = tpu.vector_load %arg9[%swap3A_111, %swap3A_112] {strides = array<i32>} : memref<128x128xf32, #tpu.memory_space<vmem>>, vector<1x16xf32>,
      %swap3A_114 = vector.shape_cast %swap3A_113 : vector<1x16xf32> to vector<16xf32>
      %swap3A_115 = vector.shape_cast %broadcast_in_dim3A_110 : vector<16xf32> to vector<1x16xf32>
      tpu.vector_store %arg9[%swap3A_111, %swap3A_112], %swap3A_115 {strides = array<i32>} : memref<128x128xf32, #tpu.memory_space<vmem>>, vector<1x16xf32>,
      %broadcast_in_dim3A_116 = arith.constant 0.000000e+00 : f32
      %broadcast_in_dim3A_117 = vector.broadcast %broadcast_in_dim3A_116 : f32 to vector<16xf32>
      %swap3A_118 = arith.index_cast %scan3A_74 : i32 to index
      %swap3A_119 = arith.constant 96 : index
      %swap3A_120 = tpu.vector_load %arg9[%swap3A_118, %swap3A_119] {strides = array<i32>} : memref<128x128xf32, #tpu.memory_space<vmem>>, vector<1x16xf32>,
      %swap3A_121 = vector.shape_cast %swap3A_120 : vector<1x16xf32> to vector<16xf32>
      %swap3A_122 = vector.shape_cast %broadcast_in_dim3A_117 : vector<16xf32> to vector<1x16xf32>
      tpu.vector_store %arg9[%swap3A_118, %swap3A_119], %swap3A_122 {strides = array<i32>} : memref<128x128xf32, #tpu.memory_space<vmem>>, vector<1x16xf32>,
      %broadcast_in_dim3A_123 = arith.constant 0.000000e+00 : f32
      %broadcast_in_dim3A_124 = vector.broadcast %broadcast_in_dim3A_123 : f32 to vector<16xf32>
      %swap3A_125 = arith.index_cast %scan3A_74 : i32 to index
      %swap3A_126 = arith.constant 112 : index
      %swap3A_127 = tpu.vector_load %arg9[%swap3A_125, %swap3A_126] {strides = array<i32>} : memref<128x128xf32, #tpu.memory_space<vmem>>, vector<1x16xf32>,
      %swap3A_128 = vector.shape_cast %swap3A_127 : vector<1x16xf32> to vector<16xf32>
      %swap3A_129 = vector.shape_cast %broadcast_in_dim3A_124 : vector<16xf32> to vector<1x16xf32>
      tpu.vector_store %arg9[%swap3A_125, %swap3A_126], %swap3A_129 {strides = array<i32>} : memref<128x128xf32, #tpu.memory_space<vmem>>, vector<1x16xf32>,
      %scan3A_130 = arith.constant 0 : i32
      scf.yield %scan3A_130 : i32
    }
    %scan3A_5 = arith.constant 128 : i32
    %mul3A = arith.constant 632 : i32
    %mul3A_6 = arith.muli %arg1, %mul3A : i32
    %add3A = arith.constant 0 : i32
    %add3A_7 = arith.addi %mul3A_6, %add3A : i32
    "tpu.region"() ({
      %run_scoped3A = tpu.sem_alloc : memref<!tpu.dma_semaphore, #tpu.memory_space<semaphore_mem>>
      %dma_start3A = arith.constant 0 : i32
      %dma_start3A_74 = tpu.memref_slice %arg6[%add3A_7, %dma_start3A] : memref<10112x128xf32, #tpu.memory_space<vmem_shared>> -> memref<128x128xf32, #tpu.memory_space<vmem_shared>>
      %dma_start3A_75 = arith.constant 0 : i32
      %dma_start3A_76 = tpu.memref_slice %arg6[%add3A_7, %dma_start3A_75] : memref<10112x128xf32, #tpu.memory_space<vmem_shared>> -> memref<128x128xf32, #tpu.memory_space<vmem_shared>>
      tpu.enqueue_dma source(%arg9 : memref<128x128xf32, #tpu.memory_space<vmem>>) target(%dma_start3A_76 : memref<128x128xf32, #tpu.memory_space<vmem_shared>>) target_semaphore(%run_scoped3A : memref<!tpu.dma_semaphore, #tpu.memory_space<semaphore_mem>>)
      %dma_wait3A_77 = arith.constant 0 : i32
      %dma_wait3A_78 = tpu.memref_slice %arg6[%add3A_7, %dma_wait3A_77] : memref<10112x128xf32, #tpu.memory_space<vmem_shared>> -> memref<128x128xf32, #tpu.memory_space<vmem_shared>>
      %dma_wait3A_79 = arith.constant 0 : i32
      %dma_wait3A_80 = tpu.memref_slice %arg6[%add3A_7, %dma_wait3A_79] : memref<10112x128xf32, #tpu.memory_space<vmem_shared>> -> memref<128x128xf32, #tpu.memory_space<vmem_shared>>
      tpu.wait_dma2 semaphore(%run_scoped3A : memref<!tpu.dma_semaphore, #tpu.memory_space<semaphore_mem>>) src(%arg9 : memref<128x128xf32, #tpu.memory_space<vmem>>) dst(%dma_wait3A_80 : memref<128x128xf32, #tpu.memory_space<vmem_shared>>)
      tpu.yield
    }) : () -> ()
    %add3A_8 = arith.constant 128 : i32
    %add3A_9 = arith.addi %mul3A_6, %add3A_8 : i32
    "tpu.region"() ({
      %run_scoped3A = tpu.sem_alloc : memref<!tpu.dma_semaphore, #tpu.memory_space<semaphore_mem>>
      %dma_start3A = arith.constant 0 : i32
      %dma_start3A_74 = tpu.memref_slice %arg6[%add3A_9, %dma_start3A] : memref<10112x128xf32, #tpu.memory_space<vmem_shared>> -> memref<128x128xf32, #tpu.memory_space<vmem_shared>>
      %dma_start3A_75 = arith.constant 0 : i32
      %dma_start3A_76 = tpu.memref_slice %arg6[%add3A_9, %dma_start3A_75] : memref<10112x128xf32, #tpu.memory_space<vmem_shared>> -> memref<128x128xf32, #tpu.memory_space<vmem_shared>>
      tpu.enqueue_dma source(%arg9 : memref<128x128xf32, #tpu.memory_space<vmem>>) target(%dma_start3A_76 : memref<128x128xf32, #tpu.memory_space<vmem_shared>>) target_semaphore(%run_scoped3A : memref<!tpu.dma_semaphore, #tpu.memory_space<semaphore_mem>>)
      %dma_wait3A_77 = arith.constant 0 : i32
      %dma_wait3A_78 = tpu.memref_slice %arg6[%add3A_9, %dma_wait3A_77] : memref<10112x128xf32, #tpu.memory_space<vmem_shared>> -> memref<128x128xf32, #tpu.memory_space<vmem_shared>>
      %dma_wait3A_79 = arith.constant 0 : i32
      %dma_wait3A_80 = tpu.memref_slice %arg6[%add3A_9, %dma_wait3A_79] : memref<10112x128xf32, #tpu.memory_space<vmem_shared>> -> memref<128x128xf32, #tpu.memory_space<vmem_shared>>
      tpu.wait_dma2 semaphore(%run_scoped3A : memref<!tpu.dma_semaphore, #tpu.memory_space<semaphore_mem>>) src(%arg9 : memref<128x128xf32, #tpu.memory_space<vmem>>) dst(%dma_wait3A_80 : memref<128x128xf32, #tpu.memory_space<vmem_shared>>)
      tpu.yield
    }) : () -> ()
    %add3A_10 = arith.constant 256 : i32
    %add3A_11 = arith.addi %mul3A_6, %add3A_10 : i32
    "tpu.region"() ({
      %run_scoped3A = tpu.sem_alloc : memref<!tpu.dma_semaphore, #tpu.memory_space<semaphore_mem>>
      %dma_start3A = arith.constant 0 : i32
      %dma_start3A_74 = tpu.memref_slice %arg6[%add3A_11, %dma_start3A] : memref<10112x128xf32, #tpu.memory_space<vmem_shared>> -> memref<128x128xf32, #tpu.memory_space<vmem_shared>>
      %dma_start3A_75 = arith.constant 0 : i32
      %dma_start3A_76 = tpu.memref_slice %arg6[%add3A_11, %dma_start3A_75] : memref<10112x128xf32, #tpu.memory_space<vmem_shared>> -> memref<128x128xf32, #tpu.memory_space<vmem_shared>>
      tpu.enqueue_dma source(%arg9 : memref<128x128xf32, #tpu.memory_space<vmem>>) target(%dma_start3A_76 : memref<128x128xf32, #tpu.memory_space<vmem_shared>>) target_semaphore(%run_scoped3A : memref<!tpu.dma_semaphore, #tpu.memory_space<semaphore_mem>>)
      %dma_wait3A_77 = arith.constant 0 : i32
      %dma_wait3A_78 = tpu.memref_slice %arg6[%add3A_11, %dma_wait3A_77] : memref<10112x128xf32, #tpu.memory_space<vmem_shared>> -> memref<128x128xf32, #tpu.memory_space<vmem_shared>>
      %dma_wait3A_79 = arith.constant 0 : i32
      %dma_wait3A_80 = tpu.memref_slice %arg6[%add3A_11, %dma_wait3A_79] : memref<10112x128xf32, #tpu.memory_space<vmem_shared>> -> memref<128x128xf32, #tpu.memory_space<vmem_shared>>
      tpu.wait_dma2 semaphore(%run_scoped3A : memref<!tpu.dma_semaphore, #tpu.memory_space<semaphore_mem>>) src(%arg9 : memref<128x128xf32, #tpu.memory_space<vmem>>) dst(%dma_wait3A_80 : memref<128x128xf32, #tpu.memory_space<vmem_shared>>)
      tpu.yield
    }) : () -> ()
    %add3A_12 = arith.constant 384 : i32
    %add3A_13 = arith.addi %mul3A_6, %add3A_12 : i32
    "tpu.region"() ({
      %run_scoped3A = tpu.sem_alloc : memref<!tpu.dma_semaphore, #tpu.memory_space<semaphore_mem>>
      %dma_start3A = arith.constant 0 : i32
      %dma_start3A_74 = tpu.memref_slice %arg6[%add3A_13, %dma_start3A] : memref<10112x128xf32, #tpu.memory_space<vmem_shared>> -> memref<128x128xf32, #tpu.memory_space<vmem_shared>>
      %dma_start3A_75 = arith.constant 0 : i32
      %dma_start3A_76 = tpu.memref_slice %arg6[%add3A_13, %dma_start3A_75] : memref<10112x128xf32, #tpu.memory_space<vmem_shared>> -> memref<128x128xf32, #tpu.memory_space<vmem_shared>>
      tpu.enqueue_dma source(%arg9 : memref<128x128xf32, #tpu.memory_space<vmem>>) target(%dma_start3A_76 : memref<128x128xf32, #tpu.memory_space<vmem_shared>>) target_semaphore(%run_scoped3A : memref<!tpu.dma_semaphore, #tpu.memory_space<semaphore_mem>>)
      %dma_wait3A_77 = arith.constant 0 : i32
      %dma_wait3A_78 = tpu.memref_slice %arg6[%add3A_13, %dma_wait3A_77] : memref<10112x128xf32, #tpu.memory_space<vmem_shared>> -> memref<128x128xf32, #tpu.memory_space<vmem_shared>>
      %dma_wait3A_79 = arith.constant 0 : i32
      %dma_wait3A_80 = tpu.memref_slice %arg6[%add3A_13, %dma_wait3A_79] : memref<10112x128xf32, #tpu.memory_space<vmem_shared>> -> memref<128x128xf32, #tpu.memory_space<vmem_shared>>
      tpu.wait_dma2 semaphore(%run_scoped3A : memref<!tpu.dma_semaphore, #tpu.memory_space<semaphore_mem>>) src(%arg9 : memref<128x128xf32, #tpu.memory_space<vmem>>) dst(%dma_wait3A_80 : memref<128x128xf32, #tpu.memory_space<vmem_shared>>)
      tpu.yield
    }) : () -> ()
    %add3A_14 = arith.constant 512 : i32
    %add3A_15 = arith.addi %mul3A_6, %add3A_14 : i32
    "tpu.region"() ({
      %run_scoped3A = tpu.sem_alloc : memref<!tpu.dma_semaphore, #tpu.memory_space<semaphore_mem>>
      %dma_start3A = arith.constant 0 : i32
      %dma_start3A_74 = arith.constant 0 : i32
      %dma_start3A_75 = tpu.memref_slice %arg9[%dma_start3A, %dma_start3A_74] : memref<128x128xf32, #tpu.memory_space<vmem>> -> memref<120x128xf32, #tpu.memory_space<vmem>>
      %dma_start3A_76 = arith.constant 0 : i32
      %dma_start3A_77 = tpu.memref_slice %arg6[%add3A_15, %dma_start3A_76] : memref<10112x128xf32, #tpu.memory_space<vmem_shared>> -> memref<120x128xf32, #tpu.memory_space<vmem_shared>>
      %dma_start3A_78 = arith.constant 0 : i32
      %dma_start3A_79 = tpu.memref_slice %arg6[%add3A_15, %dma_start3A_78] : memref<10112x128xf32, #tpu.memory_space<vmem_shared>> -> memref<120x128xf32, #tpu.memory_space<vmem_shared>>
      %dma_start3A_80 = arith.constant 0 : i32
      %dma_start3A_81 = arith.constant 0 : i32
      %dma_start3A_82 = tpu.memref_slice %arg9[%dma_start3A_80, %dma_start3A_81] : memref<128x128xf32, #tpu.memory_space<vmem>> -> memref<120x128xf32, #tpu.memory_space<vmem>>
      tpu.enqueue_dma source(%dma_start3A_82 : memref<120x128xf32, #tpu.memory_space<vmem>>) target(%dma_start3A_79 : memref<120x128xf32, #tpu.memory_space<vmem_shared>>) target_semaphore(%run_scoped3A : memref<!tpu.dma_semaphore, #tpu.memory_space<semaphore_mem>>)
      %dma_wait3A_83 = arith.constant 0 : i32
      %dma_wait3A_84 = arith.constant 0 : i32
      %dma_wait3A_85 = tpu.memref_slice %arg9[%dma_wait3A_83, %dma_wait3A_84] : memref<128x128xf32, #tpu.memory_space<vmem>> -> memref<120x128xf32, #tpu.memory_space<vmem>>
      %dma_wait3A_86 = arith.constant 0 : i32
      %dma_wait3A_87 = tpu.memref_slice %arg6[%add3A_15, %dma_wait3A_86] : memref<10112x128xf32, #tpu.memory_space<vmem_shared>> -> memref<120x128xf32, #tpu.memory_space<vmem_shared>>
      %dma_wait3A_88 = arith.constant 0 : i32
      %dma_wait3A_89 = tpu.memref_slice %arg6[%add3A_15, %dma_wait3A_88] : memref<10112x128xf32, #tpu.memory_space<vmem_shared>> -> memref<120x128xf32, #tpu.memory_space<vmem_shared>>
      %dma_wait3A_90 = arith.constant 0 : i32
      %dma_wait3A_91 = arith.constant 0 : i32
      %dma_wait3A_92 = tpu.memref_slice %arg9[%dma_wait3A_90, %dma_wait3A_91] : memref<128x128xf32, #tpu.memory_space<vmem>> -> memref<120x128xf32, #tpu.memory_space<vmem>>
      tpu.wait_dma2 semaphore(%run_scoped3A : memref<!tpu.dma_semaphore, #tpu.memory_space<semaphore_mem>>) src(%dma_wait3A_92 : memref<120x128xf32, #tpu.memory_space<vmem>>) dst(%dma_wait3A_89 : memref<120x128xf32, #tpu.memory_space<vmem_shared>>)
      tpu.yield
    }) : () -> ()
    %barrier3A = arith.constant 0 : index
    tpu.barrier barrier_id(%barrier3A)
    %mul3A_16 = arith.constant 16 : i32
    %mul3A_17 = arith.muli %arg0, %mul3A_16 : i32
    %add3A_18 = arith.addi %mul3A_17, %arg1 : i32
    %mul3A_19 = arith.constant 80 : i32
    %mul3A_20 = arith.muli %add3A_18, %mul3A_19 : i32
    %add3A_21 = arith.constant 0 : i32
    %add3A_22 = arith.addi %mul3A_20, %add3A_21 : i32
    "tpu.region"() ({
      %run_scoped3A = tpu.sem_alloc : memref<!tpu.dma_semaphore, #tpu.memory_space<semaphore_mem>>
      %dma_start3A = arith.constant 0 : i32
      %dma_start3A_74 = tpu.memref_slice %arg3[%add3A_22, %dma_start3A] : memref<2560x128xi32, #tpu.memory_space<hbm>> -> memref<40x128xi32, #tpu.memory_space<hbm>>
      %dma_start3A_75 = arith.constant 0 : i32
      %dma_start3A_76 = tpu.memref_slice %arg3[%add3A_22, %dma_start3A_75] : memref<2560x128xi32, #tpu.memory_space<hbm>> -> memref<40x128xi32, #tpu.memory_space<hbm>>
      tpu.enqueue_dma source(%dma_start3A_76 : memref<40x128xi32, #tpu.memory_space<hbm>>) target(%arg7 : memref<40x128xi32, #tpu.memory_space<vmem>>) target_semaphore(%run_scoped3A : memref<!tpu.dma_semaphore, #tpu.memory_space<semaphore_mem>>)
      %dma_wait3A_77 = arith.constant 0 : i32
      %dma_wait3A_78 = tpu.memref_slice %arg3[%add3A_22, %dma_wait3A_77] : memref<2560x128xi32, #tpu.memory_space<hbm>> -> memref<40x128xi32, #tpu.memory_space<hbm>>
      %dma_wait3A_79 = arith.constant 0 : i32
      %dma_wait3A_80 = tpu.memref_slice %arg3[%add3A_22, %dma_wait3A_79] : memref<2560x128xi32, #tpu.memory_space<hbm>> -> memref<40x128xi32, #tpu.memory_space<hbm>>
      tpu.wait_dma2 semaphore(%run_scoped3A : memref<!tpu.dma_semaphore, #tpu.memory_space<semaphore_mem>>) src(%dma_wait3A_80 : memref<40x128xi32, #tpu.memory_space<hbm>>) dst(%arg7 : memref<40x128xi32, #tpu.memory_space<vmem>>)
      tpu.yield
    }) : () -> ()
    %add3A_23 = arith.constant 0 : i32
    %add3A_24 = arith.addi %mul3A_20, %add3A_23 : i32
    "tpu.region"() ({
      %run_scoped3A = tpu.sem_alloc : memref<!tpu.dma_semaphore, #tpu.memory_space<semaphore_mem>>
      %dma_start3A = arith.constant 0 : i32
      %dma_start3A_74 = tpu.memref_slice %arg4[%add3A_24, %dma_start3A] : memref<2560x128xi32, #tpu.memory_space<hbm>> -> memref<40x128xi32, #tpu.memory_space<hbm>>
      %dma_start3A_75 = arith.constant 0 : i32
      %dma_start3A_76 = tpu.memref_slice %arg4[%add3A_24, %dma_start3A_75] : memref<2560x128xi32, #tpu.memory_space<hbm>> -> memref<40x128xi32, #tpu.memory_space<hbm>>
      tpu.enqueue_dma source(%dma_start3A_76 : memref<40x128xi32, #tpu.memory_space<hbm>>) target(%arg8 : memref<40x128xi32, #tpu.memory_space<vmem>>) target_semaphore(%run_scoped3A : memref<!tpu.dma_semaphore, #tpu.memory_space<semaphore_mem>>)
      %dma_wait3A_77 = arith.constant 0 : i32
      %dma_wait3A_78 = tpu.memref_slice %arg4[%add3A_24, %dma_wait3A_77] : memref<2560x128xi32, #tpu.memory_space<hbm>> -> memref<40x128xi32, #tpu.memory_space<hbm>>
      %dma_wait3A_79 = arith.constant 0 : i32
      %dma_wait3A_80 = tpu.memref_slice %arg4[%add3A_24, %dma_wait3A_79] : memref<2560x128xi32, #tpu.memory_space<hbm>> -> memref<40x128xi32, #tpu.memory_space<hbm>>
      tpu.wait_dma2 semaphore(%run_scoped3A : memref<!tpu.dma_semaphore, #tpu.memory_space<semaphore_mem>>) src(%dma_wait3A_80 : memref<40x128xi32, #tpu.memory_space<hbm>>) dst(%arg8 : memref<40x128xi32, #tpu.memory_space<vmem>>)
      tpu.yield
    }) : () -> ()
    %scan3A_25 = arith.constant 0 : i32
    %scan3A_26 = arith.constant 0 : i32
    %scan3A_27 = arith.constant 20 : i32
    %scan3A_28 = arith.addi %scan3A_26, %scan3A_27 : i32
    %scan3A_29 = arith.constant 1 : i32
    %scan3A_30 = scf.for %scan3A_74 = %scan3A_26 to %scan3A_28 step %scan3A_29 iter_args(%scan3A_75 = %scan3A_25) -> (i32)  : i32 {
      %mul3A_76 = arith.constant 2 : i32
      %mul3A_77 = arith.muli %mul3A_76, %scan3A_74 : i32
      %add3A_78 = arith.constant 0 : i32
      %add3A_79 = arith.addi %mul3A_77, %add3A_78 : i32
      %gt3A = arith.constant 0 : i32
      %gt3A_80 = arith.cmpi sgt, %scan3A_74, %gt3A : i32
      %convert_element_type3A = arith.extui %gt3A_80 : i1 to i32
      %cond3A = arith.constant 0 : i32
      %cond3A_81 = arith.cmpi ne, %convert_element_type3A, %cond3A : i32
      scf.if %cond3A_81 {
        %dma_wait3A_135 = arith.constant 0 : i32
        %dma_wait3A_136 = arith.constant 0 : i32
        %dma_wait3A_137 = tpu.memref_slice %arg8[%dma_wait3A_135, %dma_wait3A_136] : memref<40x128xi32, #tpu.memory_space<vmem>> -> memref<1x128xi32, #tpu.memory_space<vmem>>
        %dma_wait3A_138 = tpu.memref_squeeze %dma_wait3A_137 : memref<1x128xi32, #tpu.memory_space<vmem>> -> memref<128xi32, #tpu.memory_space<vmem>>
        %dma_wait3A_139 = arith.constant 0 : i32
        %dma_wait3A_140 = arith.constant 0 : i32
        %dma_wait3A_141 = tpu.memref_slice %arg6[%dma_wait3A_139, %dma_wait3A_140] : memref<10112x128xf32, #tpu.memory_space<vmem_shared>> -> memref<10112x128xf32, #tpu.memory_space<vmem_shared>>
        tpu.wait_indirect_dma semaphore(%arg13 : memref<!tpu.dma_semaphore, #tpu.memory_space<semaphore_mem>>) src(%arg9 : memref<128x128xf32, #tpu.memory_space<vmem>>) dst(%dma_wait3A_141 : memref<10112x128xf32, #tpu.memory_space<vmem_shared>>)
      } else {
      }
      %dma_start3A = arith.constant 0 : i32
      %dma_start3A_82 = tpu.memref_slice %arg7[%add3A_79, %dma_start3A] : memref<40x128xi32, #tpu.memory_space<vmem>> -> memref<1x128xi32, #tpu.memory_space<vmem>>
      %dma_start3A_83 = tpu.memref_squeeze %dma_start3A_82 : memref<1x128xi32, #tpu.memory_space<vmem>> -> memref<128xi32, #tpu.memory_space<vmem>>
      %dma_start3A_84 = arith.constant 0 : i32
      %dma_start3A_85 = arith.constant 0 : i32
      %dma_start3A_86 = tpu.memref_slice %arg2[%dma_start3A_84, %dma_start3A_85] : memref<10240x128xf32, #tpu.memory_space<hbm>> -> memref<10240x128xf32, #tpu.memory_space<hbm>>
      tpu.enqueue_indirect_dma source(%dma_start3A_86 : memref<10240x128xf32, #tpu.memory_space<hbm>>) target(%arg9 : memref<128x128xf32, #tpu.memory_space<vmem>>) offsets(%dma_start3A_83 : memref<128xi32, #tpu.memory_space<vmem>>) semaphore(%arg11 : memref<!tpu.dma_semaphore, #tpu.memory_space<semaphore_mem>>)
      %mul3A_87 = arith.constant 2 : i32
      %mul3A_88 = arith.muli %mul3A_87, %scan3A_74 : i32
      %add3A_89 = arith.constant 1 : i32
      %add3A_90 = arith.addi %mul3A_88, %add3A_89 : i32
      %gt3A_91 = arith.constant 0 : i32
      %gt3A_92 = arith.cmpi sgt, %scan3A_74, %gt3A_91 : i32
      %convert_element_type3A_93 = arith.extui %gt3A_92 : i1 to i32
      %cond3A_94 = arith.constant 0 : i32
      %cond3A_95 = arith.cmpi ne, %convert_element_type3A_93, %cond3A_94 : i32
      scf.if %cond3A_95 {
        %dma_wait3A_135 = arith.constant 0 : i32
        %dma_wait3A_136 = arith.constant 0 : i32
        %dma_wait3A_137 = tpu.memref_slice %arg8[%dma_wait3A_135, %dma_wait3A_136] : memref<40x128xi32, #tpu.memory_space<vmem>> -> memref<1x128xi32, #tpu.memory_space<vmem>>
        %dma_wait3A_138 = tpu.memref_squeeze %dma_wait3A_137 : memref<1x128xi32, #tpu.memory_space<vmem>> -> memref<128xi32, #tpu.memory_space<vmem>>
        %dma_wait3A_139 = arith.constant 0 : i32
        %dma_wait3A_140 = arith.constant 0 : i32
        %dma_wait3A_141 = tpu.memref_slice %arg6[%dma_wait3A_139, %dma_wait3A_140] : memref<10112x128xf32, #tpu.memory_space<vmem_shared>> -> memref<10112x128xf32, #tpu.memory_space<vmem_shared>>
        tpu.wait_indirect_dma semaphore(%arg14 : memref<!tpu.dma_semaphore, #tpu.memory_space<semaphore_mem>>) src(%arg10 : memref<128x128xf32, #tpu.memory_space<vmem>>) dst(%dma_wait3A_141 : memref<10112x128xf32, #tpu.memory_space<vmem_shared>>)
      } else {
      }
      %dma_start3A_96 = arith.constant 0 : i32
      %dma_start3A_97 = tpu.memref_slice %arg7[%add3A_90, %dma_start3A_96] : memref<40x128xi32, #tpu.memory_space<vmem>> -> memref<1x128xi32, #tpu.memory_space<vmem>>
      %dma_start3A_98 = tpu.memref_squeeze %dma_start3A_97 : memref<1x128xi32, #tpu.memory_space<vmem>> -> memref<128xi32, #tpu.memory_space<vmem>>
      %dma_start3A_99 = arith.constant 0 : i32
      %dma_start3A_100 = arith.constant 0 : i32
      %dma_start3A_101 = tpu.memref_slice %arg2[%dma_start3A_99, %dma_start3A_100] : memref<10240x128xf32, #tpu.memory_space<hbm>> -> memref<10240x128xf32, #tpu.memory_space<hbm>>
      tpu.enqueue_indirect_dma source(%dma_start3A_101 : memref<10240x128xf32, #tpu.memory_space<hbm>>) target(%arg10 : memref<128x128xf32, #tpu.memory_space<vmem>>) offsets(%dma_start3A_98 : memref<128xi32, #tpu.memory_space<vmem>>) semaphore(%arg12 : memref<!tpu.dma_semaphore, #tpu.memory_space<semaphore_mem>>)
      %mul3A_102 = arith.constant 2 : i32
      %mul3A_103 = arith.muli %mul3A_102, %scan3A_74 : i32
      %add3A_104 = arith.constant 0 : i32
      %add3A_105 = arith.addi %mul3A_103, %add3A_104 : i32
      %dma_wait3A_106 = arith.constant 0 : i32
      %dma_wait3A_107 = tpu.memref_slice %arg7[%add3A_105, %dma_wait3A_106] : memref<40x128xi32, #tpu.memory_space<vmem>> -> memref<1x128xi32, #tpu.memory_space<vmem>>
      %dma_wait3A_108 = tpu.memref_squeeze %dma_wait3A_107 : memref<1x128xi32, #tpu.memory_space<vmem>> -> memref<128xi32, #tpu.memory_space<vmem>>
      %dma_wait3A_109 = arith.constant 0 : i32
      %dma_wait3A_110 = arith.constant 0 : i32
      %dma_wait3A_111 = tpu.memref_slice %arg2[%dma_wait3A_109, %dma_wait3A_110] : memref<10240x128xf32, #tpu.memory_space<hbm>> -> memref<10240x128xf32, #tpu.memory_space<hbm>>
      tpu.wait_indirect_dma semaphore(%arg11 : memref<!tpu.dma_semaphore, #tpu.memory_space<semaphore_mem>>) src(%dma_wait3A_111 : memref<10240x128xf32, #tpu.memory_space<hbm>>) dst(%arg9 : memref<128x128xf32, #tpu.memory_space<vmem>>)
      %dma_start3A_112 = arith.constant 0 : i32
      %dma_start3A_113 = tpu.memref_slice %arg8[%add3A_105, %dma_start3A_112] : memref<40x128xi32, #tpu.memory_space<vmem>> -> memref<1x128xi32, #tpu.memory_space<vmem>>
      %dma_start3A_114 = tpu.memref_squeeze %dma_start3A_113 : memref<1x128xi32, #tpu.memory_space<vmem>> -> memref<128xi32, #tpu.memory_space<vmem>>
      %dma_start3A_115 = arith.constant 0 : i32
      %dma_start3A_116 = arith.constant 0 : i32
      %dma_start3A_117 = tpu.memref_slice %arg6[%dma_start3A_115, %dma_start3A_116] : memref<10112x128xf32, #tpu.memory_space<vmem_shared>> -> memref<10112x128xf32, #tpu.memory_space<vmem_shared>>
      tpu.enqueue_indirect_dma source(%arg9 : memref<128x128xf32, #tpu.memory_space<vmem>>) target(%dma_start3A_117 : memref<10112x128xf32, #tpu.memory_space<vmem_shared>>) offsets(%dma_start3A_114 : memref<128xi32, #tpu.memory_space<vmem>>) semaphore(%arg13 : memref<!tpu.dma_semaphore, #tpu.memory_space<semaphore_mem>>) {add = true}
      %mul3A_118 = arith.constant 2 : i32
      %mul3A_119 = arith.muli %mul3A_118, %scan3A_74 : i32
      %add3A_120 = arith.constant 1 : i32
      %add3A_121 = arith.addi %mul3A_119, %add3A_120 : i32
      %dma_wait3A_122 = arith.constant 0 : i32
      %dma_wait3A_123 = tpu.memref_slice %arg7[%add3A_121, %dma_wait3A_122] : memref<40x128xi32, #tpu.memory_space<vmem>> -> memref<1x128xi32, #tpu.memory_space<vmem>>
      %dma_wait3A_124 = tpu.memref_squeeze %dma_wait3A_123 : memref<1x128xi32, #tpu.memory_space<vmem>> -> memref<128xi32, #tpu.memory_space<vmem>>
      %dma_wait3A_125 = arith.constant 0 : i32
      %dma_wait3A_126 = arith.constant 0 : i32
      %dma_wait3A_127 = tpu.memref_slice %arg2[%dma_wait3A_125, %dma_wait3A_126] : memref<10240x128xf32, #tpu.memory_space<hbm>> -> memref<10240x128xf32, #tpu.memory_space<hbm>>
      tpu.wait_indirect_dma semaphore(%arg12 : memref<!tpu.dma_semaphore, #tpu.memory_space<semaphore_mem>>) src(%dma_wait3A_127 : memref<10240x128xf32, #tpu.memory_space<hbm>>) dst(%arg10 : memref<128x128xf32, #tpu.memory_space<vmem>>)
      %dma_start3A_128 = arith.constant 0 : i32
      %dma_start3A_129 = tpu.memref_slice %arg8[%add3A_121, %dma_start3A_128] : memref<40x128xi32, #tpu.memory_space<vmem>> -> memref<1x128xi32, #tpu.memory_space<vmem>>
      %dma_start3A_130 = tpu.memref_squeeze %dma_start3A_129 : memref<1x128xi32, #tpu.memory_space<vmem>> -> memref<128xi32, #tpu.memory_space<vmem>>
      %dma_start3A_131 = arith.constant 0 : i32
      %dma_start3A_132 = arith.constant 0 : i32
      %dma_start3A_133 = tpu.memref_slice %arg6[%dma_start3A_131, %dma_start3A_132] : memref<10112x128xf32, #tpu.memory_space<vmem_shared>> -> memref<10112x128xf32, #tpu.memory_space<vmem_shared>>
      tpu.enqueue_indirect_dma source(%arg10 : memref<128x128xf32, #tpu.memory_space<vmem>>) target(%dma_start3A_133 : memref<10112x128xf32, #tpu.memory_space<vmem_shared>>) offsets(%dma_start3A_130 : memref<128xi32, #tpu.memory_space<vmem>>) semaphore(%arg14 : memref<!tpu.dma_semaphore, #tpu.memory_space<semaphore_mem>>) {add = true}
      %scan3A_134 = arith.constant 0 : i32
      scf.yield %scan3A_134 : i32
    }
    %scan3A_31 = arith.constant 20 : i32
    %dma_wait3A = arith.constant 0 : i32
    %dma_wait3A_32 = arith.constant 0 : i32
    %dma_wait3A_33 = tpu.memref_slice %arg8[%dma_wait3A, %dma_wait3A_32] : memref<40x128xi32, #tpu.memory_space<vmem>> -> memref<1x128xi32, #tpu.memory_space<vmem>>
    %dma_wait3A_34 = tpu.memref_squeeze %dma_wait3A_33 : memref<1x128xi32, #tpu.memory_space<vmem>> -> memref<128xi32, #tpu.memory_space<vmem>>
    %dma_wait3A_35 = arith.constant 0 : i32
    %dma_wait3A_36 = arith.constant 0 : i32
    %dma_wait3A_37 = tpu.memref_slice %arg6[%dma_wait3A_35, %dma_wait3A_36] : memref<10112x128xf32, #tpu.memory_space<vmem_shared>> -> memref<10112x128xf32, #tpu.memory_space<vmem_shared>>
    tpu.wait_indirect_dma semaphore(%arg13 : memref<!tpu.dma_semaphore, #tpu.memory_space<semaphore_mem>>) src(%arg9 : memref<128x128xf32, #tpu.memory_space<vmem>>) dst(%dma_wait3A_37 : memref<10112x128xf32, #tpu.memory_space<vmem_shared>>)
    %dma_wait3A_38 = arith.constant 0 : i32
    %dma_wait3A_39 = arith.constant 0 : i32
    %dma_wait3A_40 = tpu.memref_slice %arg8[%dma_wait3A_38, %dma_wait3A_39] : memref<40x128xi32, #tpu.memory_space<vmem>> -> memref<1x128xi32, #tpu.memory_space<vmem>>
    %dma_wait3A_41 = tpu.memref_squeeze %dma_wait3A_40 : memref<1x128xi32, #tpu.memory_space<vmem>> -> memref<128xi32, #tpu.memory_space<vmem>>
    %dma_wait3A_42 = arith.constant 0 : i32
    %dma_wait3A_43 = arith.constant 0 : i32
    %dma_wait3A_44 = tpu.memref_slice %arg6[%dma_wait3A_42, %dma_wait3A_43] : memref<10112x128xf32, #tpu.memory_space<vmem_shared>> -> memref<10112x128xf32, #tpu.memory_space<vmem_shared>>
    tpu.wait_indirect_dma semaphore(%arg14 : memref<!tpu.dma_semaphore, #tpu.memory_space<semaphore_mem>>) src(%arg10 : memref<128x128xf32, #tpu.memory_space<vmem>>) dst(%dma_wait3A_44 : memref<10112x128xf32, #tpu.memory_space<vmem_shared>>)
    %add3A_45 = arith.constant 40 : i32
    %add3A_46 = arith.addi %mul3A_20, %add3A_45 : i32
    "tpu.region"() ({
      %run_scoped3A = tpu.sem_alloc : memref<!tpu.dma_semaphore, #tpu.memory_space<semaphore_mem>>
      %dma_start3A = arith.constant 0 : i32
      %dma_start3A_74 = tpu.memref_slice %arg3[%add3A_46, %dma_start3A] : memref<2560x128xi32, #tpu.memory_space<hbm>> -> memref<40x128xi32, #tpu.memory_space<hbm>>
      %dma_start3A_75 = arith.constant 0 : i32
      %dma_start3A_76 = tpu.memref_slice %arg3[%add3A_46, %dma_start3A_75] : memref<2560x128xi32, #tpu.memory_space<hbm>> -> memref<40x128xi32, #tpu.memory_space<hbm>>
      tpu.enqueue_dma source(%dma_start3A_76 : memref<40x128xi32, #tpu.memory_space<hbm>>) target(%arg7 : memref<40x128xi32, #tpu.memory_space<vmem>>) target_semaphore(%run_scoped3A : memref<!tpu.dma_semaphore, #tpu.memory_space<semaphore_mem>>)
      %dma_wait3A_77 = arith.constant 0 : i32
      %dma_wait3A_78 = tpu.memref_slice %arg3[%add3A_46, %dma_wait3A_77] : memref<2560x128xi32, #tpu.memory_space<hbm>> -> memref<40x128xi32, #tpu.memory_space<hbm>>
      %dma_wait3A_79 = arith.constant 0 : i32
      %dma_wait3A_80 = tpu.memref_slice %arg3[%add3A_46, %dma_wait3A_79] : memref<2560x128xi32, #tpu.memory_space<hbm>> -> memref<40x128xi32, #tpu.memory_space<hbm>>
      tpu.wait_dma2 semaphore(%run_scoped3A : memref<!tpu.dma_semaphore, #tpu.memory_space<semaphore_mem>>) src(%dma_wait3A_80 : memref<40x128xi32, #tpu.memory_space<hbm>>) dst(%arg7 : memref<40x128xi32, #tpu.memory_space<vmem>>)
      tpu.yield
    }) : () -> ()
    %add3A_47 = arith.constant 40 : i32
    %add3A_48 = arith.addi %mul3A_20, %add3A_47 : i32
    "tpu.region"() ({
      %run_scoped3A = tpu.sem_alloc : memref<!tpu.dma_semaphore, #tpu.memory_space<semaphore_mem>>
      %dma_start3A = arith.constant 0 : i32
      %dma_start3A_74 = tpu.memref_slice %arg4[%add3A_48, %dma_start3A] : memref<2560x128xi32, #tpu.memory_space<hbm>> -> memref<40x128xi32, #tpu.memory_space<hbm>>
      %dma_start3A_75 = arith.constant 0 : i32
      %dma_start3A_76 = tpu.memref_slice %arg4[%add3A_48, %dma_start3A_75] : memref<2560x128xi32, #tpu.memory_space<hbm>> -> memref<40x128xi32, #tpu.memory_space<hbm>>
      tpu.enqueue_dma source(%dma_start3A_76 : memref<40x128xi32, #tpu.memory_space<hbm>>) target(%arg8 : memref<40x128xi32, #tpu.memory_space<vmem>>) target_semaphore(%run_scoped3A : memref<!tpu.dma_semaphore, #tpu.memory_space<semaphore_mem>>)
      %dma_wait3A_77 = arith.constant 0 : i32
      %dma_wait3A_78 = tpu.memref_slice %arg4[%add3A_48, %dma_wait3A_77] : memref<2560x128xi32, #tpu.memory_space<hbm>> -> memref<40x128xi32, #tpu.memory_space<hbm>>
      %dma_wait3A_79 = arith.constant 0 : i32
      %dma_wait3A_80 = tpu.memref_slice %arg4[%add3A_48, %dma_wait3A_79] : memref<2560x128xi32, #tpu.memory_space<hbm>> -> memref<40x128xi32, #tpu.memory_space<hbm>>
      tpu.wait_dma2 semaphore(%run_scoped3A : memref<!tpu.dma_semaphore, #tpu.memory_space<semaphore_mem>>) src(%dma_wait3A_80 : memref<40x128xi32, #tpu.memory_space<hbm>>) dst(%arg8 : memref<40x128xi32, #tpu.memory_space<vmem>>)
      tpu.yield
    }) : () -> ()
    %scan3A_49 = arith.constant 0 : i32
    %scan3A_50 = arith.constant 0 : i32
    %scan3A_51 = arith.constant 20 : i32
    %scan3A_52 = arith.addi %scan3A_50, %scan3A_51 : i32
    %scan3A_53 = arith.constant 1 : i32
    %scan3A_54 = scf.for %scan3A_74 = %scan3A_50 to %scan3A_52 step %scan3A_53 iter_args(%scan3A_75 = %scan3A_49) -> (i32)  : i32 {
      %mul3A_76 = arith.constant 2 : i32
      %mul3A_77 = arith.muli %mul3A_76, %scan3A_74 : i32
      %add3A_78 = arith.constant 0 : i32
      %add3A_79 = arith.addi %mul3A_77, %add3A_78 : i32
      %gt3A = arith.constant 0 : i32
      %gt3A_80 = arith.cmpi sgt, %scan3A_74, %gt3A : i32
      %convert_element_type3A = arith.extui %gt3A_80 : i1 to i32
      %cond3A = arith.constant 0 : i32
      %cond3A_81 = arith.cmpi ne, %convert_element_type3A, %cond3A : i32
      scf.if %cond3A_81 {
        %dma_wait3A_135 = arith.constant 0 : i32
        %dma_wait3A_136 = arith.constant 0 : i32
        %dma_wait3A_137 = tpu.memref_slice %arg8[%dma_wait3A_135, %dma_wait3A_136] : memref<40x128xi32, #tpu.memory_space<vmem>> -> memref<1x128xi32, #tpu.memory_space<vmem>>
        %dma_wait3A_138 = tpu.memref_squeeze %dma_wait3A_137 : memref<1x128xi32, #tpu.memory_space<vmem>> -> memref<128xi32, #tpu.memory_space<vmem>>
        %dma_wait3A_139 = arith.constant 0 : i32
        %dma_wait3A_140 = arith.constant 0 : i32
        %dma_wait3A_141 = tpu.memref_slice %arg6[%dma_wait3A_139, %dma_wait3A_140] : memref<10112x128xf32, #tpu.memory_space<vmem_shared>> -> memref<10112x128xf32, #tpu.memory_space<vmem_shared>>
        tpu.wait_indirect_dma semaphore(%arg13 : memref<!tpu.dma_semaphore, #tpu.memory_space<semaphore_mem>>) src(%arg9 : memref<128x128xf32, #tpu.memory_space<vmem>>) dst(%dma_wait3A_141 : memref<10112x128xf32, #tpu.memory_space<vmem_shared>>)
      } else {
      }
      %dma_start3A = arith.constant 0 : i32
      %dma_start3A_82 = tpu.memref_slice %arg7[%add3A_79, %dma_start3A] : memref<40x128xi32, #tpu.memory_space<vmem>> -> memref<1x128xi32, #tpu.memory_space<vmem>>
      %dma_start3A_83 = tpu.memref_squeeze %dma_start3A_82 : memref<1x128xi32, #tpu.memory_space<vmem>> -> memref<128xi32, #tpu.memory_space<vmem>>
      %dma_start3A_84 = arith.constant 0 : i32
      %dma_start3A_85 = arith.constant 0 : i32
      %dma_start3A_86 = tpu.memref_slice %arg2[%dma_start3A_84, %dma_start3A_85] : memref<10240x128xf32, #tpu.memory_space<hbm>> -> memref<10240x128xf32, #tpu.memory_space<hbm>>
      tpu.enqueue_indirect_dma source(%dma_start3A_86 : memref<10240x128xf32, #tpu.memory_space<hbm>>) target(%arg9 : memref<128x128xf32, #tpu.memory_space<vmem>>) offsets(%dma_start3A_83 : memref<128xi32, #tpu.memory_space<vmem>>) semaphore(%arg11 : memref<!tpu.dma_semaphore, #tpu.memory_space<semaphore_mem>>)
      %mul3A_87 = arith.constant 2 : i32
      %mul3A_88 = arith.muli %mul3A_87, %scan3A_74 : i32
      %add3A_89 = arith.constant 1 : i32
      %add3A_90 = arith.addi %mul3A_88, %add3A_89 : i32
      %gt3A_91 = arith.constant 0 : i32
      %gt3A_92 = arith.cmpi sgt, %scan3A_74, %gt3A_91 : i32
      %convert_element_type3A_93 = arith.extui %gt3A_92 : i1 to i32
      %cond3A_94 = arith.constant 0 : i32
      %cond3A_95 = arith.cmpi ne, %convert_element_type3A_93, %cond3A_94 : i32
      scf.if %cond3A_95 {
        %dma_wait3A_135 = arith.constant 0 : i32
        %dma_wait3A_136 = arith.constant 0 : i32
        %dma_wait3A_137 = tpu.memref_slice %arg8[%dma_wait3A_135, %dma_wait3A_136] : memref<40x128xi32, #tpu.memory_space<vmem>> -> memref<1x128xi32, #tpu.memory_space<vmem>>
        %dma_wait3A_138 = tpu.memref_squeeze %dma_wait3A_137 : memref<1x128xi32, #tpu.memory_space<vmem>> -> memref<128xi32, #tpu.memory_space<vmem>>
        %dma_wait3A_139 = arith.constant 0 : i32
        %dma_wait3A_140 = arith.constant 0 : i32
        %dma_wait3A_141 = tpu.memref_slice %arg6[%dma_wait3A_139, %dma_wait3A_140] : memref<10112x128xf32, #tpu.memory_space<vmem_shared>> -> memref<10112x128xf32, #tpu.memory_space<vmem_shared>>
        tpu.wait_indirect_dma semaphore(%arg14 : memref<!tpu.dma_semaphore, #tpu.memory_space<semaphore_mem>>) src(%arg10 : memref<128x128xf32, #tpu.memory_space<vmem>>) dst(%dma_wait3A_141 : memref<10112x128xf32, #tpu.memory_space<vmem_shared>>)
      } else {
      }
      %dma_start3A_96 = arith.constant 0 : i32
      %dma_start3A_97 = tpu.memref_slice %arg7[%add3A_90, %dma_start3A_96] : memref<40x128xi32, #tpu.memory_space<vmem>> -> memref<1x128xi32, #tpu.memory_space<vmem>>
      %dma_start3A_98 = tpu.memref_squeeze %dma_start3A_97 : memref<1x128xi32, #tpu.memory_space<vmem>> -> memref<128xi32, #tpu.memory_space<vmem>>
      %dma_start3A_99 = arith.constant 0 : i32
      %dma_start3A_100 = arith.constant 0 : i32
      %dma_start3A_101 = tpu.memref_slice %arg2[%dma_start3A_99, %dma_start3A_100] : memref<10240x128xf32, #tpu.memory_space<hbm>> -> memref<10240x128xf32, #tpu.memory_space<hbm>>
      tpu.enqueue_indirect_dma source(%dma_start3A_101 : memref<10240x128xf32, #tpu.memory_space<hbm>>) target(%arg10 : memref<128x128xf32, #tpu.memory_space<vmem>>) offsets(%dma_start3A_98 : memref<128xi32, #tpu.memory_space<vmem>>) semaphore(%arg12 : memref<!tpu.dma_semaphore, #tpu.memory_space<semaphore_mem>>)
      %mul3A_102 = arith.constant 2 : i32
      %mul3A_103 = arith.muli %mul3A_102, %scan3A_74 : i32
      %add3A_104 = arith.constant 0 : i32
      %add3A_105 = arith.addi %mul3A_103, %add3A_104 : i32
      %dma_wait3A_106 = arith.constant 0 : i32
      %dma_wait3A_107 = tpu.memref_slice %arg7[%add3A_105, %dma_wait3A_106] : memref<40x128xi32, #tpu.memory_space<vmem>> -> memref<1x128xi32, #tpu.memory_space<vmem>>
      %dma_wait3A_108 = tpu.memref_squeeze %dma_wait3A_107 : memref<1x128xi32, #tpu.memory_space<vmem>> -> memref<128xi32, #tpu.memory_space<vmem>>
      %dma_wait3A_109 = arith.constant 0 : i32
      %dma_wait3A_110 = arith.constant 0 : i32
      %dma_wait3A_111 = tpu.memref_slice %arg2[%dma_wait3A_109, %dma_wait3A_110] : memref<10240x128xf32, #tpu.memory_space<hbm>> -> memref<10240x128xf32, #tpu.memory_space<hbm>>
      tpu.wait_indirect_dma semaphore(%arg11 : memref<!tpu.dma_semaphore, #tpu.memory_space<semaphore_mem>>) src(%dma_wait3A_111 : memref<10240x128xf32, #tpu.memory_space<hbm>>) dst(%arg9 : memref<128x128xf32, #tpu.memory_space<vmem>>)
      %dma_start3A_112 = arith.constant 0 : i32
      %dma_start3A_113 = tpu.memref_slice %arg8[%add3A_105, %dma_start3A_112] : memref<40x128xi32, #tpu.memory_space<vmem>> -> memref<1x128xi32, #tpu.memory_space<vmem>>
      %dma_start3A_114 = tpu.memref_squeeze %dma_start3A_113 : memref<1x128xi32, #tpu.memory_space<vmem>> -> memref<128xi32, #tpu.memory_space<vmem>>
      %dma_start3A_115 = arith.constant 0 : i32
      %dma_start3A_116 = arith.constant 0 : i32
      %dma_start3A_117 = tpu.memref_slice %arg6[%dma_start3A_115, %dma_start3A_116] : memref<10112x128xf32, #tpu.memory_space<vmem_shared>> -> memref<10112x128xf32, #tpu.memory_space<vmem_shared>>
      tpu.enqueue_indirect_dma source(%arg9 : memref<128x128xf32, #tpu.memory_space<vmem>>) target(%dma_start3A_117 : memref<10112x128xf32, #tpu.memory_space<vmem_shared>>) offsets(%dma_start3A_114 : memref<128xi32, #tpu.memory_space<vmem>>) semaphore(%arg13 : memref<!tpu.dma_semaphore, #tpu.memory_space<semaphore_mem>>) {add = true}
      %mul3A_118 = arith.constant 2 : i32
      %mul3A_119 = arith.muli %mul3A_118, %scan3A_74 : i32
      %add3A_120 = arith.constant 1 : i32
      %add3A_121 = arith.addi %mul3A_119, %add3A_120 : i32
      %dma_wait3A_122 = arith.constant 0 : i32
      %dma_wait3A_123 = tpu.memref_slice %arg7[%add3A_121, %dma_wait3A_122] : memref<40x128xi32, #tpu.memory_space<vmem>> -> memref<1x128xi32, #tpu.memory_space<vmem>>
      %dma_wait3A_124 = tpu.memref_squeeze %dma_wait3A_123 : memref<1x128xi32, #tpu.memory_space<vmem>> -> memref<128xi32, #tpu.memory_space<vmem>>
      %dma_wait3A_125 = arith.constant 0 : i32
      %dma_wait3A_126 = arith.constant 0 : i32
      %dma_wait3A_127 = tpu.memref_slice %arg2[%dma_wait3A_125, %dma_wait3A_126] : memref<10240x128xf32, #tpu.memory_space<hbm>> -> memref<10240x128xf32, #tpu.memory_space<hbm>>
      tpu.wait_indirect_dma semaphore(%arg12 : memref<!tpu.dma_semaphore, #tpu.memory_space<semaphore_mem>>) src(%dma_wait3A_127 : memref<10240x128xf32, #tpu.memory_space<hbm>>) dst(%arg10 : memref<128x128xf32, #tpu.memory_space<vmem>>)
      %dma_start3A_128 = arith.constant 0 : i32
      %dma_start3A_129 = tpu.memref_slice %arg8[%add3A_121, %dma_start3A_128] : memref<40x128xi32, #tpu.memory_space<vmem>> -> memref<1x128xi32, #tpu.memory_space<vmem>>
      %dma_start3A_130 = tpu.memref_squeeze %dma_start3A_129 : memref<1x128xi32, #tpu.memory_space<vmem>> -> memref<128xi32, #tpu.memory_space<vmem>>
      %dma_start3A_131 = arith.constant 0 : i32
      %dma_start3A_132 = arith.constant 0 : i32
      %dma_start3A_133 = tpu.memref_slice %arg6[%dma_start3A_131, %dma_start3A_132] : memref<10112x128xf32, #tpu.memory_space<vmem_shared>> -> memref<10112x128xf32, #tpu.memory_space<vmem_shared>>
      tpu.enqueue_indirect_dma source(%arg10 : memref<128x128xf32, #tpu.memory_space<vmem>>) target(%dma_start3A_133 : memref<10112x128xf32, #tpu.memory_space<vmem_shared>>) offsets(%dma_start3A_130 : memref<128xi32, #tpu.memory_space<vmem>>) semaphore(%arg14 : memref<!tpu.dma_semaphore, #tpu.memory_space<semaphore_mem>>) {add = true}
      %scan3A_134 = arith.constant 0 : i32
      scf.yield %scan3A_134 : i32
    }
    %scan3A_55 = arith.constant 20 : i32
    %dma_wait3A_56 = arith.constant 0 : i32
    %dma_wait3A_57 = arith.constant 0 : i32
    %dma_wait3A_58 = tpu.memref_slice %arg8[%dma_wait3A_56, %dma_wait3A_57] : memref<40x128xi32, #tpu.memory_space<vmem>> -> memref<1x128xi32, #tpu.memory_space<vmem>>
    %dma_wait3A_59 = tpu.memref_squeeze %dma_wait3A_58 : memref<1x128xi32, #tpu.memory_space<vmem>> -> memref<128xi32, #tpu.memory_space<vmem>>
    %dma_wait3A_60 = arith.constant 0 : i32
    %dma_wait3A_61 = arith.constant 0 : i32
    %dma_wait3A_62 = tpu.memref_slice %arg6[%dma_wait3A_60, %dma_wait3A_61] : memref<10112x128xf32, #tpu.memory_space<vmem_shared>> -> memref<10112x128xf32, #tpu.memory_space<vmem_shared>>
    tpu.wait_indirect_dma semaphore(%arg13 : memref<!tpu.dma_semaphore, #tpu.memory_space<semaphore_mem>>) src(%arg9 : memref<128x128xf32, #tpu.memory_space<vmem>>) dst(%dma_wait3A_62 : memref<10112x128xf32, #tpu.memory_space<vmem_shared>>)
    %dma_wait3A_63 = arith.constant 0 : i32
    %dma_wait3A_64 = arith.constant 0 : i32
    %dma_wait3A_65 = tpu.memref_slice %arg8[%dma_wait3A_63, %dma_wait3A_64] : memref<40x128xi32, #tpu.memory_space<vmem>> -> memref<1x128xi32, #tpu.memory_space<vmem>>
    %dma_wait3A_66 = tpu.memref_squeeze %dma_wait3A_65 : memref<1x128xi32, #tpu.memory_space<vmem>> -> memref<128xi32, #tpu.memory_space<vmem>>
    %dma_wait3A_67 = arith.constant 0 : i32
    %dma_wait3A_68 = arith.constant 0 : i32
    %dma_wait3A_69 = tpu.memref_slice %arg6[%dma_wait3A_67, %dma_wait3A_68] : memref<10112x128xf32, #tpu.memory_space<vmem_shared>> -> memref<10112x128xf32, #tpu.memory_space<vmem_shared>>
    tpu.wait_indirect_dma semaphore(%arg14 : memref<!tpu.dma_semaphore, #tpu.memory_space<semaphore_mem>>) src(%arg10 : memref<128x128xf32, #tpu.memory_space<vmem>>) dst(%dma_wait3A_69 : memref<10112x128xf32, #tpu.memory_space<vmem_shared>>)
    %barrier3A_70 = arith.constant 0 : index
    tpu.barrier barrier_id(%barrier3A_70)
    %mul3A_71 = arith.constant 10240 : i32
    %mul3A_72 = arith.muli %arg0, %mul3A_71 : i32
    %add3A_73 = arith.addi %mul3A_72, %mul3A_6 : i32
    "tpu.region"() ({
      %run_scoped3A = tpu.sem_alloc : memref<!tpu.dma_semaphore, #tpu.memory_space<semaphore_mem>>
      %dma_start3A = arith.constant 0 : i32
      %dma_start3A_74 = tpu.memref_slice %arg5[%add3A_73, %dma_start3A] : memref<20480x128xf32, #tpu.memory_space<hbm>> -> memref<632x128xf32, #tpu.memory_space<hbm>>
      %dma_start3A_75 = arith.constant 0 : i32
      %dma_start3A_76 = tpu.memref_slice %arg6[%mul3A_6, %dma_start3A_75] : memref<10112x128xf32, #tpu.memory_space<vmem_shared>> -> memref<632x128xf32, #tpu.memory_space<vmem_shared>>
      tpu.enqueue_dma source(%dma_start3A_76 : memref<632x128xf32, #tpu.memory_space<vmem_shared>>) target(%dma_start3A_74 : memref<632x128xf32, #tpu.memory_space<hbm>>) target_semaphore(%run_scoped3A : memref<!tpu.dma_semaphore, #tpu.memory_space<semaphore_mem>>)
      %dma_wait3A_77 = arith.constant 0 : i32
      %dma_wait3A_78 = tpu.memref_slice %arg5[%add3A_73, %dma_wait3A_77] : memref<20480x128xf32, #tpu.memory_space<hbm>> -> memref<632x128xf32, #tpu.memory_space<hbm>>
      %dma_wait3A_79 = arith.constant 0 : i32
      %dma_wait3A_80 = tpu.memref_slice %arg6[%mul3A_6, %dma_wait3A_79] : memref<10112x128xf32, #tpu.memory_space<vmem_shared>> -> memref<632x128xf32, #tpu.memory_space<vmem_shared>>
      tpu.wait_dma2 semaphore(%run_scoped3A : memref<!tpu.dma_semaphore, #tpu.memory_space<semaphore_mem>>) src(%dma_wait3A_80 : memref<632x128xf32, #tpu.memory_space<vmem_shared>>) dst(%dma_wait3A_78 : memref<632x128xf32, #tpu.memory_space<hbm>>)
      tpu.yield
    }) : () -> ()
    return
  }
}

#map = affine_map<(d0, d1) -> (0, 0)>
module attributes {stable_mosaic.version = 14 : i64} {
  func.func @_scatter_body(%arg0: i32, %arg1: i32, %arg2: memref<10240x128xf32, #tpu.memory_space<hbm>>, %arg3: memref<2560x128xi32, #tpu.memory_space<hbm>>, %arg4: memref<2560x128xi32, #tpu.memory_space<hbm>>, %arg5: memref<20480x128xf32, #tpu.memory_space<hbm>>, %arg6: memref<10112x128xf32, #tpu.memory_space<vmem_shared>>, %arg7: memref<40x128xi32, #tpu.memory_space<vmem>>, %arg8: memref<40x128xi32, #tpu.memory_space<vmem>>, %arg9: memref<128x128xf32, #tpu.memory_space<vmem>>, %arg10: memref<128x128xf32, #tpu.memory_space<vmem>>, %arg11: memref<!tpu.dma_semaphore, #tpu.memory_space<semaphore_mem>>, %arg12: memref<!tpu.dma_semaphore, #tpu.memory_space<semaphore_mem>>, %arg13: memref<!tpu.dma_semaphore, #tpu.memory_space<semaphore_mem>>, %arg14: memref<!tpu.dma_semaphore, #tpu.memory_space<semaphore_mem>>) attributes {dimension_semantics = [#tpu.dimension_semantics<core_parallel>, #tpu.dimension_semantics<subcore_parallel>], iteration_bounds = array<i64: 2, 16>, scalar_prefetch = 0 : i64, scratch_operands = 9 : i64, tpu.core_type = #tpu.core_type<sc_vector_subcore>, window_params = [{transform_indices = #map}, {transform_indices = #map}, {transform_indices = #map}, {transform_indices = #map}]} {
    %scan3A = arith.constant 0 : i32
    %scan3A_0 = arith.constant 0 : i32
    %scan3A_1 = arith.constant 128 : i32
    %scan3A_2 = arith.addi %scan3A_0, %scan3A_1 : i32
    %scan3A_3 = arith.constant 1 : i32
    %scan3A_4 = scf.for %scan3A_74 = %scan3A_0 to %scan3A_2 step %scan3A_3 iter_args(%scan3A_75 = %scan3A) -> (i32)  : i32 {
      %broadcast_in_dim3A = arith.constant 0.000000e+00 : f32
      %broadcast_in_dim3A_76 = vector.broadcast %broadcast_in_dim3A : f32 to vector<16xf32>
      %swap3A = arith.index_cast %scan3A_74 : i32 to index
      %swap3A_77 = arith.constant 0 : index
      %swap3A_78 = tpu.vector_load %arg9[%swap3A, %swap3A_77] {strides = array<i32>} : memref<128x128xf32, #tpu.memory_space<vmem>>, vector<1x16xf32>,
      %swap3A_79 = vector.shape_cast %swap3A_78 : vector<1x16xf32> to vector<16xf32>
      %swap3A_80 = vector.shape_cast %broadcast_in_dim3A_76 : vector<16xf32> to vector<1x16xf32>
      tpu.vector_store %arg9[%swap3A, %swap3A_77], %swap3A_80 {strides = array<i32>} : memref<128x128xf32, #tpu.memory_space<vmem>>, vector<1x16xf32>,
      %broadcast_in_dim3A_81 = arith.constant 0.000000e+00 : f32
      %broadcast_in_dim3A_82 = vector.broadcast %broadcast_in_dim3A_81 : f32 to vector<16xf32>
      %swap3A_83 = arith.index_cast %scan3A_74 : i32 to index
      %swap3A_84 = arith.constant 16 : index
      %swap3A_85 = tpu.vector_load %arg9[%swap3A_83, %swap3A_84] {strides = array<i32>} : memref<128x128xf32, #tpu.memory_space<vmem>>, vector<1x16xf32>,
      %swap3A_86 = vector.shape_cast %swap3A_85 : vector<1x16xf32> to vector<16xf32>
      %swap3A_87 = vector.shape_cast %broadcast_in_dim3A_82 : vector<16xf32> to vector<1x16xf32>
      tpu.vector_store %arg9[%swap3A_83, %swap3A_84], %swap3A_87 {strides = array<i32>} : memref<128x128xf32, #tpu.memory_space<vmem>>, vector<1x16xf32>,
      %broadcast_in_dim3A_88 = arith.constant 0.000000e+00 : f32
      %broadcast_in_dim3A_89 = vector.broadcast %broadcast_in_dim3A_88 : f32 to vector<16xf32>
      %swap3A_90 = arith.index_cast %scan3A_74 : i32 to index
      %swap3A_91 = arith.constant 32 : index
      %swap3A_92 = tpu.vector_load %arg9[%swap3A_90, %swap3A_91] {strides = array<i32>} : memref<128x128xf32, #tpu.memory_space<vmem>>, vector<1x16xf32>,
      %swap3A_93 = vector.shape_cast %swap3A_92 : vector<1x16xf32> to vector<16xf32>
      %swap3A_94 = vector.shape_cast %broadcast_in_dim3A_89 : vector<16xf32> to vector<1x16xf32>
      tpu.vector_store %arg9[%swap3A_90, %swap3A_91], %swap3A_94 {strides = array<i32>} : memref<128x128xf32, #tpu.memory_space<vmem>>, vector<1x16xf32>,
      %broadcast_in_dim3A_95 = arith.constant 0.000000e+00 : f32
      %broadcast_in_dim3A_96 = vector.broadcast %broadcast_in_dim3A_95 : f32 to vector<16xf32>
      %swap3A_97 = arith.index_cast %scan3A_74 : i32 to index
      %swap3A_98 = arith.constant 48 : index
      %swap3A_99 = tpu.vector_load %arg9[%swap3A_97, %swap3A_98] {strides = array<i32>} : memref<128x128xf32, #tpu.memory_space<vmem>>, vector<1x16xf32>,
      %swap3A_100 = vector.shape_cast %swap3A_99 : vector<1x16xf32> to vector<16xf32>
      %swap3A_101 = vector.shape_cast %broadcast_in_dim3A_96 : vector<16xf32> to vector<1x16xf32>
      tpu.vector_store %arg9[%swap3A_97, %swap3A_98], %swap3A_101 {strides = array<i32>} : memref<128x128xf32, #tpu.memory_space<vmem>>, vector<1x16xf32>,
      %broadcast_in_dim3A_102 = arith.constant 0.000000e+00 : f32
      %broadcast_in_dim3A_103 = vector.broadcast %broadcast_in_dim3A_102 : f32 to vector<16xf32>
      %swap3A_104 = arith.index_cast %scan3A_74 : i32 to index
      %swap3A_105 = arith.constant 64 : index
      %swap3A_106 = tpu.vector_load %arg9[%swap3A_104, %swap3A_105] {strides = array<i32>} : memref<128x128xf32, #tpu.memory_space<vmem>>, vector<1x16xf32>,
      %swap3A_107 = vector.shape_cast %swap3A_106 : vector<1x16xf32> to vector<16xf32>
      %swap3A_108 = vector.shape_cast %broadcast_in_dim3A_103 : vector<16xf32> to vector<1x16xf32>
      tpu.vector_store %arg9[%swap3A_104, %swap3A_105], %swap3A_108 {strides = array<i32>} : memref<128x128xf32, #tpu.memory_space<vmem>>, vector<1x16xf32>,
      %broadcast_in_dim3A_109 = arith.constant 0.000000e+00 : f32
      %broadcast_in_dim3A_110 = vector.broadcast %broadcast_in_dim3A_109 : f32 to vector<16xf32>
      %swap3A_111 = arith.index_cast %scan3A_74 : i32 to index
      %swap3A_112 = arith.constant 80 : index
      %swap3A_113 = tpu.vector_load %arg9[%swap3A_111, %swap3A_112] {strides = array<i32>} : memref<128x128xf32, #tpu.memory_space<vmem>>, vector<1x16xf32>,
      %swap3A_114 = vector.shape_cast %swap3A_113 : vector<1x16xf32> to vector<16xf32>
      %swap3A_115 = vector.shape_cast %broadcast_in_dim3A_110 : vector<16xf32> to vector<1x16xf32>
      tpu.vector_store %arg9[%swap3A_111, %swap3A_112], %swap3A_115 {strides = array<i32>} : memref<128x128xf32, #tpu.memory_space<vmem>>, vector<1x16xf32>,
      %broadcast_in_dim3A_116 = arith.constant 0.000000e+00 : f32
      %broadcast_in_dim3A_117 = vector.broadcast %broadcast_in_dim3A_116 : f32 to vector<16xf32>
      %swap3A_118 = arith.index_cast %scan3A_74 : i32 to index
      %swap3A_119 = arith.constant 96 : index
      %swap3A_120 = tpu.vector_load %arg9[%swap3A_118, %swap3A_119] {strides = array<i32>} : memref<128x128xf32, #tpu.memory_space<vmem>>, vector<1x16xf32>,
      %swap3A_121 = vector.shape_cast %swap3A_120 : vector<1x16xf32> to vector<16xf32>
      %swap3A_122 = vector.shape_cast %broadcast_in_dim3A_117 : vector<16xf32> to vector<1x16xf32>
      tpu.vector_store %arg9[%swap3A_118, %swap3A_119], %swap3A_122 {strides = array<i32>} : memref<128x128xf32, #tpu.memory_space<vmem>>, vector<1x16xf32>,
      %broadcast_in_dim3A_123 = arith.constant 0.000000e+00 : f32
      %broadcast_in_dim3A_124 = vector.broadcast %broadcast_in_dim3A_123 : f32 to vector<16xf32>
      %swap3A_125 = arith.index_cast %scan3A_74 : i32 to index
      %swap3A_126 = arith.constant 112 : index
      %swap3A_127 = tpu.vector_load %arg9[%swap3A_125, %swap3A_126] {strides = array<i32>} : memref<128x128xf32, #tpu.memory_space<vmem>>, vector<1x16xf32>,
      %swap3A_128 = vector.shape_cast %swap3A_127 : vector<1x16xf32> to vector<16xf32>
      %swap3A_129 = vector.shape_cast %broadcast_in_dim3A_124 : vector<16xf32> to vector<1x16xf32>
      tpu.vector_store %arg9[%swap3A_125, %swap3A_126], %swap3A_129 {strides = array<i32>} : memref<128x128xf32, #tpu.memory_space<vmem>>, vector<1x16xf32>,
      %scan3A_130 = arith.constant 0 : i32
      scf.yield %scan3A_130 : i32
    }
    %scan3A_5 = arith.constant 128 : i32
    %mul3A = arith.constant 632 : i32
    %mul3A_6 = arith.muli %arg1, %mul3A : i32
    %add3A = arith.constant 0 : i32
    %add3A_7 = arith.addi %mul3A_6, %add3A : i32
    "tpu.region"() ({
      %run_scoped3A = tpu.sem_alloc : memref<!tpu.dma_semaphore, #tpu.memory_space<semaphore_mem>>
      %dma_start3A = arith.constant 0 : i32
      %dma_start3A_74 = tpu.memref_slice %arg6[%add3A_7, %dma_start3A] : memref<10112x128xf32, #tpu.memory_space<vmem_shared>> -> memref<128x128xf32, #tpu.memory_space<vmem_shared>>
      %dma_start3A_75 = arith.constant 0 : i32
      %dma_start3A_76 = tpu.memref_slice %arg6[%add3A_7, %dma_start3A_75] : memref<10112x128xf32, #tpu.memory_space<vmem_shared>> -> memref<128x128xf32, #tpu.memory_space<vmem_shared>>
      tpu.enqueue_dma source(%arg9 : memref<128x128xf32, #tpu.memory_space<vmem>>) target(%dma_start3A_76 : memref<128x128xf32, #tpu.memory_space<vmem_shared>>) target_semaphore(%run_scoped3A : memref<!tpu.dma_semaphore, #tpu.memory_space<semaphore_mem>>)
      %dma_wait3A_77 = arith.constant 0 : i32
      %dma_wait3A_78 = tpu.memref_slice %arg6[%add3A_7, %dma_wait3A_77] : memref<10112x128xf32, #tpu.memory_space<vmem_shared>> -> memref<128x128xf32, #tpu.memory_space<vmem_shared>>
      %dma_wait3A_79 = arith.constant 0 : i32
      %dma_wait3A_80 = tpu.memref_slice %arg6[%add3A_7, %dma_wait3A_79] : memref<10112x128xf32, #tpu.memory_space<vmem_shared>> -> memref<128x128xf32, #tpu.memory_space<vmem_shared>>
      tpu.wait_dma2 semaphore(%run_scoped3A : memref<!tpu.dma_semaphore, #tpu.memory_space<semaphore_mem>>) src(%arg9 : memref<128x128xf32, #tpu.memory_space<vmem>>) dst(%dma_wait3A_80 : memref<128x128xf32, #tpu.memory_space<vmem_shared>>)
      tpu.yield
    }) : () -> ()
    %add3A_8 = arith.constant 128 : i32
    %add3A_9 = arith.addi %mul3A_6, %add3A_8 : i32
    "tpu.region"() ({
      %run_scoped3A = tpu.sem_alloc : memref<!tpu.dma_semaphore, #tpu.memory_space<semaphore_mem>>
      %dma_start3A = arith.constant 0 : i32
      %dma_start3A_74 = tpu.memref_slice %arg6[%add3A_9, %dma_start3A] : memref<10112x128xf32, #tpu.memory_space<vmem_shared>> -> memref<128x128xf32, #tpu.memory_space<vmem_shared>>
      %dma_start3A_75 = arith.constant 0 : i32
      %dma_start3A_76 = tpu.memref_slice %arg6[%add3A_9, %dma_start3A_75] : memref<10112x128xf32, #tpu.memory_space<vmem_shared>> -> memref<128x128xf32, #tpu.memory_space<vmem_shared>>
      tpu.enqueue_dma source(%arg9 : memref<128x128xf32, #tpu.memory_space<vmem>>) target(%dma_start3A_76 : memref<128x128xf32, #tpu.memory_space<vmem_shared>>) target_semaphore(%run_scoped3A : memref<!tpu.dma_semaphore, #tpu.memory_space<semaphore_mem>>)
      %dma_wait3A_77 = arith.constant 0 : i32
      %dma_wait3A_78 = tpu.memref_slice %arg6[%add3A_9, %dma_wait3A_77] : memref<10112x128xf32, #tpu.memory_space<vmem_shared>> -> memref<128x128xf32, #tpu.memory_space<vmem_shared>>
      %dma_wait3A_79 = arith.constant 0 : i32
      %dma_wait3A_80 = tpu.memref_slice %arg6[%add3A_9, %dma_wait3A_79] : memref<10112x128xf32, #tpu.memory_space<vmem_shared>> -> memref<128x128xf32, #tpu.memory_space<vmem_shared>>
      tpu.wait_dma2 semaphore(%run_scoped3A : memref<!tpu.dma_semaphore, #tpu.memory_space<semaphore_mem>>) src(%arg9 : memref<128x128xf32, #tpu.memory_space<vmem>>) dst(%dma_wait3A_80 : memref<128x128xf32, #tpu.memory_space<vmem_shared>>)
      tpu.yield
    }) : () -> ()
    %add3A_10 = arith.constant 256 : i32
    %add3A_11 = arith.addi %mul3A_6, %add3A_10 : i32
    "tpu.region"() ({
      %run_scoped3A = tpu.sem_alloc : memref<!tpu.dma_semaphore, #tpu.memory_space<semaphore_mem>>
      %dma_start3A = arith.constant 0 : i32
      %dma_start3A_74 = tpu.memref_slice %arg6[%add3A_11, %dma_start3A] : memref<10112x128xf32, #tpu.memory_space<vmem_shared>> -> memref<128x128xf32, #tpu.memory_space<vmem_shared>>
      %dma_start3A_75 = arith.constant 0 : i32
      %dma_start3A_76 = tpu.memref_slice %arg6[%add3A_11, %dma_start3A_75] : memref<10112x128xf32, #tpu.memory_space<vmem_shared>> -> memref<128x128xf32, #tpu.memory_space<vmem_shared>>
      tpu.enqueue_dma source(%arg9 : memref<128x128xf32, #tpu.memory_space<vmem>>) target(%dma_start3A_76 : memref<128x128xf32, #tpu.memory_space<vmem_shared>>) target_semaphore(%run_scoped3A : memref<!tpu.dma_semaphore, #tpu.memory_space<semaphore_mem>>)
      %dma_wait3A_77 = arith.constant 0 : i32
      %dma_wait3A_78 = tpu.memref_slice %arg6[%add3A_11, %dma_wait3A_77] : memref<10112x128xf32, #tpu.memory_space<vmem_shared>> -> memref<128x128xf32, #tpu.memory_space<vmem_shared>>
      %dma_wait3A_79 = arith.constant 0 : i32
      %dma_wait3A_80 = tpu.memref_slice %arg6[%add3A_11, %dma_wait3A_79] : memref<10112x128xf32, #tpu.memory_space<vmem_shared>> -> memref<128x128xf32, #tpu.memory_space<vmem_shared>>
      tpu.wait_dma2 semaphore(%run_scoped3A : memref<!tpu.dma_semaphore, #tpu.memory_space<semaphore_mem>>) src(%arg9 : memref<128x128xf32, #tpu.memory_space<vmem>>) dst(%dma_wait3A_80 : memref<128x128xf32, #tpu.memory_space<vmem_shared>>)
      tpu.yield
    }) : () -> ()
    %add3A_12 = arith.constant 384 : i32
    %add3A_13 = arith.addi %mul3A_6, %add3A_12 : i32
    "tpu.region"() ({
      %run_scoped3A = tpu.sem_alloc : memref<!tpu.dma_semaphore, #tpu.memory_space<semaphore_mem>>
      %dma_start3A = arith.constant 0 : i32
      %dma_start3A_74 = tpu.memref_slice %arg6[%add3A_13, %dma_start3A] : memref<10112x128xf32, #tpu.memory_space<vmem_shared>> -> memref<128x128xf32, #tpu.memory_space<vmem_shared>>
      %dma_start3A_75 = arith.constant 0 : i32
      %dma_start3A_76 = tpu.memref_slice %arg6[%add3A_13, %dma_start3A_75] : memref<10112x128xf32, #tpu.memory_space<vmem_shared>> -> memref<128x128xf32, #tpu.memory_space<vmem_shared>>
      tpu.enqueue_dma source(%arg9 : memref<128x128xf32, #tpu.memory_space<vmem>>) target(%dma_start3A_76 : memref<128x128xf32, #tpu.memory_space<vmem_shared>>) target_semaphore(%run_scoped3A : memref<!tpu.dma_semaphore, #tpu.memory_space<semaphore_mem>>)
      %dma_wait3A_77 = arith.constant 0 : i32
      %dma_wait3A_78 = tpu.memref_slice %arg6[%add3A_13, %dma_wait3A_77] : memref<10112x128xf32, #tpu.memory_space<vmem_shared>> -> memref<128x128xf32, #tpu.memory_space<vmem_shared>>
      %dma_wait3A_79 = arith.constant 0 : i32
      %dma_wait3A_80 = tpu.memref_slice %arg6[%add3A_13, %dma_wait3A_79] : memref<10112x128xf32, #tpu.memory_space<vmem_shared>> -> memref<128x128xf32, #tpu.memory_space<vmem_shared>>
      tpu.wait_dma2 semaphore(%run_scoped3A : memref<!tpu.dma_semaphore, #tpu.memory_space<semaphore_mem>>) src(%arg9 : memref<128x128xf32, #tpu.memory_space<vmem>>) dst(%dma_wait3A_80 : memref<128x128xf32, #tpu.memory_space<vmem_shared>>)
      tpu.yield
    }) : () -> ()
    %add3A_14 = arith.constant 512 : i32
    %add3A_15 = arith.addi %mul3A_6, %add3A_14 : i32
    "tpu.region"() ({
      %run_scoped3A = tpu.sem_alloc : memref<!tpu.dma_semaphore, #tpu.memory_space<semaphore_mem>>
      %dma_start3A = arith.constant 0 : i32
      %dma_start3A_74 = arith.constant 0 : i32
      %dma_start3A_75 = tpu.memref_slice %arg9[%dma_start3A, %dma_start3A_74] : memref<128x128xf32, #tpu.memory_space<vmem>> -> memref<120x128xf32, #tpu.memory_space<vmem>>
      %dma_start3A_76 = arith.constant 0 : i32
      %dma_start3A_77 = tpu.memref_slice %arg6[%add3A_15, %dma_start3A_76] : memref<10112x128xf32, #tpu.memory_space<vmem_shared>> -> memref<120x128xf32, #tpu.memory_space<vmem_shared>>
      %dma_start3A_78 = arith.constant 0 : i32
      %dma_start3A_79 = tpu.memref_slice %arg6[%add3A_15, %dma_start3A_78] : memref<10112x128xf32, #tpu.memory_space<vmem_shared>> -> memref<120x128xf32, #tpu.memory_space<vmem_shared>>
      %dma_start3A_80 = arith.constant 0 : i32
      %dma_start3A_81 = arith.constant 0 : i32
      %dma_start3A_82 = tpu.memref_slice %arg9[%dma_start3A_80, %dma_start3A_81] : memref<128x128xf32, #tpu.memory_space<vmem>> -> memref<120x128xf32, #tpu.memory_space<vmem>>
      tpu.enqueue_dma source(%dma_start3A_82 : memref<120x128xf32, #tpu.memory_space<vmem>>) target(%dma_start3A_79 : memref<120x128xf32, #tpu.memory_space<vmem_shared>>) target_semaphore(%run_scoped3A : memref<!tpu.dma_semaphore, #tpu.memory_space<semaphore_mem>>)
      %dma_wait3A_83 = arith.constant 0 : i32
      %dma_wait3A_84 = arith.constant 0 : i32
      %dma_wait3A_85 = tpu.memref_slice %arg9[%dma_wait3A_83, %dma_wait3A_84] : memref<128x128xf32, #tpu.memory_space<vmem>> -> memref<120x128xf32, #tpu.memory_space<vmem>>
      %dma_wait3A_86 = arith.constant 0 : i32
      %dma_wait3A_87 = tpu.memref_slice %arg6[%add3A_15, %dma_wait3A_86] : memref<10112x128xf32, #tpu.memory_space<vmem_shared>> -> memref<120x128xf32, #tpu.memory_space<vmem_shared>>
      %dma_wait3A_88 = arith.constant 0 : i32
      %dma_wait3A_89 = tpu.memref_slice %arg6[%add3A_15, %dma_wait3A_88] : memref<10112x128xf32, #tpu.memory_space<vmem_shared>> -> memref<120x128xf32, #tpu.memory_space<vmem_shared>>
      %dma_wait3A_90 = arith.constant 0 : i32
      %dma_wait3A_91 = arith.constant 0 : i32
      %dma_wait3A_92 = tpu.memref_slice %arg9[%dma_wait3A_90, %dma_wait3A_91] : memref<128x128xf32, #tpu.memory_space<vmem>> -> memref<120x128xf32, #tpu.memory_space<vmem>>
      tpu.wait_dma2 semaphore(%run_scoped3A : memref<!tpu.dma_semaphore, #tpu.memory_space<semaphore_mem>>) src(%dma_wait3A_92 : memref<120x128xf32, #tpu.memory_space<vmem>>) dst(%dma_wait3A_89 : memref<120x128xf32, #tpu.memory_space<vmem_shared>>)
      tpu.yield
    }) : () -> ()
    %barrier3A = arith.constant 0 : index
    tpu.barrier barrier_id(%barrier3A)
    %mul3A_16 = arith.constant 16 : i32
    %mul3A_17 = arith.muli %arg0, %mul3A_16 : i32
    %add3A_18 = arith.addi %mul3A_17, %arg1 : i32
    %mul3A_19 = arith.constant 80 : i32
    %mul3A_20 = arith.muli %add3A_18, %mul3A_19 : i32
    %add3A_21 = arith.constant 0 : i32
    %add3A_22 = arith.addi %mul3A_20, %add3A_21 : i32
    "tpu.region"() ({
      %run_scoped3A = tpu.sem_alloc : memref<!tpu.dma_semaphore, #tpu.memory_space<semaphore_mem>>
      %dma_start3A = arith.constant 0 : i32
      %dma_start3A_74 = tpu.memref_slice %arg3[%add3A_22, %dma_start3A] : memref<2560x128xi32, #tpu.memory_space<hbm>> -> memref<40x128xi32, #tpu.memory_space<hbm>>
      %dma_start3A_75 = arith.constant 0 : i32
      %dma_start3A_76 = tpu.memref_slice %arg3[%add3A_22, %dma_start3A_75] : memref<2560x128xi32, #tpu.memory_space<hbm>> -> memref<40x128xi32, #tpu.memory_space<hbm>>
      tpu.enqueue_dma source(%dma_start3A_76 : memref<40x128xi32, #tpu.memory_space<hbm>>) target(%arg7 : memref<40x128xi32, #tpu.memory_space<vmem>>) target_semaphore(%run_scoped3A : memref<!tpu.dma_semaphore, #tpu.memory_space<semaphore_mem>>)
      %dma_wait3A_77 = arith.constant 0 : i32
      %dma_wait3A_78 = tpu.memref_slice %arg3[%add3A_22, %dma_wait3A_77] : memref<2560x128xi32, #tpu.memory_space<hbm>> -> memref<40x128xi32, #tpu.memory_space<hbm>>
      %dma_wait3A_79 = arith.constant 0 : i32
      %dma_wait3A_80 = tpu.memref_slice %arg3[%add3A_22, %dma_wait3A_79] : memref<2560x128xi32, #tpu.memory_space<hbm>> -> memref<40x128xi32, #tpu.memory_space<hbm>>
      tpu.wait_dma2 semaphore(%run_scoped3A : memref<!tpu.dma_semaphore, #tpu.memory_space<semaphore_mem>>) src(%dma_wait3A_80 : memref<40x128xi32, #tpu.memory_space<hbm>>) dst(%arg7 : memref<40x128xi32, #tpu.memory_space<vmem>>)
      tpu.yield
    }) : () -> ()
    %add3A_23 = arith.constant 0 : i32
    %add3A_24 = arith.addi %mul3A_20, %add3A_23 : i32
    "tpu.region"() ({
      %run_scoped3A = tpu.sem_alloc : memref<!tpu.dma_semaphore, #tpu.memory_space<semaphore_mem>>
      %dma_start3A = arith.constant 0 : i32
      %dma_start3A_74 = tpu.memref_slice %arg4[%add3A_24, %dma_start3A] : memref<2560x128xi32, #tpu.memory_space<hbm>> -> memref<40x128xi32, #tpu.memory_space<hbm>>
      %dma_start3A_75 = arith.constant 0 : i32
      %dma_start3A_76 = tpu.memref_slice %arg4[%add3A_24, %dma_start3A_75] : memref<2560x128xi32, #tpu.memory_space<hbm>> -> memref<40x128xi32, #tpu.memory_space<hbm>>
      tpu.enqueue_dma source(%dma_start3A_76 : memref<40x128xi32, #tpu.memory_space<hbm>>) target(%arg8 : memref<40x128xi32, #tpu.memory_space<vmem>>) target_semaphore(%run_scoped3A : memref<!tpu.dma_semaphore, #tpu.memory_space<semaphore_mem>>)
      %dma_wait3A_77 = arith.constant 0 : i32
      %dma_wait3A_78 = tpu.memref_slice %arg4[%add3A_24, %dma_wait3A_77] : memref<2560x128xi32, #tpu.memory_space<hbm>> -> memref<40x128xi32, #tpu.memory_space<hbm>>
      %dma_wait3A_79 = arith.constant 0 : i32
      %dma_wait3A_80 = tpu.memref_slice %arg4[%add3A_24, %dma_wait3A_79] : memref<2560x128xi32, #tpu.memory_space<hbm>> -> memref<40x128xi32, #tpu.memory_space<hbm>>
      tpu.wait_dma2 semaphore(%run_scoped3A : memref<!tpu.dma_semaphore, #tpu.memory_space<semaphore_mem>>) src(%dma_wait3A_80 : memref<40x128xi32, #tpu.memory_space<hbm>>) dst(%arg8 : memref<40x128xi32, #tpu.memory_space<vmem>>)
      tpu.yield
    }) : () -> ()
    %scan3A_25 = arith.constant 0 : i32
    %scan3A_26 = arith.constant 0 : i32
    %scan3A_27 = arith.constant 20 : i32
    %scan3A_28 = arith.addi %scan3A_26, %scan3A_27 : i32
    %scan3A_29 = arith.constant 1 : i32
    %scan3A_30 = scf.for %scan3A_74 = %scan3A_26 to %scan3A_28 step %scan3A_29 iter_args(%scan3A_75 = %scan3A_25) -> (i32)  : i32 {
      %mul3A_76 = arith.constant 2 : i32
      %mul3A_77 = arith.muli %mul3A_76, %scan3A_74 : i32
      %add3A_78 = arith.constant 0 : i32
      %add3A_79 = arith.addi %mul3A_77, %add3A_78 : i32
      %gt3A = arith.constant 0 : i32
      %gt3A_80 = arith.cmpi sgt, %scan3A_74, %gt3A : i32
      %convert_element_type3A = arith.extui %gt3A_80 : i1 to i32
      %cond3A = arith.constant 0 : i32
      %cond3A_81 = arith.cmpi ne, %convert_element_type3A, %cond3A : i32
      scf.if %cond3A_81 {
        %dma_wait3A_135 = arith.constant 0 : i32
        %dma_wait3A_136 = arith.constant 0 : i32
        %dma_wait3A_137 = tpu.memref_slice %arg8[%dma_wait3A_135, %dma_wait3A_136] : memref<40x128xi32, #tpu.memory_space<vmem>> -> memref<1x128xi32, #tpu.memory_space<vmem>>
        %dma_wait3A_138 = tpu.memref_squeeze %dma_wait3A_137 : memref<1x128xi32, #tpu.memory_space<vmem>> -> memref<128xi32, #tpu.memory_space<vmem>>
        %dma_wait3A_139 = arith.constant 0 : i32
        %dma_wait3A_140 = arith.constant 0 : i32
        %dma_wait3A_141 = tpu.memref_slice %arg6[%dma_wait3A_139, %dma_wait3A_140] : memref<10112x128xf32, #tpu.memory_space<vmem_shared>> -> memref<10112x128xf32, #tpu.memory_space<vmem_shared>>
        tpu.wait_indirect_dma semaphore(%arg13 : memref<!tpu.dma_semaphore, #tpu.memory_space<semaphore_mem>>) src(%arg9 : memref<128x128xf32, #tpu.memory_space<vmem>>) dst(%dma_wait3A_141 : memref<10112x128xf32, #tpu.memory_space<vmem_shared>>)
      } else {
      }
      %dma_start3A = arith.constant 0 : i32
      %dma_start3A_82 = tpu.memref_slice %arg7[%add3A_79, %dma_start3A] : memref<40x128xi32, #tpu.memory_space<vmem>> -> memref<1x128xi32, #tpu.memory_space<vmem>>
      %dma_start3A_83 = tpu.memref_squeeze %dma_start3A_82 : memref<1x128xi32, #tpu.memory_space<vmem>> -> memref<128xi32, #tpu.memory_space<vmem>>
      %dma_start3A_84 = arith.constant 0 : i32
      %dma_start3A_85 = arith.constant 0 : i32
      %dma_start3A_86 = tpu.memref_slice %arg2[%dma_start3A_84, %dma_start3A_85] : memref<10240x128xf32, #tpu.memory_space<hbm>> -> memref<10240x128xf32, #tpu.memory_space<hbm>>
      tpu.enqueue_indirect_dma source(%dma_start3A_86 : memref<10240x128xf32, #tpu.memory_space<hbm>>) target(%arg9 : memref<128x128xf32, #tpu.memory_space<vmem>>) offsets(%dma_start3A_83 : memref<128xi32, #tpu.memory_space<vmem>>) semaphore(%arg11 : memref<!tpu.dma_semaphore, #tpu.memory_space<semaphore_mem>>)
      %mul3A_87 = arith.constant 2 : i32
      %mul3A_88 = arith.muli %mul3A_87, %scan3A_74 : i32
      %add3A_89 = arith.constant 1 : i32
      %add3A_90 = arith.addi %mul3A_88, %add3A_89 : i32
      %gt3A_91 = arith.constant 0 : i32
      %gt3A_92 = arith.cmpi sgt, %scan3A_74, %gt3A_91 : i32
      %convert_element_type3A_93 = arith.extui %gt3A_92 : i1 to i32
      %cond3A_94 = arith.constant 0 : i32
      %cond3A_95 = arith.cmpi ne, %convert_element_type3A_93, %cond3A_94 : i32
      scf.if %cond3A_95 {
        %dma_wait3A_135 = arith.constant 0 : i32
        %dma_wait3A_136 = arith.constant 0 : i32
        %dma_wait3A_137 = tpu.memref_slice %arg8[%dma_wait3A_135, %dma_wait3A_136] : memref<40x128xi32, #tpu.memory_space<vmem>> -> memref<1x128xi32, #tpu.memory_space<vmem>>
        %dma_wait3A_138 = tpu.memref_squeeze %dma_wait3A_137 : memref<1x128xi32, #tpu.memory_space<vmem>> -> memref<128xi32, #tpu.memory_space<vmem>>
        %dma_wait3A_139 = arith.constant 0 : i32
        %dma_wait3A_140 = arith.constant 0 : i32
        %dma_wait3A_141 = tpu.memref_slice %arg6[%dma_wait3A_139, %dma_wait3A_140] : memref<10112x128xf32, #tpu.memory_space<vmem_shared>> -> memref<10112x128xf32, #tpu.memory_space<vmem_shared>>
        tpu.wait_indirect_dma semaphore(%arg14 : memref<!tpu.dma_semaphore, #tpu.memory_space<semaphore_mem>>) src(%arg10 : memref<128x128xf32, #tpu.memory_space<vmem>>) dst(%dma_wait3A_141 : memref<10112x128xf32, #tpu.memory_space<vmem_shared>>)
      } else {
      }
      %dma_start3A_96 = arith.constant 0 : i32
      %dma_start3A_97 = tpu.memref_slice %arg7[%add3A_90, %dma_start3A_96] : memref<40x128xi32, #tpu.memory_space<vmem>> -> memref<1x128xi32, #tpu.memory_space<vmem>>
      %dma_start3A_98 = tpu.memref_squeeze %dma_start3A_97 : memref<1x128xi32, #tpu.memory_space<vmem>> -> memref<128xi32, #tpu.memory_space<vmem>>
      %dma_start3A_99 = arith.constant 0 : i32
      %dma_start3A_100 = arith.constant 0 : i32
      %dma_start3A_101 = tpu.memref_slice %arg2[%dma_start3A_99, %dma_start3A_100] : memref<10240x128xf32, #tpu.memory_space<hbm>> -> memref<10240x128xf32, #tpu.memory_space<hbm>>
      tpu.enqueue_indirect_dma source(%dma_start3A_101 : memref<10240x128xf32, #tpu.memory_space<hbm>>) target(%arg10 : memref<128x128xf32, #tpu.memory_space<vmem>>) offsets(%dma_start3A_98 : memref<128xi32, #tpu.memory_space<vmem>>) semaphore(%arg12 : memref<!tpu.dma_semaphore, #tpu.memory_space<semaphore_mem>>)
      %mul3A_102 = arith.constant 2 : i32
      %mul3A_103 = arith.muli %mul3A_102, %scan3A_74 : i32
      %add3A_104 = arith.constant 0 : i32
      %add3A_105 = arith.addi %mul3A_103, %add3A_104 : i32
      %dma_wait3A_106 = arith.constant 0 : i32
      %dma_wait3A_107 = tpu.memref_slice %arg7[%add3A_105, %dma_wait3A_106] : memref<40x128xi32, #tpu.memory_space<vmem>> -> memref<1x128xi32, #tpu.memory_space<vmem>>
      %dma_wait3A_108 = tpu.memref_squeeze %dma_wait3A_107 : memref<1x128xi32, #tpu.memory_space<vmem>> -> memref<128xi32, #tpu.memory_space<vmem>>
      %dma_wait3A_109 = arith.constant 0 : i32
      %dma_wait3A_110 = arith.constant 0 : i32
      %dma_wait3A_111 = tpu.memref_slice %arg2[%dma_wait3A_109, %dma_wait3A_110] : memref<10240x128xf32, #tpu.memory_space<hbm>> -> memref<10240x128xf32, #tpu.memory_space<hbm>>
      tpu.wait_indirect_dma semaphore(%arg11 : memref<!tpu.dma_semaphore, #tpu.memory_space<semaphore_mem>>) src(%dma_wait3A_111 : memref<10240x128xf32, #tpu.memory_space<hbm>>) dst(%arg9 : memref<128x128xf32, #tpu.memory_space<vmem>>)
      %dma_start3A_112 = arith.constant 0 : i32
      %dma_start3A_113 = tpu.memref_slice %arg8[%add3A_105, %dma_start3A_112] : memref<40x128xi32, #tpu.memory_space<vmem>> -> memref<1x128xi32, #tpu.memory_space<vmem>>
      %dma_start3A_114 = tpu.memref_squeeze %dma_start3A_113 : memref<1x128xi32, #tpu.memory_space<vmem>> -> memref<128xi32, #tpu.memory_space<vmem>>
      %dma_start3A_115 = arith.constant 0 : i32
      %dma_start3A_116 = arith.constant 0 : i32
      %dma_start3A_117 = tpu.memref_slice %arg6[%dma_start3A_115, %dma_start3A_116] : memref<10112x128xf32, #tpu.memory_space<vmem_shared>> -> memref<10112x128xf32, #tpu.memory_space<vmem_shared>>
      tpu.enqueue_indirect_dma source(%arg9 : memref<128x128xf32, #tpu.memory_space<vmem>>) target(%dma_start3A_117 : memref<10112x128xf32, #tpu.memory_space<vmem_shared>>) offsets(%dma_start3A_114 : memref<128xi32, #tpu.memory_space<vmem>>) semaphore(%arg13 : memref<!tpu.dma_semaphore, #tpu.memory_space<semaphore_mem>>) {add = true}
      %mul3A_118 = arith.constant 2 : i32
      %mul3A_119 = arith.muli %mul3A_118, %scan3A_74 : i32
      %add3A_120 = arith.constant 1 : i32
      %add3A_121 = arith.addi %mul3A_119, %add3A_120 : i32
      %dma_wait3A_122 = arith.constant 0 : i32
      %dma_wait3A_123 = tpu.memref_slice %arg7[%add3A_121, %dma_wait3A_122] : memref<40x128xi32, #tpu.memory_space<vmem>> -> memref<1x128xi32, #tpu.memory_space<vmem>>
      %dma_wait3A_124 = tpu.memref_squeeze %dma_wait3A_123 : memref<1x128xi32, #tpu.memory_space<vmem>> -> memref<128xi32, #tpu.memory_space<vmem>>
      %dma_wait3A_125 = arith.constant 0 : i32
      %dma_wait3A_126 = arith.constant 0 : i32
      %dma_wait3A_127 = tpu.memref_slice %arg2[%dma_wait3A_125, %dma_wait3A_126] : memref<10240x128xf32, #tpu.memory_space<hbm>> -> memref<10240x128xf32, #tpu.memory_space<hbm>>
      tpu.wait_indirect_dma semaphore(%arg12 : memref<!tpu.dma_semaphore, #tpu.memory_space<semaphore_mem>>) src(%dma_wait3A_127 : memref<10240x128xf32, #tpu.memory_space<hbm>>) dst(%arg10 : memref<128x128xf32, #tpu.memory_space<vmem>>)
      %dma_start3A_128 = arith.constant 0 : i32
      %dma_start3A_129 = tpu.memref_slice %arg8[%add3A_121, %dma_start3A_128] : memref<40x128xi32, #tpu.memory_space<vmem>> -> memref<1x128xi32, #tpu.memory_space<vmem>>
      %dma_start3A_130 = tpu.memref_squeeze %dma_start3A_129 : memref<1x128xi32, #tpu.memory_space<vmem>> -> memref<128xi32, #tpu.memory_space<vmem>>
      %dma_start3A_131 = arith.constant 0 : i32
      %dma_start3A_132 = arith.constant 0 : i32
      %dma_start3A_133 = tpu.memref_slice %arg6[%dma_start3A_131, %dma_start3A_132] : memref<10112x128xf32, #tpu.memory_space<vmem_shared>> -> memref<10112x128xf32, #tpu.memory_space<vmem_shared>>
      tpu.enqueue_indirect_dma source(%arg10 : memref<128x128xf32, #tpu.memory_space<vmem>>) target(%dma_start3A_133 : memref<10112x128xf32, #tpu.memory_space<vmem_shared>>) offsets(%dma_start3A_130 : memref<128xi32, #tpu.memory_space<vmem>>) semaphore(%arg14 : memref<!tpu.dma_semaphore, #tpu.memory_space<semaphore_mem>>) {add = true}
      %scan3A_134 = arith.constant 0 : i32
      scf.yield %scan3A_134 : i32
    }
    %scan3A_31 = arith.constant 20 : i32
    %dma_wait3A = arith.constant 0 : i32
    %dma_wait3A_32 = arith.constant 0 : i32
    %dma_wait3A_33 = tpu.memref_slice %arg8[%dma_wait3A, %dma_wait3A_32] : memref<40x128xi32, #tpu.memory_space<vmem>> -> memref<1x128xi32, #tpu.memory_space<vmem>>
    %dma_wait3A_34 = tpu.memref_squeeze %dma_wait3A_33 : memref<1x128xi32, #tpu.memory_space<vmem>> -> memref<128xi32, #tpu.memory_space<vmem>>
    %dma_wait3A_35 = arith.constant 0 : i32
    %dma_wait3A_36 = arith.constant 0 : i32
    %dma_wait3A_37 = tpu.memref_slice %arg6[%dma_wait3A_35, %dma_wait3A_36] : memref<10112x128xf32, #tpu.memory_space<vmem_shared>> -> memref<10112x128xf32, #tpu.memory_space<vmem_shared>>
    tpu.wait_indirect_dma semaphore(%arg13 : memref<!tpu.dma_semaphore, #tpu.memory_space<semaphore_mem>>) src(%arg9 : memref<128x128xf32, #tpu.memory_space<vmem>>) dst(%dma_wait3A_37 : memref<10112x128xf32, #tpu.memory_space<vmem_shared>>)
    %dma_wait3A_38 = arith.constant 0 : i32
    %dma_wait3A_39 = arith.constant 0 : i32
    %dma_wait3A_40 = tpu.memref_slice %arg8[%dma_wait3A_38, %dma_wait3A_39] : memref<40x128xi32, #tpu.memory_space<vmem>> -> memref<1x128xi32, #tpu.memory_space<vmem>>
    %dma_wait3A_41 = tpu.memref_squeeze %dma_wait3A_40 : memref<1x128xi32, #tpu.memory_space<vmem>> -> memref<128xi32, #tpu.memory_space<vmem>>
    %dma_wait3A_42 = arith.constant 0 : i32
    %dma_wait3A_43 = arith.constant 0 : i32
    %dma_wait3A_44 = tpu.memref_slice %arg6[%dma_wait3A_42, %dma_wait3A_43] : memref<10112x128xf32, #tpu.memory_space<vmem_shared>> -> memref<10112x128xf32, #tpu.memory_space<vmem_shared>>
    tpu.wait_indirect_dma semaphore(%arg14 : memref<!tpu.dma_semaphore, #tpu.memory_space<semaphore_mem>>) src(%arg10 : memref<128x128xf32, #tpu.memory_space<vmem>>) dst(%dma_wait3A_44 : memref<10112x128xf32, #tpu.memory_space<vmem_shared>>)
    %add3A_45 = arith.constant 40 : i32
    %add3A_46 = arith.addi %mul3A_20, %add3A_45 : i32
    "tpu.region"() ({
      %run_scoped3A = tpu.sem_alloc : memref<!tpu.dma_semaphore, #tpu.memory_space<semaphore_mem>>
      %dma_start3A = arith.constant 0 : i32
      %dma_start3A_74 = tpu.memref_slice %arg3[%add3A_46, %dma_start3A] : memref<2560x128xi32, #tpu.memory_space<hbm>> -> memref<40x128xi32, #tpu.memory_space<hbm>>
      %dma_start3A_75 = arith.constant 0 : i32
      %dma_start3A_76 = tpu.memref_slice %arg3[%add3A_46, %dma_start3A_75] : memref<2560x128xi32, #tpu.memory_space<hbm>> -> memref<40x128xi32, #tpu.memory_space<hbm>>
      tpu.enqueue_dma source(%dma_start3A_76 : memref<40x128xi32, #tpu.memory_space<hbm>>) target(%arg7 : memref<40x128xi32, #tpu.memory_space<vmem>>) target_semaphore(%run_scoped3A : memref<!tpu.dma_semaphore, #tpu.memory_space<semaphore_mem>>)
      %dma_wait3A_77 = arith.constant 0 : i32
      %dma_wait3A_78 = tpu.memref_slice %arg3[%add3A_46, %dma_wait3A_77] : memref<2560x128xi32, #tpu.memory_space<hbm>> -> memref<40x128xi32, #tpu.memory_space<hbm>>
      %dma_wait3A_79 = arith.constant 0 : i32
      %dma_wait3A_80 = tpu.memref_slice %arg3[%add3A_46, %dma_wait3A_79] : memref<2560x128xi32, #tpu.memory_space<hbm>> -> memref<40x128xi32, #tpu.memory_space<hbm>>
      tpu.wait_dma2 semaphore(%run_scoped3A : memref<!tpu.dma_semaphore, #tpu.memory_space<semaphore_mem>>) src(%dma_wait3A_80 : memref<40x128xi32, #tpu.memory_space<hbm>>) dst(%arg7 : memref<40x128xi32, #tpu.memory_space<vmem>>)
      tpu.yield
    }) : () -> ()
    %add3A_47 = arith.constant 40 : i32
    %add3A_48 = arith.addi %mul3A_20, %add3A_47 : i32
    "tpu.region"() ({
      %run_scoped3A = tpu.sem_alloc : memref<!tpu.dma_semaphore, #tpu.memory_space<semaphore_mem>>
      %dma_start3A = arith.constant 0 : i32
      %dma_start3A_74 = tpu.memref_slice %arg4[%add3A_48, %dma_start3A] : memref<2560x128xi32, #tpu.memory_space<hbm>> -> memref<40x128xi32, #tpu.memory_space<hbm>>
      %dma_start3A_75 = arith.constant 0 : i32
      %dma_start3A_76 = tpu.memref_slice %arg4[%add3A_48, %dma_start3A_75] : memref<2560x128xi32, #tpu.memory_space<hbm>> -> memref<40x128xi32, #tpu.memory_space<hbm>>
      tpu.enqueue_dma source(%dma_start3A_76 : memref<40x128xi32, #tpu.memory_space<hbm>>) target(%arg8 : memref<40x128xi32, #tpu.memory_space<vmem>>) target_semaphore(%run_scoped3A : memref<!tpu.dma_semaphore, #tpu.memory_space<semaphore_mem>>)
      %dma_wait3A_77 = arith.constant 0 : i32
      %dma_wait3A_78 = tpu.memref_slice %arg4[%add3A_48, %dma_wait3A_77] : memref<2560x128xi32, #tpu.memory_space<hbm>> -> memref<40x128xi32, #tpu.memory_space<hbm>>
      %dma_wait3A_79 = arith.constant 0 : i32
      %dma_wait3A_80 = tpu.memref_slice %arg4[%add3A_48, %dma_wait3A_79] : memref<2560x128xi32, #tpu.memory_space<hbm>> -> memref<40x128xi32, #tpu.memory_space<hbm>>
      tpu.wait_dma2 semaphore(%run_scoped3A : memref<!tpu.dma_semaphore, #tpu.memory_space<semaphore_mem>>) src(%dma_wait3A_80 : memref<40x128xi32, #tpu.memory_space<hbm>>) dst(%arg8 : memref<40x128xi32, #tpu.memory_space<vmem>>)
      tpu.yield
    }) : () -> ()
    %scan3A_49 = arith.constant 0 : i32
    %scan3A_50 = arith.constant 0 : i32
    %scan3A_51 = arith.constant 20 : i32
    %scan3A_52 = arith.addi %scan3A_50, %scan3A_51 : i32
    %scan3A_53 = arith.constant 1 : i32
    %scan3A_54 = scf.for %scan3A_74 = %scan3A_50 to %scan3A_52 step %scan3A_53 iter_args(%scan3A_75 = %scan3A_49) -> (i32)  : i32 {
      %mul3A_76 = arith.constant 2 : i32
      %mul3A_77 = arith.muli %mul3A_76, %scan3A_74 : i32
      %add3A_78 = arith.constant 0 : i32
      %add3A_79 = arith.addi %mul3A_77, %add3A_78 : i32
      %gt3A = arith.constant 0 : i32
      %gt3A_80 = arith.cmpi sgt, %scan3A_74, %gt3A : i32
      %convert_element_type3A = arith.extui %gt3A_80 : i1 to i32
      %cond3A = arith.constant 0 : i32
      %cond3A_81 = arith.cmpi ne, %convert_element_type3A, %cond3A : i32
      scf.if %cond3A_81 {
        %dma_wait3A_135 = arith.constant 0 : i32
        %dma_wait3A_136 = arith.constant 0 : i32
        %dma_wait3A_137 = tpu.memref_slice %arg8[%dma_wait3A_135, %dma_wait3A_136] : memref<40x128xi32, #tpu.memory_space<vmem>> -> memref<1x128xi32, #tpu.memory_space<vmem>>
        %dma_wait3A_138 = tpu.memref_squeeze %dma_wait3A_137 : memref<1x128xi32, #tpu.memory_space<vmem>> -> memref<128xi32, #tpu.memory_space<vmem>>
        %dma_wait3A_139 = arith.constant 0 : i32
        %dma_wait3A_140 = arith.constant 0 : i32
        %dma_wait3A_141 = tpu.memref_slice %arg6[%dma_wait3A_139, %dma_wait3A_140] : memref<10112x128xf32, #tpu.memory_space<vmem_shared>> -> memref<10112x128xf32, #tpu.memory_space<vmem_shared>>
        tpu.wait_indirect_dma semaphore(%arg13 : memref<!tpu.dma_semaphore, #tpu.memory_space<semaphore_mem>>) src(%arg9 : memref<128x128xf32, #tpu.memory_space<vmem>>) dst(%dma_wait3A_141 : memref<10112x128xf32, #tpu.memory_space<vmem_shared>>)
      } else {
      }
      %dma_start3A = arith.constant 0 : i32
      %dma_start3A_82 = tpu.memref_slice %arg7[%add3A_79, %dma_start3A] : memref<40x128xi32, #tpu.memory_space<vmem>> -> memref<1x128xi32, #tpu.memory_space<vmem>>
      %dma_start3A_83 = tpu.memref_squeeze %dma_start3A_82 : memref<1x128xi32, #tpu.memory_space<vmem>> -> memref<128xi32, #tpu.memory_space<vmem>>
      %dma_start3A_84 = arith.constant 0 : i32
      %dma_start3A_85 = arith.constant 0 : i32
      %dma_start3A_86 = tpu.memref_slice %arg2[%dma_start3A_84, %dma_start3A_85] : memref<10240x128xf32, #tpu.memory_space<hbm>> -> memref<10240x128xf32, #tpu.memory_space<hbm>>
      tpu.enqueue_indirect_dma source(%dma_start3A_86 : memref<10240x128xf32, #tpu.memory_space<hbm>>) target(%arg9 : memref<128x128xf32, #tpu.memory_space<vmem>>) offsets(%dma_start3A_83 : memref<128xi32, #tpu.memory_space<vmem>>) semaphore(%arg11 : memref<!tpu.dma_semaphore, #tpu.memory_space<semaphore_mem>>)
      %mul3A_87 = arith.constant 2 : i32
      %mul3A_88 = arith.muli %mul3A_87, %scan3A_74 : i32
      %add3A_89 = arith.constant 1 : i32
      %add3A_90 = arith.addi %mul3A_88, %add3A_89 : i32
      %gt3A_91 = arith.constant 0 : i32
      %gt3A_92 = arith.cmpi sgt, %scan3A_74, %gt3A_91 : i32
      %convert_element_type3A_93 = arith.extui %gt3A_92 : i1 to i32
      %cond3A_94 = arith.constant 0 : i32
      %cond3A_95 = arith.cmpi ne, %convert_element_type3A_93, %cond3A_94 : i32
      scf.if %cond3A_95 {
        %dma_wait3A_135 = arith.constant 0 : i32
        %dma_wait3A_136 = arith.constant 0 : i32
        %dma_wait3A_137 = tpu.memref_slice %arg8[%dma_wait3A_135, %dma_wait3A_136] : memref<40x128xi32, #tpu.memory_space<vmem>> -> memref<1x128xi32, #tpu.memory_space<vmem>>
        %dma_wait3A_138 = tpu.memref_squeeze %dma_wait3A_137 : memref<1x128xi32, #tpu.memory_space<vmem>> -> memref<128xi32, #tpu.memory_space<vmem>>
        %dma_wait3A_139 = arith.constant 0 : i32
        %dma_wait3A_140 = arith.constant 0 : i32
        %dma_wait3A_141 = tpu.memref_slice %arg6[%dma_wait3A_139, %dma_wait3A_140] : memref<10112x128xf32, #tpu.memory_space<vmem_shared>> -> memref<10112x128xf32, #tpu.memory_space<vmem_shared>>
        tpu.wait_indirect_dma semaphore(%arg14 : memref<!tpu.dma_semaphore, #tpu.memory_space<semaphore_mem>>) src(%arg10 : memref<128x128xf32, #tpu.memory_space<vmem>>) dst(%dma_wait3A_141 : memref<10112x128xf32, #tpu.memory_space<vmem_shared>>)
      } else {
      }
      %dma_start3A_96 = arith.constant 0 : i32
      %dma_start3A_97 = tpu.memref_slice %arg7[%add3A_90, %dma_start3A_96] : memref<40x128xi32, #tpu.memory_space<vmem>> -> memref<1x128xi32, #tpu.memory_space<vmem>>
      %dma_start3A_98 = tpu.memref_squeeze %dma_start3A_97 : memref<1x128xi32, #tpu.memory_space<vmem>> -> memref<128xi32, #tpu.memory_space<vmem>>
      %dma_start3A_99 = arith.constant 0 : i32
      %dma_start3A_100 = arith.constant 0 : i32
      %dma_start3A_101 = tpu.memref_slice %arg2[%dma_start3A_99, %dma_start3A_100] : memref<10240x128xf32, #tpu.memory_space<hbm>> -> memref<10240x128xf32, #tpu.memory_space<hbm>>
      tpu.enqueue_indirect_dma source(%dma_start3A_101 : memref<10240x128xf32, #tpu.memory_space<hbm>>) target(%arg10 : memref<128x128xf32, #tpu.memory_space<vmem>>) offsets(%dma_start3A_98 : memref<128xi32, #tpu.memory_space<vmem>>) semaphore(%arg12 : memref<!tpu.dma_semaphore, #tpu.memory_space<semaphore_mem>>)
      %mul3A_102 = arith.constant 2 : i32
      %mul3A_103 = arith.muli %mul3A_102, %scan3A_74 : i32
      %add3A_104 = arith.constant 0 : i32
      %add3A_105 = arith.addi %mul3A_103, %add3A_104 : i32
      %dma_wait3A_106 = arith.constant 0 : i32
      %dma_wait3A_107 = tpu.memref_slice %arg7[%add3A_105, %dma_wait3A_106] : memref<40x128xi32, #tpu.memory_space<vmem>> -> memref<1x128xi32, #tpu.memory_space<vmem>>
      %dma_wait3A_108 = tpu.memref_squeeze %dma_wait3A_107 : memref<1x128xi32, #tpu.memory_space<vmem>> -> memref<128xi32, #tpu.memory_space<vmem>>
      %dma_wait3A_109 = arith.constant 0 : i32
      %dma_wait3A_110 = arith.constant 0 : i32
      %dma_wait3A_111 = tpu.memref_slice %arg2[%dma_wait3A_109, %dma_wait3A_110] : memref<10240x128xf32, #tpu.memory_space<hbm>> -> memref<10240x128xf32, #tpu.memory_space<hbm>>
      tpu.wait_indirect_dma semaphore(%arg11 : memref<!tpu.dma_semaphore, #tpu.memory_space<semaphore_mem>>) src(%dma_wait3A_111 : memref<10240x128xf32, #tpu.memory_space<hbm>>) dst(%arg9 : memref<128x128xf32, #tpu.memory_space<vmem>>)
      %dma_start3A_112 = arith.constant 0 : i32
      %dma_start3A_113 = tpu.memref_slice %arg8[%add3A_105, %dma_start3A_112] : memref<40x128xi32, #tpu.memory_space<vmem>> -> memref<1x128xi32, #tpu.memory_space<vmem>>
      %dma_start3A_114 = tpu.memref_squeeze %dma_start3A_113 : memref<1x128xi32, #tpu.memory_space<vmem>> -> memref<128xi32, #tpu.memory_space<vmem>>
      %dma_start3A_115 = arith.constant 0 : i32
      %dma_start3A_116 = arith.constant 0 : i32
      %dma_start3A_117 = tpu.memref_slice %arg6[%dma_start3A_115, %dma_start3A_116] : memref<10112x128xf32, #tpu.memory_space<vmem_shared>> -> memref<10112x128xf32, #tpu.memory_space<vmem_shared>>
      tpu.enqueue_indirect_dma source(%arg9 : memref<128x128xf32, #tpu.memory_space<vmem>>) target(%dma_start3A_117 : memref<10112x128xf32, #tpu.memory_space<vmem_shared>>) offsets(%dma_start3A_114 : memref<128xi32, #tpu.memory_space<vmem>>) semaphore(%arg13 : memref<!tpu.dma_semaphore, #tpu.memory_space<semaphore_mem>>) {add = true}
      %mul3A_118 = arith.constant 2 : i32
      %mul3A_119 = arith.muli %mul3A_118, %scan3A_74 : i32
      %add3A_120 = arith.constant 1 : i32
      %add3A_121 = arith.addi %mul3A_119, %add3A_120 : i32
      %dma_wait3A_122 = arith.constant 0 : i32
      %dma_wait3A_123 = tpu.memref_slice %arg7[%add3A_121, %dma_wait3A_122] : memref<40x128xi32, #tpu.memory_space<vmem>> -> memref<1x128xi32, #tpu.memory_space<vmem>>
      %dma_wait3A_124 = tpu.memref_squeeze %dma_wait3A_123 : memref<1x128xi32, #tpu.memory_space<vmem>> -> memref<128xi32, #tpu.memory_space<vmem>>
      %dma_wait3A_125 = arith.constant 0 : i32
      %dma_wait3A_126 = arith.constant 0 : i32
      %dma_wait3A_127 = tpu.memref_slice %arg2[%dma_wait3A_125, %dma_wait3A_126] : memref<10240x128xf32, #tpu.memory_space<hbm>> -> memref<10240x128xf32, #tpu.memory_space<hbm>>
      tpu.wait_indirect_dma semaphore(%arg12 : memref<!tpu.dma_semaphore, #tpu.memory_space<semaphore_mem>>) src(%dma_wait3A_127 : memref<10240x128xf32, #tpu.memory_space<hbm>>) dst(%arg10 : memref<128x128xf32, #tpu.memory_space<vmem>>)
      %dma_start3A_128 = arith.constant 0 : i32
      %dma_start3A_129 = tpu.memref_slice %arg8[%add3A_121, %dma_start3A_128] : memref<40x128xi32, #tpu.memory_space<vmem>> -> memref<1x128xi32, #tpu.memory_space<vmem>>
      %dma_start3A_130 = tpu.memref_squeeze %dma_start3A_129 : memref<1x128xi32, #tpu.memory_space<vmem>> -> memref<128xi32, #tpu.memory_space<vmem>>
      %dma_start3A_131 = arith.constant 0 : i32
      %dma_start3A_132 = arith.constant 0 : i32
      %dma_start3A_133 = tpu.memref_slice %arg6[%dma_start3A_131, %dma_start3A_132] : memref<10112x128xf32, #tpu.memory_space<vmem_shared>> -> memref<10112x128xf32, #tpu.memory_space<vmem_shared>>
      tpu.enqueue_indirect_dma source(%arg10 : memref<128x128xf32, #tpu.memory_space<vmem>>) target(%dma_start3A_133 : memref<10112x128xf32, #tpu.memory_space<vmem_shared>>) offsets(%dma_start3A_130 : memref<128xi32, #tpu.memory_space<vmem>>) semaphore(%arg14 : memref<!tpu.dma_semaphore, #tpu.memory_space<semaphore_mem>>) {add = true}
      %scan3A_134 = arith.constant 0 : i32
      scf.yield %scan3A_134 : i32
    }
    %scan3A_55 = arith.constant 20 : i32
    %dma_wait3A_56 = arith.constant 0 : i32
    %dma_wait3A_57 = arith.constant 0 : i32
    %dma_wait3A_58 = tpu.memref_slice %arg8[%dma_wait3A_56, %dma_wait3A_57] : memref<40x128xi32, #tpu.memory_space<vmem>> -> memref<1x128xi32, #tpu.memory_space<vmem>>
    %dma_wait3A_59 = tpu.memref_squeeze %dma_wait3A_58 : memref<1x128xi32, #tpu.memory_space<vmem>> -> memref<128xi32, #tpu.memory_space<vmem>>
    %dma_wait3A_60 = arith.constant 0 : i32
    %dma_wait3A_61 = arith.constant 0 : i32
    %dma_wait3A_62 = tpu.memref_slice %arg6[%dma_wait3A_60, %dma_wait3A_61] : memref<10112x128xf32, #tpu.memory_space<vmem_shared>> -> memref<10112x128xf32, #tpu.memory_space<vmem_shared>>
    tpu.wait_indirect_dma semaphore(%arg13 : memref<!tpu.dma_semaphore, #tpu.memory_space<semaphore_mem>>) src(%arg9 : memref<128x128xf32, #tpu.memory_space<vmem>>) dst(%dma_wait3A_62 : memref<10112x128xf32, #tpu.memory_space<vmem_shared>>)
    %dma_wait3A_63 = arith.constant 0 : i32
    %dma_wait3A_64 = arith.constant 0 : i32
    %dma_wait3A_65 = tpu.memref_slice %arg8[%dma_wait3A_63, %dma_wait3A_64] : memref<40x128xi32, #tpu.memory_space<vmem>> -> memref<1x128xi32, #tpu.memory_space<vmem>>
    %dma_wait3A_66 = tpu.memref_squeeze %dma_wait3A_65 : memref<1x128xi32, #tpu.memory_space<vmem>> -> memref<128xi32, #tpu.memory_space<vmem>>
    %dma_wait3A_67 = arith.constant 0 : i32
    %dma_wait3A_68 = arith.constant 0 : i32
    %dma_wait3A_69 = tpu.memref_slice %arg6[%dma_wait3A_67, %dma_wait3A_68] : memref<10112x128xf32, #tpu.memory_space<vmem_shared>> -> memref<10112x128xf32, #tpu.memory_space<vmem_shared>>
    tpu.wait_indirect_dma semaphore(%arg14 : memref<!tpu.dma_semaphore, #tpu.memory_space<semaphore_mem>>) src(%arg10 : memref<128x128xf32, #tpu.memory_space<vmem>>) dst(%dma_wait3A_69 : memref<10112x128xf32, #tpu.memory_space<vmem_shared>>)
    %barrier3A_70 = arith.constant 0 : index
    tpu.barrier barrier_id(%barrier3A_70)
    %mul3A_71 = arith.constant 10240 : i32
    %mul3A_72 = arith.muli %arg0, %mul3A_71 : i32
    %add3A_73 = arith.addi %mul3A_72, %mul3A_6 : i32
    "tpu.region"() ({
      %run_scoped3A = tpu.sem_alloc : memref<!tpu.dma_semaphore, #tpu.memory_space<semaphore_mem>>
      %dma_start3A = arith.constant 0 : i32
      %dma_start3A_74 = tpu.memref_slice %arg5[%add3A_73, %dma_start3A] : memref<20480x128xf32, #tpu.memory_space<hbm>> -> memref<632x128xf32, #tpu.memory_space<hbm>>
      %dma_start3A_75 = arith.constant 0 : i32
      %dma_start3A_76 = tpu.memref_slice %arg6[%mul3A_6, %dma_start3A_75] : memref<10112x128xf32, #tpu.memory_space<vmem_shared>> -> memref<632x128xf32, #tpu.memory_space<vmem_shared>>
      tpu.enqueue_dma source(%dma_start3A_76 : memref<632x128xf32, #tpu.memory_space<vmem_shared>>) target(%dma_start3A_74 : memref<632x128xf32, #tpu.memory_space<hbm>>) target_semaphore(%run_scoped3A : memref<!tpu.dma_semaphore, #tpu.memory_space<semaphore_mem>>)
      %dma_wait3A_77 = arith.constant 0 : i32
      %dma_wait3A_78 = tpu.memref_slice %arg5[%add3A_73, %dma_wait3A_77] : memref<20480x128xf32, #tpu.memory_space<hbm>> -> memref<632x128xf32, #tpu.memory_space<hbm>>
      %dma_wait3A_79 = arith.constant 0 : i32
      %dma_wait3A_80 = tpu.memref_slice %arg6[%mul3A_6, %dma_wait3A_79] : memref<10112x128xf32, #tpu.memory_space<vmem_shared>> -> memref<632x128xf32, #tpu.memory_space<vmem_shared>>
      tpu.wait_dma2 semaphore(%run_scoped3A : memref<!tpu.dma_semaphore, #tpu.memory_space<semaphore_mem>>) src(%dma_wait3A_80 : memref<632x128xf32, #tpu.memory_space<vmem_shared>>) dst(%dma_wait3A_78 : memref<632x128xf32, #tpu.memory_space<hbm>>)
      tpu.yield
    }) : () -> ()
    return
  }
}

module attributes {stable_mosaic.version = 14 : i64} {
  func.func @_mm_scale_body(%arg0: i32, %arg1: memref<256x128xf32, #tpu.memory_space<vmem>>, %arg2: memref<128x128xf32, #tpu.memory_space<vmem>>, %arg3: memref<256x1xf32, #tpu.memory_space<vmem>>, %arg4: memref<256x1xf32, #tpu.memory_space<vmem>>, %arg5: memref<256x128xf32, #tpu.memory_space<vmem>>, %arg6: memref<256x1xf32, #tpu.memory_space<vmem>>) attributes {dimension_semantics = [#tpu.dimension_semantics<arbitrary>], iteration_bounds = array<i64: 40>, scalar_prefetch = 0 : i64, scratch_operands = 0 : i64, tpu.core_type = #tpu.core_type<tc>, window_params = [{transform_indices = @transform_0, window_bounds = array<i64: 256, 128>}, {pipeline_mode = #tpu.pipeline_mode<synchronous>, transform_indices = @transform_1, window_bounds = array<i64: 128, 128>}, {transform_indices = @transform_2, window_bounds = array<i64: 256, 1>}, {transform_indices = @transform_3, window_bounds = array<i64: 256, 1>}, {transform_indices = @transform_4, window_bounds = array<i64: 256, 128>}, {transform_indices = @transform_5, window_bounds = array<i64: 256, 1>}]} {
    %get3A = arith.constant 0 : index
    %get3A_0 = arith.constant 0 : index
    %get3A_1 = vector.load %arg3[%get3A, %get3A_0] : memref<256x1xf32, #tpu.memory_space<vmem>>, vector<256x1xf32>
    %get3A_2 = arith.constant 0 : index
    %get3A_3 = arith.constant 0 : index
    %get3A_4 = vector.load %arg4[%get3A_2, %get3A_3] : memref<256x1xf32, #tpu.memory_space<vmem>>, vector<256x1xf32>
    %add3A = arith.addf %get3A_1, %get3A_4 : vector<256x1xf32>
    %rsqrt3A = math.rsqrt %add3A : vector<256x1xf32>
    %swap3A = arith.constant 0 : index
    %swap3A_5 = arith.constant 0 : index
    %swap3A_6 = vector.load %arg6[%swap3A, %swap3A_5] : memref<256x1xf32, #tpu.memory_space<vmem>>, vector<256x1xf32>
    tpu.vector_store %arg6[%swap3A, %swap3A_5], %rsqrt3A {strides = array<i32>} : memref<256x1xf32, #tpu.memory_space<vmem>>, vector<256x1xf32>,
    %get3A_7 = arith.constant 0 : index
    %get3A_8 = arith.constant 0 : index
    %get3A_9 = vector.load %arg1[%get3A_7, %get3A_8] : memref<256x128xf32, #tpu.memory_space<vmem>>, vector<256x128xf32>
    %get3A_10 = arith.constant 0 : index
    %get3A_11 = arith.constant 0 : index
    %get3A_12 = vector.load %arg2[%get3A_10, %get3A_11] : memref<128x128xf32, #tpu.memory_space<vmem>>, vector<128x128xf32>
    %dot_general3A = arith.constant dense<0.000000e+00> : vector<256x128xf32>
    %dot_general3A_13 = tpu.matmul %get3A_9, %get3A_12, %dot_general3A {dimension_numbers = #tpu.dot_dimension_numbers<[1], [0], [0], [1], [0, 0, 1, 1], [], []>, transpose_lhs_hint = false} : vector<256x128xf32>, vector<128x128xf32>, vector<256x128xf32> -> vector<256x128xf32>
    %mul3A = vector.broadcast %rsqrt3A : vector<256x1xf32> to vector<256x128xf32>
    %mul3A_14 = arith.mulf %dot_general3A_13, %mul3A : vector<256x128xf32>
    %swap3A_15 = arith.constant 0 : index
    %swap3A_16 = arith.constant 0 : index
    %swap3A_17 = vector.load %arg5[%swap3A_15, %swap3A_16] : memref<256x128xf32, #tpu.memory_space<vmem>>, vector<256x128xf32>
    tpu.vector_store %arg5[%swap3A_15, %swap3A_16], %mul3A_14 {strides = array<i32>} : memref<256x128xf32, #tpu.memory_space<vmem>>, vector<256x128xf32>,
    return
  }
  func.func @transform_0(%arg0: i32) -> (i32, i32) {
    %c0_i32 = arith.constant 0 : i32
    %c0_i32_0 = arith.constant 0 : i32
    return %arg0, %c0_i32 : i32, i32
  }
  func.func @transform_1(%arg0: i32) -> (i32, i32) {
    %c0_i32 = arith.constant 0 : i32
    %c0_i32_0 = arith.constant 0 : i32
    %c0_i32_1 = arith.constant 0 : i32
    return %c0_i32, %c0_i32_0 : i32, i32
  }
  func.func @transform_2(%arg0: i32) -> (i32, i32) {
    %c0_i32 = arith.constant 0 : i32
    %c0_i32_0 = arith.constant 0 : i32
    return %arg0, %c0_i32 : i32, i32
  }
  func.func @transform_3(%arg0: i32) -> (i32, i32) {
    %add3A = arith.constant 40 : i32
    %add3A_0 = arith.addi %arg0, %add3A : i32
    %c0_i32 = arith.constant 0 : i32
    %c0_i32_1 = arith.constant 0 : i32
    return %add3A_0, %c0_i32 : i32, i32
  }
  func.func @transform_4(%arg0: i32) -> (i32, i32) {
    %c0_i32 = arith.constant 0 : i32
    %c0_i32_0 = arith.constant 0 : i32
    return %arg0, %c0_i32 : i32, i32
  }
  func.func @transform_5(%arg0: i32) -> (i32, i32) {
    %c0_i32 = arith.constant 0 : i32
    %c0_i32_0 = arith.constant 0 : i32
    return %arg0, %c0_i32 : i32, i32
  }
}

module attributes {stable_mosaic.version = 14 : i64} {
  func.func @_layer_mid_body(%arg0: i32, %arg1: memref<256x128xf32, #tpu.memory_space<vmem>>, %arg2: memref<256x128xf32, #tpu.memory_space<vmem>>, %arg3: memref<256x128xf32, #tpu.memory_space<vmem>>, %arg4: memref<256x1xf32, #tpu.memory_space<vmem>>, %arg5: memref<1x128xf32, #tpu.memory_space<vmem>>, %arg6: memref<128x128xf32, #tpu.memory_space<vmem>>, %arg7: memref<256x128xf32, #tpu.memory_space<vmem>>) attributes {dimension_semantics = [#tpu.dimension_semantics<arbitrary>], iteration_bounds = array<i64: 40>, scalar_prefetch = 0 : i64, scratch_operands = 0 : i64, tpu.core_type = #tpu.core_type<tc>, window_params = [{transform_indices = @transform_0, window_bounds = array<i64: 256, 128>}, {transform_indices = @transform_1, window_bounds = array<i64: 256, 128>}, {transform_indices = @transform_2, window_bounds = array<i64: 256, 128>}, {transform_indices = @transform_3, window_bounds = array<i64: 256, 1>}, {pipeline_mode = #tpu.pipeline_mode<synchronous>, transform_indices = @transform_4, window_bounds = array<i64: 1, 128>}, {pipeline_mode = #tpu.pipeline_mode<synchronous>, transform_indices = @transform_5, window_bounds = array<i64: 128, 128>}, {transform_indices = @transform_6, window_bounds = array<i64: 256, 128>}]} {
    %get3A = arith.constant 0 : index
    %get3A_0 = arith.constant 0 : index
    %get3A_1 = vector.load %arg1[%get3A, %get3A_0] : memref<256x128xf32, #tpu.memory_space<vmem>>, vector<256x128xf32>
    %get3A_2 = arith.constant 0 : index
    %get3A_3 = arith.constant 0 : index
    %get3A_4 = vector.load %arg2[%get3A_2, %get3A_3] : memref<256x128xf32, #tpu.memory_space<vmem>>, vector<256x128xf32>
    %add3A = arith.addf %get3A_1, %get3A_4 : vector<256x128xf32>
    %get3A_5 = arith.constant 0 : index
    %get3A_6 = arith.constant 0 : index
    %get3A_7 = vector.load %arg3[%get3A_5, %get3A_6] : memref<256x128xf32, #tpu.memory_space<vmem>>, vector<256x128xf32>
    %add3A_8 = arith.addf %add3A, %get3A_7 : vector<256x128xf32>
    %get3A_9 = arith.constant 0 : index
    %get3A_10 = arith.constant 0 : index
    %get3A_11 = vector.load %arg4[%get3A_9, %get3A_10] : memref<256x1xf32, #tpu.memory_space<vmem>>, vector<256x1xf32>
    %mul3A = vector.broadcast %get3A_11 : vector<256x1xf32> to vector<256x128xf32>
    %mul3A_12 = arith.mulf %mul3A, %add3A_8 : vector<256x128xf32>
    %get3A_13 = arith.constant 0 : index
    %get3A_14 = arith.constant 0 : index
    %get3A_15 = vector.load %arg5[%get3A_13, %get3A_14] : memref<1x128xf32, #tpu.memory_space<vmem>>, vector<1x128xf32>
    %add3A_16 = vector.broadcast %get3A_15 : vector<1x128xf32> to vector<256x128xf32>
    %add3A_17 = arith.addf %mul3A_12, %add3A_16 : vector<256x128xf32>
    %max3A = arith.constant 0.000000e+00 : f32
    %max3A_18 = vector.broadcast %max3A : f32 to vector<256x128xf32>
    %max3A_19 = arith.maximumf %add3A_17, %max3A_18 : vector<256x128xf32>
    %mul3A_20 = arith.constant 256 : i32
    %mul3A_21 = arith.muli %arg0, %mul3A_20 : i32
    %iota3A = tpu.iota {dimensions = array<i32: 0>} : vector<256x128xi32>
    %add3A_22 = vector.broadcast %mul3A_21 : i32 to vector<256x128xi32>
    %add3A_23 = arith.addi %add3A_22, %iota3A : vector<256x128xi32>
    %lt3A = arith.constant 10000 : i32
    %lt3A_24 = vector.broadcast %lt3A : i32 to vector<256x128xi32>
    %lt3A_25 = arith.cmpi slt, %add3A_23, %lt3A_24 : vector<256x128xi32>
    %jit3A = arith.constant 0.000000e+00 : f32
    %broadcast_in_dim3A = vector.broadcast %jit3A : f32 to vector<256x128xf32>
    %select_n3A = arith.select %lt3A_25, %max3A_19, %broadcast_in_dim3A : vector<256x128xi1>, vector<256x128xf32>
    %get3A_26 = arith.constant 0 : index
    %get3A_27 = arith.constant 0 : index
    %get3A_28 = vector.load %arg6[%get3A_26, %get3A_27] : memref<128x128xf32, #tpu.memory_space<vmem>>, vector<128x128xf32>
    %dot_general3A = arith.constant dense<0.000000e+00> : vector<256x128xf32>
    %dot_general3A_29 = tpu.matmul %select_n3A, %get3A_28, %dot_general3A {dimension_numbers = #tpu.dot_dimension_numbers<[1], [0], [0], [1], [0, 0, 1, 1], [], []>, transpose_lhs_hint = false} : vector<256x128xf32>, vector<128x128xf32>, vector<256x128xf32> -> vector<256x128xf32>
    %get3A_30 = arith.constant 0 : index
    %get3A_31 = arith.constant 0 : index
    %get3A_32 = vector.load %arg4[%get3A_30, %get3A_31] : memref<256x1xf32, #tpu.memory_space<vmem>>, vector<256x1xf32>
    %mul3A_33 = vector.broadcast %get3A_32 : vector<256x1xf32> to vector<256x128xf32>
    %mul3A_34 = arith.mulf %dot_general3A_29, %mul3A_33 : vector<256x128xf32>
    %swap3A = arith.constant 0 : index
    %swap3A_35 = arith.constant 0 : index
    %swap3A_36 = vector.load %arg7[%swap3A, %swap3A_35] : memref<256x128xf32, #tpu.memory_space<vmem>>, vector<256x128xf32>
    tpu.vector_store %arg7[%swap3A, %swap3A_35], %mul3A_34 {strides = array<i32>} : memref<256x128xf32, #tpu.memory_space<vmem>>, vector<256x128xf32>,
    return
  }
  func.func @transform_0(%arg0: i32) -> (i32, i32) {
    %c0_i32 = arith.constant 0 : i32
    %c0_i32_0 = arith.constant 0 : i32
    return %arg0, %c0_i32 : i32, i32
  }
  func.func @transform_1(%arg0: i32) -> (i32, i32) {
    %add3A = arith.constant 40 : i32
    %add3A_0 = arith.addi %arg0, %add3A : i32
    %c0_i32 = arith.constant 0 : i32
    %c0_i32_1 = arith.constant 0 : i32
    return %add3A_0, %c0_i32 : i32, i32
  }
  func.func @transform_2(%arg0: i32) -> (i32, i32) {
    %c0_i32 = arith.constant 0 : i32
    %c0_i32_0 = arith.constant 0 : i32
    return %arg0, %c0_i32 : i32, i32
  }
  func.func @transform_3(%arg0: i32) -> (i32, i32) {
    %c0_i32 = arith.constant 0 : i32
    %c0_i32_0 = arith.constant 0 : i32
    return %arg0, %c0_i32 : i32, i32
  }
  func.func @transform_4(%arg0: i32) -> (i32, i32) {
    %c0_i32 = arith.constant 0 : i32
    %c0_i32_0 = arith.constant 0 : i32
    %c0_i32_1 = arith.constant 0 : i32
    return %c0_i32, %c0_i32_0 : i32, i32
  }
  func.func @transform_5(%arg0: i32) -> (i32, i32) {
    %c0_i32 = arith.constant 0 : i32
    %c0_i32_0 = arith.constant 0 : i32
    %c0_i32_1 = arith.constant 0 : i32
    return %c0_i32, %c0_i32_0 : i32, i32
  }
  func.func @transform_6(%arg0: i32) -> (i32, i32) {
    %c0_i32 = arith.constant 0 : i32
    %c0_i32_0 = arith.constant 0 : i32
    return %arg0, %c0_i32 : i32, i32
  }
}

module attributes {stable_mosaic.version = 14 : i64} {
  func.func @_finale_body(%arg0: i32, %arg1: memref<256x128xf32, #tpu.memory_space<vmem>>, %arg2: memref<256x128xf32, #tpu.memory_space<vmem>>, %arg3: memref<256x128xf32, #tpu.memory_space<vmem>>, %arg4: memref<256x1xf32, #tpu.memory_space<vmem>>, %arg5: memref<1x128xf32, #tpu.memory_space<vmem>>, %arg6: memref<256x1xf32, #tpu.memory_space<vmem>>, %arg7: memref<512x1xf32, #tpu.memory_space<vmem>>, %arg8: memref<512x1xf32, #tpu.memory_space<vmem>>, %arg9: memref<128x128xf32, #tpu.memory_space<vmem>>, %arg10: memref<1x128xf32, #tpu.memory_space<vmem>>, %arg11: memref<128x64xf32, #tpu.memory_space<vmem>>, %arg12: memref<1x64xf32, #tpu.memory_space<vmem>>, %arg13: memref<64x128xf32, #tpu.memory_space<vmem>>, %arg14: memref<1x128xf32, #tpu.memory_space<vmem>>, %arg15: memref<512x128xf32, #tpu.memory_space<vmem>>) attributes {dimension_semantics = [#tpu.dimension_semantics<arbitrary>], iteration_bounds = array<i64: 40>, scalar_prefetch = 0 : i64, scratch_operands = 0 : i64, tpu.core_type = #tpu.core_type<tc>, window_params = [{transform_indices = @transform_0, window_bounds = array<i64: 256, 128>}, {transform_indices = @transform_1, window_bounds = array<i64: 256, 128>}, {transform_indices = @transform_2, window_bounds = array<i64: 256, 128>}, {transform_indices = @transform_3, window_bounds = array<i64: 256, 1>}, {pipeline_mode = #tpu.pipeline_mode<synchronous>, transform_indices = @transform_4, window_bounds = array<i64: 1, 128>}, {transform_indices = @transform_5, window_bounds = array<i64: 256, 1>}, {transform_indices = @transform_6, window_bounds = array<i64: 512, 1>}, {transform_indices = @transform_7, window_bounds = array<i64: 512, 1>}, {pipeline_mode = #tpu.pipeline_mode<synchronous>, transform_indices = @transform_8, window_bounds = array<i64: 128, 128>}, {pipeline_mode = #tpu.pipeline_mode<synchronous>, transform_indices = @transform_9, window_bounds = array<i64: 1, 128>}, {pipeline_mode = #tpu.pipeline_mode<synchronous>, transform_indices = @transform_10, window_bounds = array<i64: 128, 64>}, {pipeline_mode = #tpu.pipeline_mode<synchronous>, transform_indices = @transform_11, window_bounds = array<i64: 1, 64>}, {pipeline_mode = #tpu.pipeline_mode<synchronous>, transform_indices = @transform_12, window_bounds = array<i64: 64, 128>}, {pipeline_mode = #tpu.pipeline_mode<synchronous>, transform_indices = @transform_13, window_bounds = array<i64: 1, 128>}, {pipeline_mode = #tpu.pipeline_mode<synchronous>, transform_indices = @transform_14, window_bounds = array<i64: 512, 128>}]} {
    %get3A = arith.constant 0 : index
    %get3A_0 = arith.constant 0 : index
    %get3A_1 = vector.load %arg1[%get3A, %get3A_0] : memref<256x128xf32, #tpu.memory_space<vmem>>, vector<256x128xf32>
    %get3A_2 = arith.constant 0 : index
    %get3A_3 = arith.constant 0 : index
    %get3A_4 = vector.load %arg2[%get3A_2, %get3A_3] : memref<256x128xf32, #tpu.memory_space<vmem>>, vector<256x128xf32>
    %add3A = arith.addf %get3A_1, %get3A_4 : vector<256x128xf32>
    %get3A_5 = arith.constant 0 : index
    %get3A_6 = arith.constant 0 : index
    %get3A_7 = vector.load %arg3[%get3A_5, %get3A_6] : memref<256x128xf32, #tpu.memory_space<vmem>>, vector<256x128xf32>
    %add3A_8 = arith.addf %add3A, %get3A_7 : vector<256x128xf32>
    %get3A_9 = arith.constant 0 : index
    %get3A_10 = arith.constant 0 : index
    %get3A_11 = vector.load %arg4[%get3A_9, %get3A_10] : memref<256x1xf32, #tpu.memory_space<vmem>>, vector<256x1xf32>
    %mul3A = vector.broadcast %get3A_11 : vector<256x1xf32> to vector<256x128xf32>
    %mul3A_12 = arith.mulf %mul3A, %add3A_8 : vector<256x128xf32>
    %get3A_13 = arith.constant 0 : index
    %get3A_14 = arith.constant 0 : index
    %get3A_15 = vector.load %arg5[%get3A_13, %get3A_14] : memref<1x128xf32, #tpu.memory_space<vmem>>, vector<1x128xf32>
    %add3A_16 = vector.broadcast %get3A_15 : vector<1x128xf32> to vector<256x128xf32>
    %add3A_17 = arith.addf %mul3A_12, %add3A_16 : vector<256x128xf32>
    %max3A = arith.constant 0.000000e+00 : f32
    %max3A_18 = vector.broadcast %max3A : f32 to vector<256x128xf32>
    %max3A_19 = arith.maximumf %add3A_17, %max3A_18 : vector<256x128xf32>
    %mul3A_20 = arith.constant 256 : i32
    %mul3A_21 = arith.muli %arg0, %mul3A_20 : i32
    %iota3A = tpu.iota {dimensions = array<i32: 0>} : vector<256x128xi32>
    %add3A_22 = vector.broadcast %mul3A_21 : i32 to vector<256x128xi32>
    %add3A_23 = arith.addi %add3A_22, %iota3A : vector<256x128xi32>
    %lt3A = arith.constant 10000 : i32
    %lt3A_24 = vector.broadcast %lt3A : i32 to vector<256x128xi32>
    %lt3A_25 = arith.cmpi slt, %add3A_23, %lt3A_24 : vector<256x128xi32>
    %jit3A = arith.constant 0.000000e+00 : f32
    %broadcast_in_dim3A = vector.broadcast %jit3A : f32 to vector<256x128xf32>
    %select_n3A = arith.select %lt3A_25, %max3A_19, %broadcast_in_dim3A : vector<256x128xi1>, vector<256x128xf32>
    %iota3A_26 = tpu.iota {dimensions = array<i32: 1>} : vector<256x512xi32>
    %get3A_27 = arith.constant 0 : index
    %get3A_28 = arith.constant 0 : index
    %get3A_29 = vector.load %arg6[%get3A_27, %get3A_28] : memref<256x1xf32, #tpu.memory_space<vmem>>, vector<256x1xf32>
    %convert_element_type3A = arith.fptosi %get3A_29 : vector<256x1xf32> to vector<256x1xi32>
    %eq3A = vector.broadcast %convert_element_type3A : vector<256x1xi32> to vector<256x512xi32>
    %eq3A_30 = arith.cmpi eq, %eq3A, %iota3A_26 : vector<256x512xi32>
    %jit3A_31 = arith.constant 1.000000e+00 : f32
    %jit3A_32 = arith.constant 0.000000e+00 : f32
    %broadcast_in_dim3A_33 = vector.broadcast %jit3A_31 : f32 to vector<256x512xf32>
    %broadcast_in_dim3A_34 = vector.broadcast %jit3A_32 : f32 to vector<256x512xf32>
    %select_n3A_35 = arith.select %eq3A_30, %broadcast_in_dim3A_33, %broadcast_in_dim3A_34 : vector<256x512xi1>, vector<256x512xf32>
    %dot_general3A = arith.constant dense<0.000000e+00> : vector<512x128xf32>
    %dot_general3A_36 = tpu.matmul %select_n3A_35, %select_n3A, %dot_general3A {dimension_numbers = #tpu.dot_dimension_numbers<[0], [0], [1], [1], [0, 1, 1, 1], [], []>, transpose_lhs_hint = false} : vector<256x512xf32>, vector<256x128xf32>, vector<512x128xf32> -> vector<512x128xf32>
    %eq3A_37 = arith.constant 0 : i32
    %eq3A_38 = arith.cmpi eq, %arg0, %eq3A_37 : i32
    %convert_element_type3A_39 = arith.extui %eq3A_38 : i1 to i32
    %cond3A = arith.constant 0 : i32
    %cond3A_40 = arith.cmpi ne, %convert_element_type3A_39, %cond3A : i32
    scf.if %cond3A_40 {
      %broadcast_in_dim3A_52 = arith.constant 0.000000e+00 : f32
      %broadcast_in_dim3A_53 = vector.broadcast %broadcast_in_dim3A_52 : f32 to vector<512x128xf32>
      %swap3A_54 = arith.constant 0 : index
      %swap3A_55 = arith.constant 0 : index
      %swap3A_56 = vector.load %arg15[%swap3A_54, %swap3A_55] : memref<512x128xf32, #tpu.memory_space<vmem>>, vector<512x128xf32>
      tpu.vector_store %arg15[%swap3A_54, %swap3A_55], %broadcast_in_dim3A_53 {strides = array<i32>} : memref<512x128xf32, #tpu.memory_space<vmem>>, vector<512x128xf32>,
    } else {
    }
    %get3A_41 = arith.constant 0 : index
    %get3A_42 = arith.constant 0 : index
    %get3A_43 = vector.load %arg15[%get3A_41, %get3A_42] : memref<512x128xf32, #tpu.memory_space<vmem>>, vector<512x128xf32>
    %add3A_44 = arith.addf %get3A_43, %dot_general3A_36 : vector<512x128xf32>
    %swap3A = arith.constant 0 : index
    %swap3A_45 = arith.constant 0 : index
    %swap3A_46 = vector.load %arg15[%swap3A, %swap3A_45] : memref<512x128xf32, #tpu.memory_space<vmem>>, vector<512x128xf32>
    tpu.vector_store %arg15[%swap3A, %swap3A_45], %add3A_44 {strides = array<i32>} : memref<512x128xf32, #tpu.memory_space<vmem>>, vector<512x128xf32>,
    %eq3A_47 = arith.constant 39 : i32
    %eq3A_48 = arith.cmpi eq, %arg0, %eq3A_47 : i32
    %convert_element_type3A_49 = arith.extui %eq3A_48 : i1 to i32
    %cond3A_50 = arith.constant 0 : i32
    %cond3A_51 = arith.cmpi ne, %convert_element_type3A_49, %cond3A_50 : i32
    scf.if %cond3A_51 {
      %get3A_52 = arith.constant 0 : index
      %get3A_53 = arith.constant 0 : index
      %get3A_54 = vector.load %arg15[%get3A_52, %get3A_53] : memref<512x128xf32, #tpu.memory_space<vmem>>, vector<512x128xf32>
      %get3A_55 = arith.constant 0 : index
      %get3A_56 = arith.constant 0 : index
      %get3A_57 = vector.load %arg7[%get3A_55, %get3A_56] : memref<512x1xf32, #tpu.memory_space<vmem>>, vector<512x1xf32>
      %get3A_58 = arith.constant 0 : index
      %get3A_59 = arith.constant 0 : index
      %get3A_60 = vector.load %arg8[%get3A_58, %get3A_59] : memref<512x1xf32, #tpu.memory_space<vmem>>, vector<512x1xf32>
      %add3A_61 = arith.addf %get3A_57, %get3A_60 : vector<512x1xf32>
      %max3A_62 = arith.constant 1.000000e+00 : f32
      %max3A_63 = vector.broadcast %max3A_62 : f32 to vector<512x1xf32>
      %max3A_64 = arith.maximumf %add3A_61, %max3A_63 : vector<512x1xf32>
      %div3A = vector.broadcast %max3A_64 : vector<512x1xf32> to vector<512x128xf32>
      %div3A_65 = arith.divf %get3A_54, %div3A : vector<512x128xf32>
      %get3A_66 = arith.constant 0 : index
      %get3A_67 = arith.constant 0 : index
      %get3A_68 = vector.load %arg9[%get3A_66, %get3A_67] : memref<128x128xf32, #tpu.memory_space<vmem>>, vector<128x128xf32>
      %dot_general3A_69 = arith.constant dense<0.000000e+00> : vector<512x128xf32>
      %dot_general3A_70 = tpu.matmul %div3A_65, %get3A_68, %dot_general3A_69 {dimension_numbers = #tpu.dot_dimension_numbers<[1], [0], [0], [1], [0, 0, 1, 1], [], []>, transpose_lhs_hint = false} : vector<512x128xf32>, vector<128x128xf32>, vector<512x128xf32> -> vector<512x128xf32>
      %get3A_71 = arith.constant 0 : index
      %get3A_72 = arith.constant 0 : index
      %get3A_73 = vector.load %arg10[%get3A_71, %get3A_72] : memref<1x128xf32, #tpu.memory_space<vmem>>, vector<1x128xf32>
      %add3A_74 = vector.broadcast %get3A_73 : vector<1x128xf32> to vector<512x128xf32>
      %add3A_75 = arith.addf %dot_general3A_70, %add3A_74 : vector<512x128xf32>
      %logistic3A = arith.negf %add3A_75 : vector<512x128xf32>
      %logistic3A_76 = math.exp %logistic3A : vector<512x128xf32>
      %logistic3A_77 = arith.constant 1.000000e+00 : f32
      %logistic3A_78 = vector.broadcast %logistic3A_77 : f32 to vector<512x128xf32>
      %logistic3A_79 = arith.addf %logistic3A_78, %logistic3A_76 : vector<512x128xf32>
      %logistic3A_80 = arith.divf %logistic3A_78, %logistic3A_79 : vector<512x128xf32>
      %get3A_81 = arith.constant 0 : index
      %get3A_82 = arith.constant 0 : index
      %get3A_83 = vector.load %arg11[%get3A_81, %get3A_82] : memref<128x64xf32, #tpu.memory_space<vmem>>, vector<128x64xf32>
      %dot_general3A_84 = arith.constant dense<0.000000e+00> : vector<512x64xf32>
      %dot_general3A_85 = tpu.matmul %div3A_65, %get3A_83, %dot_general3A_84 {dimension_numbers = #tpu.dot_dimension_numbers<[1], [0], [0], [1], [0, 0, 1, 1], [], []>, transpose_lhs_hint = false} : vector<512x128xf32>, vector<128x64xf32>, vector<512x64xf32> -> vector<512x64xf32>
      %get3A_86 = arith.constant 0 : index
      %get3A_87 = arith.constant 0 : index
      %get3A_88 = vector.load %arg12[%get3A_86, %get3A_87] : memref<1x64xf32, #tpu.memory_space<vmem>>, vector<1x64xf32>
      %add3A_89 = vector.broadcast %get3A_88 : vector<1x64xf32> to vector<512x64xf32>
      %add3A_90 = arith.addf %dot_general3A_85, %add3A_89 : vector<512x64xf32>
      %max3A_91 = arith.constant 0.000000e+00 : f32
      %max3A_92 = vector.broadcast %max3A_91 : f32 to vector<512x64xf32>
      %max3A_93 = arith.maximumf %add3A_90, %max3A_92 : vector<512x64xf32>
      %get3A_94 = arith.constant 0 : index
      %get3A_95 = arith.constant 0 : index
      %get3A_96 = vector.load %arg13[%get3A_94, %get3A_95] : memref<64x128xf32, #tpu.memory_space<vmem>>, vector<64x128xf32>
      %dot_general3A_97 = arith.constant dense<0.000000e+00> : vector<512x128xf32>
      %dot_general3A_98 = tpu.matmul %max3A_93, %get3A_96, %dot_general3A_97 {dimension_numbers = #tpu.dot_dimension_numbers<[1], [0], [0], [1], [0, 0, 1, 1], [], []>, transpose_lhs_hint = false} : vector<512x64xf32>, vector<64x128xf32>, vector<512x128xf32> -> vector<512x128xf32>
      %get3A_99 = arith.constant 0 : index
      %get3A_100 = arith.constant 0 : index
      %get3A_101 = vector.load %arg14[%get3A_99, %get3A_100] : memref<1x128xf32, #tpu.memory_space<vmem>>, vector<1x128xf32>
      %add3A_102 = vector.broadcast %get3A_101 : vector<1x128xf32> to vector<512x128xf32>
      %add3A_103 = arith.addf %dot_general3A_98, %add3A_102 : vector<512x128xf32>
      %iota3A_104 = tpu.iota {dimensions = array<i32: 1>} : vector<512x128xi32>
      %eq3A_105 = arith.constant 0 : i32
      %eq3A_106 = vector.broadcast %eq3A_105 : i32 to vector<512x128xi32>
      %eq3A_107 = arith.cmpi eq, %iota3A_104, %eq3A_106 : vector<512x128xi32>
      %select_n3A_108 = arith.select %eq3A_107, %logistic3A_80, %add3A_103 : vector<512x128xi1>, vector<512x128xf32>
      %swap3A_109 = arith.constant 0 : index
      %swap3A_110 = arith.constant 0 : index
      %swap3A_111 = vector.load %arg15[%swap3A_109, %swap3A_110] : memref<512x128xf32, #tpu.memory_space<vmem>>, vector<512x128xf32>
      tpu.vector_store %arg15[%swap3A_109, %swap3A_110], %select_n3A_108 {strides = array<i32>} : memref<512x128xf32, #tpu.memory_space<vmem>>, vector<512x128xf32>,
    } else {
    }
    return
  }
  func.func @transform_0(%arg0: i32) -> (i32, i32) {
    %c0_i32 = arith.constant 0 : i32
    %c0_i32_0 = arith.constant 0 : i32
    return %arg0, %c0_i32 : i32, i32
  }
  func.func @transform_1(%arg0: i32) -> (i32, i32) {
    %add3A = arith.constant 40 : i32
    %add3A_0 = arith.addi %arg0, %add3A : i32
    %c0_i32 = arith.constant 0 : i32
    %c0_i32_1 = arith.constant 0 : i32
    return %add3A_0, %c0_i32 : i32, i32
  }
  func.func @transform_2(%arg0: i32) -> (i32, i32) {
    %c0_i32 = arith.constant 0 : i32
    %c0_i32_0 = arith.constant 0 : i32
    return %arg0, %c0_i32 : i32, i32
  }
  func.func @transform_3(%arg0: i32) -> (i32, i32) {
    %c0_i32 = arith.constant 0 : i32
    %c0_i32_0 = arith.constant 0 : i32
    return %arg0, %c0_i32 : i32, i32
  }
  func.func @transform_4(%arg0: i32) -> (i32, i32) {
    %c0_i32 = arith.constant 0 : i32
    %c0_i32_0 = arith.constant 0 : i32
    %c0_i32_1 = arith.constant 0 : i32
    return %c0_i32, %c0_i32_0 : i32, i32
  }
  func.func @transform_5(%arg0: i32) -> (i32, i32) {
    %c0_i32 = arith.constant 0 : i32
    %c0_i32_0 = arith.constant 0 : i32
    return %arg0, %c0_i32 : i32, i32
  }
  func.func @transform_6(%arg0: i32) -> (i32, i32) {
    %c0_i32 = arith.constant 0 : i32
    %c0_i32_0 = arith.constant 0 : i32
    %c0_i32_1 = arith.constant 0 : i32
    return %c0_i32, %c0_i32_0 : i32, i32
  }
  func.func @transform_7(%arg0: i32) -> (i32, i32) {
    %c1_i32 = arith.constant 1 : i32
    %c0_i32 = arith.constant 0 : i32
    %c0_i32_0 = arith.constant 0 : i32
    return %c1_i32, %c0_i32 : i32, i32
  }
  func.func @transform_8(%arg0: i32) -> (i32, i32) {
    %c0_i32 = arith.constant 0 : i32
    %c0_i32_0 = arith.constant 0 : i32
    %c0_i32_1 = arith.constant 0 : i32
    return %c0_i32, %c0_i32_0 : i32, i32
  }
  func.func @transform_9(%arg0: i32) -> (i32, i32) {
    %c0_i32 = arith.constant 0 : i32
    %c0_i32_0 = arith.constant 0 : i32
    %c0_i32_1 = arith.constant 0 : i32
    return %c0_i32, %c0_i32_0 : i32, i32
  }
  func.func @transform_10(%arg0: i32) -> (i32, i32) {
    %c0_i32 = arith.constant 0 : i32
    %c0_i32_0 = arith.constant 0 : i32
    %c0_i32_1 = arith.constant 0 : i32
    return %c0_i32, %c0_i32_0 : i32, i32
  }
  func.func @transform_11(%arg0: i32) -> (i32, i32) {
    %c0_i32 = arith.constant 0 : i32
    %c0_i32_0 = arith.constant 0 : i32
    %c0_i32_1 = arith.constant 0 : i32
    return %c0_i32, %c0_i32_0 : i32, i32
  }
  func.func @transform_12(%arg0: i32) -> (i32, i32) {
    %c0_i32 = arith.constant 0 : i32
    %c0_i32_0 = arith.constant 0 : i32
    %c0_i32_1 = arith.constant 0 : i32
    return %c0_i32, %c0_i32_0 : i32, i32
  }
  func.func @transform_13(%arg0: i32) -> (i32, i32) {
    %c0_i32 = arith.constant 0 : i32
    %c0_i32_0 = arith.constant 0 : i32
    %c0_i32_1 = arith.constant 0 : i32
    return %c0_i32, %c0_i32_0 : i32, i32
  }
  func.func @transform_14(%arg0: i32) -> (i32, i32) {
    %c0_i32 = arith.constant 0 : i32
    %c0_i32_0 = arith.constant 0 : i32
    %c0_i32_1 = arith.constant 0 : i32
    return %c0_i32, %c0_i32_0 : i32, i32
  }
}

</mosaic_0001>

<sc_bundles>
// kernel: kernel.11.cloned.1.call-start
scs
__scs_entry_jumppad:
0x0: {  	(pc) =	sbr.rel $0x88, $3  }
0x1: {  	(tag) =	ssettag $0x0;
	lr =	simm.s32 $0x1  }
0x2: {  	[smem:$0x3F94] =	sst lr;
	_ =	strace $0xD0000000  }
0x3: {  	_ = 	snop  }
0x4: {  	_ = 	snop  }
0x5: {  	_ = 	snop  }
0x6: {  	_ = 	snop  }
0x7: {  	_ = 	snop  }
__scs_overlays_trampoline_lowered:
0x8: {  	[smem:$0x3FA3] =	sst s0  }
0x9: {  	[smem:$0x3FA4] =	sst s1  }
0xa: {  	[smem:$0x3FA5] =	sst s2  }
0xb: {  	[smem:$0x3FA6] =	sst s3  }
0xc: {  	[smem:$0x3FA7] =	sst s4  }
0xd: {  	[smem:$0x3FA8] =	sst s5  }
0xe: {  	[smem:$0x3FA9] =	sst s6  }
0xf: {  	[smem:$0x3FAA] =	sst s7  }
0x10: {  	[smem:$0x3FAB] =	sst s8  }
0x11: {  	[smem:$0x3FAC] =	sst s9;
	s0 =	simm.s32 @!p0 $0x0  }
0x12: {  	s1 =	sld [smem:$0x3F92];
	s0 =	simm.s32 @p0 $0x1  }
0x13: {  	[smem:$0x3FAD] =	sst s0;
	s0 =	simm.s32 @!p1 $0x0  }
0x14: {  	s2 =	sld [smem:$0x3F91];
	s0 =	simm.s32 @p1 $0x1  }
0x15: {  	[smem:$0x3FAE] =	sst s0;
	s0 =	simm.s32 @!p2 $0x0  }
0x16: {  	s3 =	sld [smem:$0x3FDB];
	s0 =	simm.s32 @p2 $0x1  }
0x17: {  	s4 =	simm.s32 $0x1BF5;
	[smem:$0x3FB0] =	sst s0  }
0x18: {  	s0 =	sld [smem:$0x3F93];
	_ =	swait.ge [sflag:s4], $0x0  }
0x19: {  	s7 =	sld [smem:$0x3F94]  }
0x1a: {  	s8 =	sadd.s32 $0xFFFFE003, lr  }
0x1b: {  	s9 =	sadd.s32 $0xFFFFFEF7, lr;
	s5 =	simm.s32 $0xFFFFFFFF;
	p2 =	slt.u32 s8, $0xFFFFF086  }
0x1c: {  	p1 =	slt.u32 s9, $0xF7A;
	s5 =	simm.s32 @!p2 $0x0  }
0x1d: {  	s5 =	simm.s32 @p1 $0x1;
	p0 =	seq.s32 s7, s2  }
0x1e: {  	s7 =	smul.u32 @!p0 $0xF7A, s2;
	p2 =	seq.s32 @!p0 s5, $0x0  }
0x1f: {  	s9 =	smul.u32 $0xF7A, s1;
	s8 =	simm.s32 @!p0 $0x1BF5;
	p2 =	por !p2, p0  }
0x20: {  	[sflag:s8] =	ssyncset.s32 @!p0 $0xFFFFF086;
	s6 =	sadd.s32 @!p0 s3, s7;
	s7 =	simm.s32 @!p0 $0x108  }
0x21: {  	s3 =	sadd.s32 s3, s9;
	s6 =	sadd.s32 @!p0 $0x88, s6;
	s7 =	simm.s32 @p2 $0x1082  }
0x22: {  	[simem:s7], [sflag:s8] =	dma.local @!p0 [hbm:s6], $0xF7A  }
0x23: {  	s9 =	sor.u32 $0xD0000000, s2;
	s6 =	simm.s32 $0x108;
	_ =	swait.ge @!p0 [sflag:s8], $0x0  }
0x24: {  	s3 =	sadd.s32 $0x88, s3;
	s6 =	simm.s32 @!p1 $0x1082;
	[sflag:s4] =	ssyncset.s32 $0xFFFFF086  }
0x25: {  	[simem:s6], [sflag:s4] =	dma.local [hbm:s3], $0xF7A  }
0x26: {  	[smem:$0x3F94] =	sst s1;
	(tag) =	ssettag s2;
	_ =	strace s9  }
0x27: {  	s1 =	sld [smem:$0x3FA4]  }
0x28: {  	s2 =	sld [smem:$0x3FA5]  }
0x29: {  	s4 =	sld [smem:$0x3FA7]  }
0x2a: {  	p0 =	seq.s32 s5, $0x0;
	s5 =	sld [smem:$0x3FA8]  }
0x2b: {  	s6 =	sld [smem:$0x3FA9]  }
0x2c: {  	s7 =	sld [smem:$0x3FAA]  }
0x2d: {  	s3 =	simm.s32 $0x108;
	s8 =	sld [smem:$0x3FAB]  }
0x2e: {  	s3 =	simm.s32 @!p0 $0x1082;
	s9 =	sld [smem:$0x3FAC]  }
0x2f: {  	lr =	sadd.s32 s0, s3;
	s0 =	sld [smem:$0x3FA3]  }
0x30: {  	s3 =	sld [smem:$0x3FA6]  }
0x31: {  	[smem:$0x3FAF] =	sst s10  }
0x32: {  	s10 =	sld [smem:$0x3FAD];
	_ =	sdelay $0x3  }
0x33: {  	p0 =	seq.s32 s10, $0x1;
	s10 =	sld [smem:$0x3FAF];
	_ =	sdelay $0x3  }
0x34: {  	[smem:$0x3FAF] =	sst s10  }
0x35: {  	s10 =	sld [smem:$0x3FAE];
	_ =	sdelay $0x3  }
0x36: {  	p1 =	seq.s32 s10, $0x1;
	s10 =	sld [smem:$0x3FAF];
	_ =	sdelay $0x3  }
0x37: {  	[smem:$0x3FAF] =	sst s10  }
0x38: {  	s10 =	sld [smem:$0x3FB0]  }
0x39: {  	_ = 	snop;
	(pc) =	sbr.ind lr, $3  }
0x3a: {  	_ = 	snop  }
0x3b: {  	_ = 	snop  }
0x3c: {  	p2 =	seq.s32 s10, $0x1;
	s10 =	sld [smem:$0x3FAF]  }
0x3d: {  	_ =	shalt  }
0x3e: {  	_ =	shalt  }
0x3f: {  	_ =	shalt  }
0x40: {  	_ =	shalt  }
0x41: {  	_ =	shalt  }
0x42: {  	_ =	shalt  }
0x43: {  	_ =	shalt  }
0x44: {  	_ =	shalt  }
0x45: {  	_ =	shalt  }
0x46: {  	_ =	shalt  }
0x47: {  	_ =	shalt  }
0x48: {  	_ =	shalt  }
0x49: {  	_ =	shalt  }
0x4a: {  	_ =	shalt  }
0x4b: {  	_ =	shalt  }
0x4c: {  	_ =	shalt  }
0x4d: {  	_ =	shalt  }
0x4e: {  	_ =	shalt  }
0x4f: {  	_ =	shalt  }
0x50: {  	_ =	shalt  }
0x51: {  	_ =	shalt  }
0x52: {  	_ =	shalt  }
0x53: {  	_ =	shalt  }
0x54: {  	_ =	shalt  }
0x55: {  	_ =	shalt  }
0x56: {  	_ =	shalt  }
0x57: {  	_ =	shalt  }
0x58: {  	_ =	shalt  }
0x59: {  	_ =	shalt  }
0x5a: {  	_ =	shalt  }
0x5b: {  	_ =	shalt  }
0x5c: {  	_ =	shalt  }
0x5d: {  	_ =	shalt  }
0x5e: {  	_ =	shalt  }
0x5f: {  	_ =	shalt  }
0x60: {  	_ =	shalt  }
0x61: {  	_ =	shalt  }
0x62: {  	_ =	shalt  }
0x63: {  	_ =	shalt  }
0x64: {  	_ =	shalt  }
0x65: {  	_ =	shalt  }
0x66: {  	_ =	shalt  }
0x67: {  	_ =	shalt  }
0x68: {  	_ =	shalt  }
0x69: {  	_ =	shalt  }
0x6a: {  	_ =	shalt  }
0x6b: {  	_ =	shalt  }
0x6c: {  	_ =	shalt  }
0x6d: {  	_ =	shalt  }
0x6e: {  	_ =	shalt  }
0x6f: {  	_ =	shalt  }
0x70: {  	_ =	shalt  }
0x71: {  	_ =	shalt  }
0x72: {  	_ =	shalt  }
0x73: {  	_ =	shalt  }
0x74: {  	_ =	shalt  }
0x75: {  	_ =	shalt  }
0x76: {  	_ =	shalt  }
0x77: {  	_ =	shalt  }
0x78: {  	_ =	shalt  }
0x79: {  	_ =	shalt  }
0x7a: {  	_ =	shalt  }
0x7b: {  	_ =	shalt  }
0x7c: {  	_ =	shalt  }
0x7d: {  	_ =	shalt  }
0x7e: {  	_ =	shalt  }
0x7f: {  	_ =	shalt  }
0x80: {  	_ =	shalt  }
0x81: {  	_ =	shalt  }
0x82: {  	_ =	shalt  }
0x83: {  	_ =	shalt  }
0x84: {  	_ =	shalt  }
0x85: {  	_ =	shalt  }
0x86: {  	_ =	shalt  }
0x87: {  	_ =	shalt  }
.Lfunc_end0:
.L_simem_size_0:
called_computation.1_lowered:
.L_overlay_start_0:
0x88: {  	s2 =	sld [smem:$0x3FD9]  }
0x89: {  	s3 =	sld [smem:$0x3FFE];
	_ =	sdelay $0x1  }
0x8a: {  	s1 =	srdreg.scid  }
0x8b: {  	s0 =	sand.u32 $0x1, s1  }
0x8c: {  	s16 =	sshll.u32 s0, $0xA;
	s2 =	sadd.s32 s3, s2  }
0x8d: {  	s2 =	sadd.s32 s2, s16  }
0x8e: {  	[smem:$0x3FBB] =	sst s2  }
0x8f: {  	_ = 	snop  }
0x90: {  	(tm) =	ssettm $0x1  }
0x91: {  	s17 =	sld [smem:$0x3FFB];
	_ =	sdelay $0x3  }
0x92: {  	_ =	strace s17  }
0x93: {  	s2 =	sld [smem:$0x3FFC];
	_ =	sdelay $0x3  }
0x94: {  	_ =	strace s2  }
0x95: {  	s2 =	sld [smem:$0x3FFD];
	_ =	sdelay $0x3  }
0x96: {  	_ =	strace s2  }
0x97: {  	_ =	strace $0x8FFFFFFF  }
0x98: {  	s18 =	sld [smem:$0x3FDB];
	_ =	sdelay $0x1  }
0x99: {  	s19 =	simm.s32 $_scs_section_size  }
0x9a: {  	s4 =	simm.s32 $_size__tile_overlayer_lowered;
	s5 =	simm.s32 $_tile_overlayer_lowered  }
0x9b: {  	s22 =	simm.s32 $0x1BFF;
	s21 =	sshll.u32 s5, $0x1;
	s2 =	sadd.s32 s19, s18  }
0x9c: {  	s6 =	simm.s32 $0x0;
	s20 =	sshll.u32 s4, $0x1;
	s4 =	sadd.s32 s21, s2  }
0x9d: {  	[timem:s6], [sflag:s22] =	dma.local [hbm:s4], s20  }
0x9e: {  	_ =	swait.ge [sflag:s22], s20  }
0x9f: {  	s3 =	ssub.s32 $0x0, s20;
	[sflag:s22] =	ssyncset.done $0x0  }
0xa0: {  	[sflag:s22] =	ssyncadd.s32 s3;
	_ =	sdelay $0x1  }
0xa1: {  	s23 =	simm.s32 $0x1B8B  }
0xa2: {  	_ =	swait.ge [sflag:s23], $0x1  }
0xa3: {  	[sflag:s23] =	ssyncset.done $0x0  }
0xa4: {  	s25 =	simm.s32 $0x1B8E;
	s24 =	sld [smem:$0x3FFE];
	[sflag:s23] =	ssyncadd.s32 $0xFFFFFFFF  }
0xa5: {  	s26 =	simm.s32 $execute0_lowered;
	[smem:$0x3FD2] =	sst s25  }
0xa6: {  	s4 =	sshll.u32 s26, $0x1;
	_ =	strace $0x80000049;
	[dreg:$0x1] =	wrdreg $0xFFFFFFFF  }
0xa7: {  	s28 =	simm.s32 $_size_execute0_lowered;
	s2 =	sadd.s32 s2, s4;
	[dreg:$0x0] =	wrdreg $0x0  }
0xa8: {  	s4 =	sshll.u32 s28, $0x1;
	[dreg:$0x2] =	wrdreg s2  }
0xa9: {  	[dreg:$0x3] =	wrdreg s4  }
0xaa: {  	[dreg:$0x4] =	wrdreg $0xC0  }
0xab: {  	_ =	task [dreg:s6], $0x5FFFF  }
0xac: {  	[dreg:$0x1] =	wrdreg $0xFFFFFFFF  }
0xad: {  	[dreg:$0x0] =	wrdreg $0x60  }
0xae: {  	[dreg:$0x2] =	wrdreg s24  }
0xaf: {  	[dreg:$0x3] =	wrdreg $0x0  }
0xb0: {  	[dreg:$0x4] =	wrdreg $0x9  }
0xb1: {  	_ =	task.clear_ibuf [dreg:s6], $0x5FFFF;
	_ =	strace $0x90000049  }
0xb2: {  	s29 =	simm.s32 $0x9;
	_ =	strace $0x8000004B  }
0xb3: {  	_ =	swait.ge [sflag:s29], $0x1  }
0xb4: {  	[sflag:s29] =	ssyncadd.s32 $0xFFFFFFFF  }
0xb5: {  	_ =	strace $0x9000004B  }
0xb6: {  	_ =	sfence  }
0xb7: {  	s30 =	sld [smem:$0x0];
	_ =	sdelay $0x2  }
0xb8: {  	s31 =	sshll.u32 s1, $0xD;
	s1 =	sshrl.u32 s1, $0x2  }
0xb9: {  	s3 =	sand.u32 $0x4000, s31;
	s1 =	sadd.s32 s1, s30  }
0xba: {  	s0 =	sor.u32 s3, s0;
	s1 =	sshll.u32 s1, $0x11  }
0xbb: {  	s0 =	sor.u32 s1, s0  }
0xbc: {  	s0 =	sadd.s32 $0x8F2B, s0  }
0xbd: {  	[sflag:s0] =	ssyncadd.remote.s32 $0x1  }
0xbe: {  	_ =	sfence.sel $0xFFFF  }
0xbf: {  	[dreg:$0x0] =	wrdreg $0xFFFFFFFF;
	(pc) =	sbr.abs _section_cstart, $3  }
0xc0: {  	[dreg:$0x1] =	wrdreg $0xFFFFFFFF  }
0xc1: {  	_ =	task.clear_ibuf [dreg:s6], $0x2FFFF;
	_ =	strace $0x9FFFFFFF  }
0xc2: {  	(tm) =	ssettm $0x7FFFFFFF  }
0xc3: {  	_ =	shalt  }
tec
execute0_lowered:
.L_overlay_start_1:
0x0: {  	(tag) =	ssettag $0x1  }
0x1: {  	s5 =	rddreg [dreg:$0x0]  }
0x2: {  	s2 =	rddreg [dreg:$0x1]  }
0x3: {  	s4 =	srdreg.scid;
	s1 =	stileid.u32;
	s3 =	simm.s32 $0x0  }
0x4: {  	s17 =	simm.s32 $0x5;
	s18 =	simm.s32 $0x13C00;
	s19 =	simm.s32 $0x15000  }
0x5: {  	s20 =	simm.s32 $0x80;
	s21 =	simm.s32 $0x13C80;
	s22 =	simm.s32 $0x1A400  }
0x6: {  	s23 =	simm.s32 $0x1;
	s24 =	simm.s32 $0x2;
	s28 =	simm.s32 $0x4  }
0x7: {  	s29 =	simm.s32 $0x0;
	s6 =	sand.u32 $0x1, s4;
	s7 =	smul.u32 $0x2780, s1  }
0x8: {  	[smem:$0x7FF] =	sst s3;
	s4 =	sadd.s32 $0x18000, s5;
	s25 =	smul.u32 $0x4F000, s1  }
0x9: {  	s12 =	sadd.s32 $0xE000, s5;
	s13 =	sadd.s32 $0x4000, s5;
	s8 =	smul.u32 $0x28000, s6  }
0xa: {  	_ =	strace $0x8000004A;
	s26 =	sshll.u32 s6, $0x4;
	s6 =	ssub.s32 $0x2, s6  }
0xb: {  	s30 =	sshrl.u32 s25, $0x2;
	s31 =	sor.u32 s1, s26;
	s9 =	sshrl.u32 s6, $0x1  }
0xc: {  	s25 =	simm.s32 $0x15080;
	s26 =	simm.s32 $0x3;
	s10 =	smul.u32 $0x2800, s31  }
0xd: {  	s7 =	sadd.s32 s7, s8;
	s15 =	ssub.s32 s6, s9;
	s11 =	smul.u32 $0x500, s31  }
0xe: {  	s14 =	sadd.s32 s7, s5;
	s5 =	sadd.s32 s30, s2;
	s15 =	smax.u32 s15, $0x1  }
0xf: {  	s6 =	sadd.s32 $0x4000, s5;
	s7 =	sadd.s32 $0x8000, s5;
	s8 =	sadd.s32 $0xC000, s5  }
0x10: {  	s16 =	sshrl.u32 s10, $0x3;
	s9 =	sadd.s32 $0x10000, s5;
	s10 =	sadd.s32 s12, s11  }
0x11: {  	s11 =	sadd.s32 s13, s11;
	s14 =	sadd.s32 $0x40000, s14;
	s16 =	sadd.s32 $0x280, s16  }
0x12: {  	v0 =	vimm.f32 $0.0e+00;
	s12 =	sadd.s32 s12, s16;
	s13 =	sadd.s32 s13, s16;
	s16 =	simm.s32 $0x16400  }
.LBB2_1:
0x13: {  	s30 =	simm.s32 $0x0;
	s31 =	simm.s32 $0x200  }
.LBB2_2:
0x14: {  	p0 =	sne.s32 s31, $0xFE00;
	[tilespmem:s30+$0x16470] =	vst v0  }
0x15: {  	[tilespmem:s30+$0x16400] =	vst v0  }
0x16: {  	[tilespmem:s30+$0x16410] =	vst v0  }
.Ltmp0:
0x17: {  	[tilespmem:s30+$0x16420] =	vst v0;
	(pc) =	sbr.rel @p0 .LBB2_2-.Ltmp0, $4  }
0x18: {  	[tilespmem:s30+$0x16430] =	vst v0  }
0x19: {  	[tilespmem:s30+$0x16440] =	vst v0  }
0x1a: {  	[tilespmem:s30+$0x16450] =	vst v0  }
0x1b: {  	[tilespmem:s30+$0x16460] =	vst v0;
	s30 =	sshra.s32 s31, $0x2;
	s31 =	sadd.s32 $0x200, s31  }
0x1c: {  	[tilespmem:s30+$0x16470] =	vst v0  }
0x1d: {  	[tilespmem:s30+$0x16400] =	vst v0  }
0x1e: {  	[tilespmem:s30+$0x16410] =	vst v0  }
0x1f: {  	[tilespmem:s30+$0x16420] =	vst v0  }
0x20: {  	[tilespmem:s30+$0x16430] =	vst v0  }
0x21: {  	[tilespmem:s30+$0x16440] =	vst v0  }
0x22: {  	[tilespmem:s30+$0x16450] =	vst v0  }
0x23: {  	[tilespmem:s30+$0x16460] =	vst v0  }
0x24: {  	[spmem:s5] =	stream.linear.scatter [tilespmem:s16], [sflag:$0x5], $0x4000, $0x38;
	[tilespmem:$0x1E400] =	vst v63  }
0x25: {  	_ =	swait.ge [sflag:s17], $0x4000  }
0x26: {  	[sflag:s17] =	ssyncset.done $0x0  }
0x27: {  	[sflag:s17] =	ssyncadd.s32 $0xFFFFC000  }
0x28: {  	[spmem:s6] =	stream.linear.scatter [tilespmem:s16], [sflag:$0x5], $0x4000, $0x38;
	[tilespmem:$0x1E400] =	vst v63  }
0x29: {  	_ =	swait.ge [sflag:s17], $0x4000  }
0x2a: {  	[sflag:s17] =	ssyncset.done $0x0  }
0x2b: {  	[sflag:s17] =	ssyncadd.s32 $0xFFFFC000  }
0x2c: {  	[spmem:s7] =	stream.linear.scatter [tilespmem:s16], [sflag:$0x5], $0x4000, $0x38;
	[tilespmem:$0x1E400] =	vst v63  }
0x2d: {  	_ =	swait.ge [sflag:s17], $0x4000  }
0x2e: {  	[sflag:s17] =	ssyncset.done $0x0  }
0x2f: {  	[sflag:s17] =	ssyncadd.s32 $0xFFFFC000  }
0x30: {  	[spmem:s8] =	stream.linear.scatter [tilespmem:s16], [sflag:$0x5], $0x4000, $0x38;
	[tilespmem:$0x1E400] =	vst v63  }
0x31: {  	_ =	swait.ge [sflag:s17], $0x4000  }
0x32: {  	[sflag:s17] =	ssyncset.done $0x0  }
0x33: {  	[sflag:s17] =	ssyncadd.s32 $0xFFFFC000  }
0x34: {  	[spmem:s9] =	stream.linear.scatter [tilespmem:s16], [sflag:$0x5], $0x3C00, $0x38;
	[tilespmem:$0x1E400] =	vst v63  }
0x35: {  	_ =	swait.ge [sflag:s17], $0x3C00  }
0x36: {  	[sflag:s17] =	ssyncset.done $0x0  }
0x37: {  	[sflag:s17] =	ssyncadd.s32 $0xFFFFC400  }
0x38: {  	[bflag:$0x0] =	sbarrier.arrive $0xFFFF  }
0x39: {  	[tilespmem:s18], [sflag:$0x5] =	stream.linear.gather [hbm4b:s10+s3], $0x1400, $0x38;
	[tilespmem:$0x1E400] =	vst v63  }
0x3a: {  	_ =	swait.ge [sflag:s17], $0x1400  }
0x3b: {  	[sflag:s17] =	ssyncset.done $0x0  }
0x3c: {  	[sflag:s17] =	ssyncadd.s32 $0xFFFFEC00  }
0x3d: {  	[tilespmem:s19], [sflag:$0x5] =	stream.linear.gather [hbm4b:s11+s3], $0x1400, $0x38;
	[tilespmem:$0x1E400] =	vst v63  }
0x3e: {  	_ =	swait.ge [sflag:s17], $0x1400  }
0x3f: {  	[sflag:s17] =	ssyncset.done $0x0  }
0x40: {  	[sflag:s17] =	ssyncadd.s32 $0xFFFFEC00  }
0x41: {  	[tilespmem:s16], [sflag:$0x1] =	stream.indirect.gather [hbm4b:s4+s20], $0x80, s18, s20, $0xb8;
	[tilespmem:$0x1E400] =	vst v63  }
0x42: {  	_ = 	snop  }
0x43: {  	[tilespmem:s22], [sflag:$0x2] =	stream.indirect.gather [hbm4b:s4+s20], $0x80, s21, s20, $0xb8;
	[tilespmem:$0x1E400] =	vst v63  }
0x44: {  	_ =	swait.ge [sflag:s23], $0x4000  }
0x45: {  	[sflag:s23] =	ssyncset.done $0x0  }
0x46: {  	[sflag:s23] =	ssyncadd.s32 $0xFFFFC000  }
0x47: {  	[spmem:s2] =	stream.indirect.scatter.add.f32 [tilespmem:s16], [sflag:$0x3], $0x80, s19, s20, $0xb8;
	[tilespmem:$0x1E400] =	vst v63  }
0x48: {  	_ =	swait.ge [sflag:s24], $0x4000  }
0x49: {  	[sflag:s24] =	ssyncset.done $0x0  }
0x4a: {  	[sflag:s24] =	ssyncadd.s32 $0xFFFFC000  }
0x4b: {  	[spmem:s2] =	stream.indirect.scatter.add.f32 [tilespmem:s22], [sflag:$0x4], $0x80, s25, s20, $0xb8;
	[tilespmem:$0x1E400] =	vst v63  }
0x4c: {  	_ =	swait.ge [sflag:s26], $0x4000  }
0x4d: {  	[sflag:s26] =	ssyncset.done $0x0  }
0x4e: {  	s30 =	simm.s32 $0x13D00;
	[sflag:s26] =	ssyncadd.s32 $0xFFFFC000  }
0x4f: {  	[tilespmem:s16], [sflag:$0x1] =	stream.indirect.gather [hbm4b:s4+s20], $0x80, s30, s20, $0xb8;
	[tilespmem:$0x1E400] =	vst v63  }
0x50: {  	_ =	swait.ge [sflag:s28], $0x4000  }
0x51: {  	[sflag:s28] =	ssyncset.done $0x0  }
0x52: {  	s30 =	simm.s32 $0x13D80;
	[sflag:s28] =	ssyncadd.s32 $0xFFFFC000  }
0x53: {  	[tilespmem:s22], [sflag:$0x2] =	stream.indirect.gather [hbm4b:s4+s20], $0x80, s30, s20, $0xb8;
	[tilespmem:$0x1E400] =	vst v63  }
0x54: {  	_ =	swait.ge [sflag:s23], $0x4000  }
0x55: {  	[sflag:s23] =	ssyncset.done $0x0  }
0x56: {  	s30 =	simm.s32 $0x15100;
	[sflag:s23] =	ssyncadd.s32 $0xFFFFC000  }
0x57: {  	[spmem:s2] =	stream.indirect.scatter.add.f32 [tilespmem:s16], [sflag:$0x3], $0x80, s30, s20, $0xb8;
	[tilespmem:$0x1E400] =	vst v63  }
0x58: {  	_ =	swait.ge [sflag:s24], $0x4000  }
0x59: {  	[sflag:s24] =	ssyncset.done $0x0  }
0x5a: {  	s31 =	simm.s32 $0x15180;
	s30 =	simm.s32 $0xFFFFB800;
	[sflag:s24] =	ssyncadd.s32 $0xFFFFC000  }
.LBB2_4:
0x5b: {  	[spmem:s2] =	stream.indirect.scatter.add.f32 [tilespmem:s22], [sflag:$0x4], $0x80, s31, s20, $0xb8;
	[tilespmem:$0x1E400] =	vst v63  }
0x5c: {  	s31 =	smov.u32 s30  }
0x5d: {  	p0 =	sne.s32 s30, $0xFFFFFC00;
	s30 =	sadd.s32 $0x400, s30;
	_ =	swait.ge [sflag:s26], $0x4000  }
0x5e: {  	s31 =	sshra.s32 s31, $0x2;
	[sflag:s26] =	ssyncset.done $0x0  }
0x5f: {  	s0 =	sadd.s32 $0x15000, s31;
	[sflag:s26] =	ssyncadd.s32 $0xFFFFC000  }
0x60: {  	[tilespmem:s16], [sflag:$0x1] =	stream.indirect.gather [hbm4b:s4+s20], $0x80, s0, s20, $0xb8;
	[tilespmem:$0x1E400] =	vst v63  }
0x61: {  	_ =	swait.ge [sflag:s28], $0x4000  }
0x62: {  	[sflag:s28] =	ssyncset.done $0x0  }
0x63: {  	s0 =	sadd.s32 $0x15080, s31;
	[sflag:s28] =	ssyncadd.s32 $0xFFFFC000  }
0x64: {  	[tilespmem:s22], [sflag:$0x2] =	stream.indirect.gather [hbm4b:s4+s20], $0x80, s0, s20, $0xb8;
	[tilespmem:$0x1E400] =	vst v63  }
0x65: {  	_ =	swait.ge [sflag:s23], $0x4000  }
0x66: {  	[sflag:s23] =	ssyncset.done $0x0  }
.Ltmp1:
0x67: {  	s0 =	sadd.s32 $0x16400, s31;
	[sflag:s23] =	ssyncadd.s32 $0xFFFFC000;
	(pc) =	sbr.rel @p0 .LBB2_4-.Ltmp1, $4  }
0x68: {  	[spmem:s2] =	stream.indirect.scatter.add.f32 [tilespmem:s16], [sflag:$0x3], $0x80, s0, s20, $0xb8;
	[tilespmem:$0x1E400] =	vst v63  }
0x69: {  	_ =	swait.ge [sflag:s24], $0x4000  }
0x6a: {  	[sflag:s24] =	ssyncset.done $0x0  }
0x6b: {  	s31 =	sadd.s32 $0x16480, s31;
	[sflag:s24] =	ssyncadd.s32 $0xFFFFC000  }
0x6c: {  	[spmem:s2] =	stream.indirect.scatter.add.f32 [tilespmem:s22], [sflag:$0x4], $0x80, s31, s20, $0xb8;
	[tilespmem:$0x1E400] =	vst v63  }
0x6d: {  	_ =	swait.ge [sflag:s26], $0x4000  }
0x6e: {  	[sflag:s26] =	ssyncset.done $0x0  }
0x6f: {  	[sflag:s26] =	ssyncadd.s32 $0xFFFFC000  }
0x70: {  	_ =	swait.ge [sflag:s28], $0x4000  }
0x71: {  	[sflag:s28] =	ssyncset.done $0x0  }
0x72: {  	[sflag:s28] =	ssyncadd.s32 $0xFFFFC000  }
0x73: {  	[tilespmem:s18], [sflag:$0x5] =	stream.linear.gather [hbm4b:s12+s3], $0x1400, $0x38;
	[tilespmem:$0x1E400] =	vst v63  }
0x74: {  	_ =	swait.ge [sflag:s17], $0x1400  }
0x75: {  	[sflag:s17] =	ssyncset.done $0x0  }
0x76: {  	[sflag:s17] =	ssyncadd.s32 $0xFFFFEC00  }
0x77: {  	[tilespmem:s19], [sflag:$0x5] =	stream.linear.gather [hbm4b:s13+s3], $0x1400, $0x38;
	[tilespmem:$0x1E400] =	vst v63  }
0x78: {  	_ =	swait.ge [sflag:s17], $0x1400  }
0x79: {  	[sflag:s17] =	ssyncset.done $0x0  }
0x7a: {  	[sflag:s17] =	ssyncadd.s32 $0xFFFFEC00  }
0x7b: {  	[tilespmem:s16], [sflag:$0x1] =	stream.indirect.gather [hbm4b:s4+s20], $0x80, s18, s20, $0xb8;
	[tilespmem:$0x1E400] =	vst v63  }
0x7c: {  	_ = 	snop  }
0x7d: {  	[tilespmem:s22], [sflag:$0x2] =	stream.indirect.gather [hbm4b:s4+s20], $0x80, s21, s20, $0xb8;
	[tilespmem:$0x1E400] =	vst v63  }
0x7e: {  	_ =	swait.ge [sflag:s23], $0x4000  }
0x7f: {  	[sflag:s23] =	ssyncset.done $0x0  }
0x80: {  	[sflag:s23] =	ssyncadd.s32 $0xFFFFC000  }
0x81: {  	[spmem:s2] =	stream.indirect.scatter.add.f32 [tilespmem:s16], [sflag:$0x3], $0x80, s19, s20, $0xb8;
	[tilespmem:$0x1E400] =	vst v63  }
0x82: {  	_ =	swait.ge [sflag:s24], $0x4000  }
0x83: {  	[sflag:s24] =	ssyncset.done $0x0  }
0x84: {  	[sflag:s24] =	ssyncadd.s32 $0xFFFFC000  }
0x85: {  	[spmem:s2] =	stream.indirect.scatter.add.f32 [tilespmem:s22], [sflag:$0x4], $0x80, s25, s20, $0xb8;
	[tilespmem:$0x1E400] =	vst v63  }
0x86: {  	_ =	swait.ge [sflag:s26], $0x4000  }
0x87: {  	[sflag:s26] =	ssyncset.done $0x0  }
0x88: {  	s0 =	simm.s32 $0x13D00;
	[sflag:s26] =	ssyncadd.s32 $0xFFFFC000  }
0x89: {  	[tilespmem:s16], [sflag:$0x1] =	stream.indirect.gather [hbm4b:s4+s20], $0x80, s0, s20, $0xb8;
	[tilespmem:$0x1E400] =	vst v63  }
0x8a: {  	_ =	swait.ge [sflag:s28], $0x4000  }
0x8b: {  	[sflag:s28] =	ssyncset.done $0x0  }
0x8c: {  	s0 =	simm.s32 $0x13D80;
	[sflag:s28] =	ssyncadd.s32 $0xFFFFC000  }
0x8d: {  	[tilespmem:s22], [sflag:$0x2] =	stream.indirect.gather [hbm4b:s4+s20], $0x80, s0, s20, $0xb8;
	[tilespmem:$0x1E400] =	vst v63  }
0x8e: {  	_ =	swait.ge [sflag:s23], $0x4000  }
0x8f: {  	[sflag:s23] =	ssyncset.done $0x0  }
0x90: {  	s0 =	simm.s32 $0x15100;
	[sflag:s23] =	ssyncadd.s32 $0xFFFFC000  }
0x91: {  	[spmem:s2] =	stream.indirect.scatter.add.f32 [tilespmem:s16], [sflag:$0x3], $0x80, s0, s20, $0xb8;
	[tilespmem:$0x1E400] =	vst v63  }
0x92: {  	_ =	swait.ge [sflag:s24], $0x4000  }
0x93: {  	[sflag:s24] =	ssyncset.done $0x0  }
0x94: {  	s30 =	simm.s32 $0xFFFFB800;
	s31 =	simm.s32 $0x15180;
	[sflag:s24] =	ssyncadd.s32 $0xFFFFC000  }
.LBB2_6:
0x95: {  	[spmem:s2] =	stream.indirect.scatter.add.f32 [tilespmem:s22], [sflag:$0x4], $0x80, s31, s20, $0xb8;
	[tilespmem:$0x1E400] =	vst v63  }
0x96: {  	s0 =	smov.u32 s30  }
0x97: {  	p0 =	sne.s32 s30, $0xFFFFFC00;
	s30 =	sadd.s32 $0x400, s30;
	_ =	swait.ge [sflag:s26], $0x4000  }
0x98: {  	s0 =	sshra.s32 s0, $0x2;
	[sflag:s26] =	ssyncset.done $0x0  }
0x99: {  	s31 =	sadd.s32 $0x15000, s0;
	[sflag:s26] =	ssyncadd.s32 $0xFFFFC000  }
0x9a: {  	[tilespmem:s16], [sflag:$0x1] =	stream.indirect.gather [hbm4b:s4+s20], $0x80, s31, s20, $0xb8;
	[tilespmem:$0x1E400] =	vst v63  }
0x9b: {  	_ =	swait.ge [sflag:s28], $0x4000  }
0x9c: {  	[sflag:s28] =	ssyncset.done $0x0  }
0x9d: {  	s31 =	sadd.s32 $0x15080, s0;
	[sflag:s28] =	ssyncadd.s32 $0xFFFFC000  }
0x9e: {  	[tilespmem:s22], [sflag:$0x2] =	stream.indirect.gather [hbm4b:s4+s20], $0x80, s31, s20, $0xb8;
	[tilespmem:$0x1E400] =	vst v63  }
0x9f: {  	_ =	swait.ge [sflag:s23], $0x4000  }
0xa0: {  	[sflag:s23] =	ssyncset.done $0x0  }
.Ltmp2:
0xa1: {  	s31 =	sadd.s32 $0x16400, s0;
	[sflag:s23] =	ssyncadd.s32 $0xFFFFC000;
	(pc) =	sbr.rel @p0 .LBB2_6-.Ltmp2, $4  }
0xa2: {  	[spmem:s2] =	stream.indirect.scatter.add.f32 [tilespmem:s16], [sflag:$0x3], $0x80, s31, s20, $0xb8;
	[tilespmem:$0x1E400] =	vst v63  }
0xa3: {  	_ =	swait.ge [sflag:s24], $0x4000  }
0xa4: {  	[sflag:s24] =	ssyncset.done $0x0  }
0xa5: {  	s31 =	sadd.s32 $0x16480, s0;
	[sflag:s24] =	ssyncadd.s32 $0xFFFFC000  }
0xa6: {  	[spmem:s2] =	stream.indirect.scatter.add.f32 [tilespmem:s22], [sflag:$0x4], $0x80, s31, s20, $0xb8;
	[tilespmem:$0x1E400] =	vst v63  }
0xa7: {  	_ =	swait.ge [sflag:s26], $0x4000  }
0xa8: {  	[sflag:s26] =	ssyncset.done $0x0  }
0xa9: {  	[sflag:s26] =	ssyncadd.s32 $0xFFFFC000  }
0xaa: {  	_ =	swait.ge [sflag:s28], $0x4000  }
0xab: {  	s0 =	sshll.u32 s1, $0x6;
	s29 =	sadd.s32 $0x1, s29;
	[sflag:s28] =	ssyncset.done $0x0  }
0xac: {  	s30 =	sshrl.u32 s5, $0x3;
	p0 =	sne.s32 s29, s15;
	[sflag:s28] =	ssyncadd.s32 $0xFFFFC000  }
.Ltmp3:
0xad: {  	s0 =	sor.u32 $0x1C05, s0;
	[bflag:$0x0] =	sbarrier.arrive $0xFFFF;
	(pc) =	sbr.rel @p0 .LBB2_1-.Ltmp3, $4  }
0xae: {  	[hbm:s14], [sflag:s0] =	dma.local [spmem:s30], $0x2780  }
0xaf: {  	_ =	swait.ge [sflag:s17], $0x2780  }
0xb0: {  	[sflag:s17] =	ssyncset.done $0x0  }
0xb1: {  	[sflag:s17] =	ssyncadd.s32 $0xFFFFD880  }
0xb2: {  	_ =	sfence.sel $0x180000  }
0xb3: {  	[bflag:$0x0] =	sbarrier.arrive $0xFFFF  }
0xb4: {  	_ =	strace $0x9000004A  }
0xb5: {  	[bflag:$0x2] =	sbarrier.arrive $0xFFFF  }
0xb6: {  	p0 =	sne.s32 s1, $0x0;
	s0 =	rddreg [dreg:$0x2]  }
0xb7: {  	s0 =	sadd.s32 @!p0 $0x100000, s0  }
0xb8: {  	[sflag:s0] =	ssyncadd.tile.s32 @!p0 $0x1;
	_ =	shalt  }
.Lfunc_end2:
_tile_overlayer_lowered:
.L_overlay_start_2:
0xb9: {  	(tag) =	ssettag $0x2  }
0xba: {  	s0 =	rddreg [dreg:$0x0];
	s2 =	stileid.u32  }
0xbb: {  	s1 =	rddreg [dreg:$0x1];
	p0 =	sne.s32 s2, $0x0  }
0xbc: {  	s3 =	rddreg [dreg:$0x2];
	[bflag:$0x3] =	sbarrier.arrive $0xFFFF;
	s2 =	simm.s32 @!p0 $0x1C05  }
0xbd: {  	[timem:s3], [sflag:s2] =	dma.local @!p0 [hbm:s0], s1  }
0xbe: {  	s0 =	simm.s32 @!p0 $0x5  }
0xbf: {  	_ =	swait.ge @!p0 [sflag:s0], s1  }
0xc0: {  	s1 =	ssub.s32 @!p0 $0x0, s1;
	[sflag:s0] =	ssyncset.done @!p0 $0x0  }
0xc1: {  	[sflag:s0] =	ssyncadd.s32 @!p0 s1  }
0xc2: {  	[bflag:$0x3] =	sbarrier.arrive $0xFFFF  }
0xc3: {  	_ =	shalt  }

// kernel: kernel.14.cloned.1.call-start
scs
__scs_entry_jumppad:
0x0: {  	(pc) =	sbr.rel $0x88, $3  }
0x1: {  	(tag) =	ssettag $0x0;
	lr =	simm.s32 $0x1  }
0x2: {  	[smem:$0x3F94] =	sst lr;
	_ =	strace $0xD0000000  }
0x3: {  	_ = 	snop  }
0x4: {  	_ = 	snop  }
0x5: {  	_ = 	snop  }
0x6: {  	_ = 	snop  }
0x7: {  	_ = 	snop  }
__scs_overlays_trampoline_lowered:
0x8: {  	[smem:$0x3FA3] =	sst s0  }
0x9: {  	[smem:$0x3FA4] =	sst s1  }
0xa: {  	[smem:$0x3FA5] =	sst s2  }
0xb: {  	[smem:$0x3FA6] =	sst s3  }
0xc: {  	[smem:$0x3FA7] =	sst s4  }
0xd: {  	[smem:$0x3FA8] =	sst s5  }
0xe: {  	[smem:$0x3FA9] =	sst s6  }
0xf: {  	[smem:$0x3FAA] =	sst s7  }
0x10: {  	[smem:$0x3FAB] =	sst s8  }
0x11: {  	[smem:$0x3FAC] =	sst s9;
	s0 =	simm.s32 @!p0 $0x0  }
0x12: {  	s1 =	sld [smem:$0x3F92];
	s0 =	simm.s32 @p0 $0x1  }
0x13: {  	[smem:$0x3FAD] =	sst s0;
	s0 =	simm.s32 @!p1 $0x0  }
0x14: {  	s2 =	sld [smem:$0x3F91];
	s0 =	simm.s32 @p1 $0x1  }
0x15: {  	[smem:$0x3FAE] =	sst s0;
	s0 =	simm.s32 @!p2 $0x0  }
0x16: {  	s3 =	sld [smem:$0x3FDB];
	s0 =	simm.s32 @p2 $0x1  }
0x17: {  	s4 =	simm.s32 $0x1BF5;
	[smem:$0x3FB0] =	sst s0  }
0x18: {  	s0 =	sld [smem:$0x3F93];
	_ =	swait.ge [sflag:s4], $0x0  }
0x19: {  	s7 =	sld [smem:$0x3F94]  }
0x1a: {  	s8 =	sadd.s32 $0xFFFFE003, lr  }
0x1b: {  	s9 =	sadd.s32 $0xFFFFFEF7, lr;
	s5 =	simm.s32 $0xFFFFFFFF;
	p2 =	slt.u32 s8, $0xFFFFF086  }
0x1c: {  	p1 =	slt.u32 s9, $0xF7A;
	s5 =	simm.s32 @!p2 $0x0  }
0x1d: {  	s5 =	simm.s32 @p1 $0x1;
	p0 =	seq.s32 s7, s2  }
0x1e: {  	s7 =	smul.u32 @!p0 $0xF7A, s2;
	p2 =	seq.s32 @!p0 s5, $0x0  }
0x1f: {  	s9 =	smul.u32 $0xF7A, s1;
	s8 =	simm.s32 @!p0 $0x1BF5;
	p2 =	por !p2, p0  }
0x20: {  	[sflag:s8] =	ssyncset.s32 @!p0 $0xFFFFF086;
	s6 =	sadd.s32 @!p0 s3, s7;
	s7 =	simm.s32 @!p0 $0x108  }
0x21: {  	s3 =	sadd.s32 s3, s9;
	s6 =	sadd.s32 @!p0 $0x88, s6;
	s7 =	simm.s32 @p2 $0x1082  }
0x22: {  	[simem:s7], [sflag:s8] =	dma.local @!p0 [hbm:s6], $0xF7A  }
0x23: {  	s9 =	sor.u32 $0xD0000000, s2;
	s6 =	simm.s32 $0x108;
	_ =	swait.ge @!p0 [sflag:s8], $0x0  }
0x24: {  	s3 =	sadd.s32 $0x88, s3;
	s6 =	simm.s32 @!p1 $0x1082;
	[sflag:s4] =	ssyncset.s32 $0xFFFFF086  }
0x25: {  	[simem:s6], [sflag:s4] =	dma.local [hbm:s3], $0xF7A  }
0x26: {  	[smem:$0x3F94] =	sst s1;
	(tag) =	ssettag s2;
	_ =	strace s9  }
0x27: {  	s1 =	sld [smem:$0x3FA4]  }
0x28: {  	s2 =	sld [smem:$0x3FA5]  }
0x29: {  	s4 =	sld [smem:$0x3FA7]  }
0x2a: {  	p0 =	seq.s32 s5, $0x0;
	s5 =	sld [smem:$0x3FA8]  }
0x2b: {  	s6 =	sld [smem:$0x3FA9]  }
0x2c: {  	s7 =	sld [smem:$0x3FAA]  }
0x2d: {  	s3 =	simm.s32 $0x108;
	s8 =	sld [smem:$0x3FAB]  }
0x2e: {  	s3 =	simm.s32 @!p0 $0x1082;
	s9 =	sld [smem:$0x3FAC]  }
0x2f: {  	lr =	sadd.s32 s0, s3;
	s0 =	sld [smem:$0x3FA3]  }
0x30: {  	s3 =	sld [smem:$0x3FA6]  }
0x31: {  	[smem:$0x3FAF] =	sst s10  }
0x32: {  	s10 =	sld [smem:$0x3FAD];
	_ =	sdelay $0x3  }
0x33: {  	p0 =	seq.s32 s10, $0x1;
	s10 =	sld [smem:$0x3FAF];
	_ =	sdelay $0x3  }
0x34: {  	[smem:$0x3FAF] =	sst s10  }
0x35: {  	s10 =	sld [smem:$0x3FAE];
	_ =	sdelay $0x3  }
0x36: {  	p1 =	seq.s32 s10, $0x1;
	s10 =	sld [smem:$0x3FAF];
	_ =	sdelay $0x3  }
0x37: {  	[smem:$0x3FAF] =	sst s10  }
0x38: {  	s10 =	sld [smem:$0x3FB0]  }
0x39: {  	_ = 	snop;
	(pc) =	sbr.ind lr, $3  }
0x3a: {  	_ = 	snop  }
0x3b: {  	_ = 	snop  }
0x3c: {  	p2 =	seq.s32 s10, $0x1;
	s10 =	sld [smem:$0x3FAF]  }
0x3d: {  	_ =	shalt  }
0x3e: {  	_ =	shalt  }
0x3f: {  	_ =	shalt  }
0x40: {  	_ =	shalt  }
0x41: {  	_ =	shalt  }
0x42: {  	_ =	shalt  }
0x43: {  	_ =	shalt  }
0x44: {  	_ =	shalt  }
0x45: {  	_ =	shalt  }
0x46: {  	_ =	shalt  }
0x47: {  	_ =	shalt  }
0x48: {  	_ =	shalt  }
0x49: {  	_ =	shalt  }
0x4a: {  	_ =	shalt  }
0x4b: {  	_ =	shalt  }
0x4c: {  	_ =	shalt  }
0x4d: {  	_ =	shalt  }
0x4e: {  	_ =	shalt  }
0x4f: {  	_ =	shalt  }
0x50: {  	_ =	shalt  }
0x51: {  	_ =	shalt  }
0x52: {  	_ =	shalt  }
0x53: {  	_ =	shalt  }
0x54: {  	_ =	shalt  }
0x55: {  	_ =	shalt  }
0x56: {  	_ =	shalt  }
0x57: {  	_ =	shalt  }
0x58: {  	_ =	shalt  }
0x59: {  	_ =	shalt  }
0x5a: {  	_ =	shalt  }
0x5b: {  	_ =	shalt  }
0x5c: {  	_ =	shalt  }
0x5d: {  	_ =	shalt  }
0x5e: {  	_ =	shalt  }
0x5f: {  	_ =	shalt  }
0x60: {  	_ =	shalt  }
0x61: {  	_ =	shalt  }
0x62: {  	_ =	shalt  }
0x63: {  	_ =	shalt  }
0x64: {  	_ =	shalt  }
0x65: {  	_ =	shalt  }
0x66: {  	_ =	shalt  }
0x67: {  	_ =	shalt  }
0x68: {  	_ =	shalt  }
0x69: {  	_ =	shalt  }
0x6a: {  	_ =	shalt  }
0x6b: {  	_ =	shalt  }
0x6c: {  	_ =	shalt  }
0x6d: {  	_ =	shalt  }
0x6e: {  	_ =	shalt  }
0x6f: {  	_ =	shalt  }
0x70: {  	_ =	shalt  }
0x71: {  	_ =	shalt  }
0x72: {  	_ =	shalt  }
0x73: {  	_ =	shalt  }
0x74: {  	_ =	shalt  }
0x75: {  	_ =	shalt  }
0x76: {  	_ =	shalt  }
0x77: {  	_ =	shalt  }
0x78: {  	_ =	shalt  }
0x79: {  	_ =	shalt  }
0x7a: {  	_ =	shalt  }
0x7b: {  	_ =	shalt  }
0x7c: {  	_ =	shalt  }
0x7d: {  	_ =	shalt  }
0x7e: {  	_ =	shalt  }
0x7f: {  	_ =	shalt  }
0x80: {  	_ =	shalt  }
0x81: {  	_ =	shalt  }
0x82: {  	_ =	shalt  }
0x83: {  	_ =	shalt  }
0x84: {  	_ =	shalt  }
0x85: {  	_ =	shalt  }
0x86: {  	_ =	shalt  }
0x87: {  	_ =	shalt  }
.Lfunc_end0:
.L_simem_size_0:
called_computation.2_lowered:
.L_overlay_start_0:
0x88: {  	s2 =	sld [smem:$0x3FD9]  }
0x89: {  	s3 =	sld [smem:$0x3FFE];
	_ =	sdelay $0x1  }
0x8a: {  	s1 =	srdreg.scid  }
0x8b: {  	s0 =	sand.u32 $0x1, s1  }
0x8c: {  	s16 =	sshll.u32 s0, $0xA;
	s2 =	sadd.s32 s3, s2  }
0x8d: {  	s2 =	sadd.s32 s2, s16  }
0x8e: {  	[smem:$0x3FBB] =	sst s2  }
0x8f: {  	_ = 	snop  }
0x90: {  	(tm) =	ssettm $0x1  }
0x91: {  	s17 =	sld [smem:$0x3FFB];
	_ =	sdelay $0x3  }
0x92: {  	_ =	strace s17  }
0x93: {  	s2 =	sld [smem:$0x3FFC];
	_ =	sdelay $0x3  }
0x94: {  	_ =	strace s2  }
0x95: {  	s2 =	sld [smem:$0x3FFD];
	_ =	sdelay $0x3  }
0x96: {  	_ =	strace s2  }
0x97: {  	_ =	strace $0x8FFFFFFF  }
0x98: {  	s18 =	sld [smem:$0x3FDB];
	_ =	sdelay $0x1  }
0x99: {  	s19 =	simm.s32 $_scs_section_size  }
0x9a: {  	s4 =	simm.s32 $_size__tile_overlayer_lowered;
	s5 =	simm.s32 $_tile_overlayer_lowered  }
0x9b: {  	s22 =	simm.s32 $0x1BFF;
	s21 =	sshll.u32 s5, $0x1;
	s2 =	sadd.s32 s19, s18  }
0x9c: {  	s6 =	simm.s32 $0x0;
	s20 =	sshll.u32 s4, $0x1;
	s4 =	sadd.s32 s21, s2  }
0x9d: {  	[timem:s6], [sflag:s22] =	dma.local [hbm:s4], s20  }
0x9e: {  	_ =	swait.ge [sflag:s22], s20  }
0x9f: {  	s3 =	ssub.s32 $0x0, s20;
	[sflag:s22] =	ssyncset.done $0x0  }
0xa0: {  	[sflag:s22] =	ssyncadd.s32 s3;
	_ =	sdelay $0x1  }
0xa1: {  	s23 =	simm.s32 $0x1B8B  }
0xa2: {  	_ =	swait.ge [sflag:s23], $0x1  }
0xa3: {  	[sflag:s23] =	ssyncset.done $0x0  }
0xa4: {  	s25 =	simm.s32 $0x1B8E;
	s24 =	sld [smem:$0x3FFE];
	[sflag:s23] =	ssyncadd.s32 $0xFFFFFFFF  }
0xa5: {  	s26 =	simm.s32 $execute0_lowered;
	[smem:$0x3FD2] =	sst s25  }
0xa6: {  	s4 =	sshll.u32 s26, $0x1;
	_ =	strace $0x8000004C;
	[dreg:$0x1] =	wrdreg $0xFFFFFFFF  }
0xa7: {  	s28 =	simm.s32 $_size_execute0_lowered;
	s2 =	sadd.s32 s2, s4;
	[dreg:$0x0] =	wrdreg $0x0  }
0xa8: {  	s4 =	sshll.u32 s28, $0x1;
	[dreg:$0x2] =	wrdreg s2  }
0xa9: {  	[dreg:$0x3] =	wrdreg s4  }
0xaa: {  	[dreg:$0x4] =	wrdreg $0xC0  }
0xab: {  	_ =	task [dreg:s6], $0x5FFFF  }
0xac: {  	[dreg:$0x1] =	wrdreg $0xFFFFFFFF  }
0xad: {  	[dreg:$0x0] =	wrdreg $0x60  }
0xae: {  	[dreg:$0x2] =	wrdreg s24  }
0xaf: {  	[dreg:$0x3] =	wrdreg $0x0  }
0xb0: {  	[dreg:$0x4] =	wrdreg $0x9  }
0xb1: {  	_ =	task.clear_ibuf [dreg:s6], $0x5FFFF;
	_ =	strace $0x9000004C  }
0xb2: {  	s29 =	simm.s32 $0x9;
	_ =	strace $0x8000004E  }
0xb3: {  	_ =	swait.ge [sflag:s29], $0x1  }
0xb4: {  	[sflag:s29] =	ssyncadd.s32 $0xFFFFFFFF  }
0xb5: {  	_ =	strace $0x9000004E  }
0xb6: {  	_ =	sfence  }
0xb7: {  	s30 =	sld [smem:$0x0];
	_ =	sdelay $0x2  }
0xb8: {  	s31 =	sshll.u32 s1, $0xD;
	s1 =	sshrl.u32 s1, $0x2  }
0xb9: {  	s3 =	sand.u32 $0x4000, s31;
	s1 =	sadd.s32 s1, s30  }
0xba: {  	s0 =	sor.u32 s3, s0;
	s1 =	sshll.u32 s1, $0x11  }
0xbb: {  	s0 =	sor.u32 s1, s0  }
0xbc: {  	s0 =	sadd.s32 $0x8F2B, s0  }
0xbd: {  	[sflag:s0] =	ssyncadd.remote.s32 $0x1  }
0xbe: {  	_ =	sfence.sel $0xFFFF  }
0xbf: {  	[dreg:$0x0] =	wrdreg $0xFFFFFFFF;
	(pc) =	sbr.abs _section_cstart, $3  }
0xc0: {  	[dreg:$0x1] =	wrdreg $0xFFFFFFFF  }
0xc1: {  	_ =	task.clear_ibuf [dreg:s6], $0x2FFFF;
	_ =	strace $0x9FFFFFFF  }
0xc2: {  	(tm) =	ssettm $0x7FFFFFFF  }
0xc3: {  	_ =	shalt  }
tec
execute0_lowered:
.L_overlay_start_1:
0x0: {  	(tag) =	ssettag $0x1  }
0x1: {  	s5 =	rddreg [dreg:$0x0]  }
0x2: {  	s2 =	rddreg [dreg:$0x1]  }
0x3: {  	s4 =	srdreg.scid;
	s1 =	stileid.u32;
	s3 =	simm.s32 $0x0  }
0x4: {  	s17 =	simm.s32 $0x5;
	s18 =	simm.s32 $0x13C00;
	s19 =	simm.s32 $0x15000  }
0x5: {  	s20 =	simm.s32 $0x80;
	s21 =	simm.s32 $0x13C80;
	s22 =	simm.s32 $0x1A400  }
0x6: {  	s23 =	simm.s32 $0x1;
	s24 =	simm.s32 $0x2;
	s28 =	simm.s32 $0x4  }
0x7: {  	s29 =	simm.s32 $0x0;
	s6 =	sand.u32 $0x1, s4;
	s7 =	smul.u32 $0x2780, s1  }
0x8: {  	[smem:$0x7FF] =	sst s3;
	s4 =	sadd.s32 $0x18000, s5;
	s25 =	smul.u32 $0x4F000, s1  }
0x9: {  	s12 =	sadd.s32 $0xE000, s5;
	s13 =	sadd.s32 $0x4000, s5;
	s8 =	smul.u32 $0x28000, s6  }
0xa: {  	_ =	strace $0x8000004D;
	s26 =	sshll.u32 s6, $0x4;
	s6 =	ssub.s32 $0x2, s6  }
0xb: {  	s30 =	sshrl.u32 s25, $0x2;
	s31 =	sor.u32 s1, s26;
	s9 =	sshrl.u32 s6, $0x1  }
0xc: {  	s25 =	simm.s32 $0x15080;
	s26 =	simm.s32 $0x3;
	s10 =	smul.u32 $0x2800, s31  }
0xd: {  	s7 =	sadd.s32 s7, s8;
	s15 =	ssub.s32 s6, s9;
	s11 =	smul.u32 $0x500, s31  }
0xe: {  	s14 =	sadd.s32 s7, s5;
	s5 =	sadd.s32 s30, s2;
	s15 =	smax.u32 s15, $0x1  }
0xf: {  	s6 =	sadd.s32 $0x4000, s5;
	s7 =	sadd.s32 $0x8000, s5;
	s8 =	sadd.s32 $0xC000, s5  }
0x10: {  	s16 =	sshrl.u32 s10, $0x3;
	s9 =	sadd.s32 $0x10000, s5;
	s10 =	sadd.s32 s12, s11  }
0x11: {  	s11 =	sadd.s32 s13, s11;
	s14 =	sadd.s32 $0x40000, s14;
	s16 =	sadd.s32 $0x280, s16  }
0x12: {  	v0 =	vimm.f32 $0.0e+00;
	s12 =	sadd.s32 s12, s16;
	s13 =	sadd.s32 s13, s16;
	s16 =	simm.s32 $0x16400  }
.LBB2_1:
0x13: {  	s30 =	simm.s32 $0x0;
	s31 =	simm.s32 $0x200  }
.LBB2_2:
0x14: {  	p0 =	sne.s32 s31, $0xFE00;
	[tilespmem:s30+$0x16470] =	vst v0  }
0x15: {  	[tilespmem:s30+$0x16400] =	vst v0  }
0x16: {  	[tilespmem:s30+$0x16410] =	vst v0  }
.Ltmp0:
0x17: {  	[tilespmem:s30+$0x16420] =	vst v0;
	(pc) =	sbr.rel @p0 .LBB2_2-.Ltmp0, $4  }
0x18: {  	[tilespmem:s30+$0x16430] =	vst v0  }
0x19: {  	[tilespmem:s30+$0x16440] =	vst v0  }
0x1a: {  	[tilespmem:s30+$0x16450] =	vst v0  }
0x1b: {  	[tilespmem:s30+$0x16460] =	vst v0;
	s30 =	sshra.s32 s31, $0x2;
	s31 =	sadd.s32 $0x200, s31  }
0x1c: {  	[tilespmem:s30+$0x16470] =	vst v0  }
0x1d: {  	[tilespmem:s30+$0x16400] =	vst v0  }
0x1e: {  	[tilespmem:s30+$0x16410] =	vst v0  }
0x1f: {  	[tilespmem:s30+$0x16420] =	vst v0  }
0x20: {  	[tilespmem:s30+$0x16430] =	vst v0  }
0x21: {  	[tilespmem:s30+$0x16440] =	vst v0  }
0x22: {  	[tilespmem:s30+$0x16450] =	vst v0  }
0x23: {  	[tilespmem:s30+$0x16460] =	vst v0  }
0x24: {  	[spmem:s5] =	stream.linear.scatter [tilespmem:s16], [sflag:$0x5], $0x4000, $0x38;
	[tilespmem:$0x1E400] =	vst v63  }
0x25: {  	_ =	swait.ge [sflag:s17], $0x4000  }
0x26: {  	[sflag:s17] =	ssyncset.done $0x0  }
0x27: {  	[sflag:s17] =	ssyncadd.s32 $0xFFFFC000  }
0x28: {  	[spmem:s6] =	stream.linear.scatter [tilespmem:s16], [sflag:$0x5], $0x4000, $0x38;
	[tilespmem:$0x1E400] =	vst v63  }
0x29: {  	_ =	swait.ge [sflag:s17], $0x4000  }
0x2a: {  	[sflag:s17] =	ssyncset.done $0x0  }
0x2b: {  	[sflag:s17] =	ssyncadd.s32 $0xFFFFC000  }
0x2c: {  	[spmem:s7] =	stream.linear.scatter [tilespmem:s16], [sflag:$0x5], $0x4000, $0x38;
	[tilespmem:$0x1E400] =	vst v63  }
0x2d: {  	_ =	swait.ge [sflag:s17], $0x4000  }
0x2e: {  	[sflag:s17] =	ssyncset.done $0x0  }
0x2f: {  	[sflag:s17] =	ssyncadd.s32 $0xFFFFC000  }
0x30: {  	[spmem:s8] =	stream.linear.scatter [tilespmem:s16], [sflag:$0x5], $0x4000, $0x38;
	[tilespmem:$0x1E400] =	vst v63  }
0x31: {  	_ =	swait.ge [sflag:s17], $0x4000  }
0x32: {  	[sflag:s17] =	ssyncset.done $0x0  }
0x33: {  	[sflag:s17] =	ssyncadd.s32 $0xFFFFC000  }
0x34: {  	[spmem:s9] =	stream.linear.scatter [tilespmem:s16], [sflag:$0x5], $0x3C00, $0x38;
	[tilespmem:$0x1E400] =	vst v63  }
0x35: {  	_ =	swait.ge [sflag:s17], $0x3C00  }
0x36: {  	[sflag:s17] =	ssyncset.done $0x0  }
0x37: {  	[sflag:s17] =	ssyncadd.s32 $0xFFFFC400  }
0x38: {  	[bflag:$0x0] =	sbarrier.arrive $0xFFFF  }
0x39: {  	[tilespmem:s18], [sflag:$0x5] =	stream.linear.gather [hbm4b:s10+s3], $0x1400, $0x38;
	[tilespmem:$0x1E400] =	vst v63  }
0x3a: {  	_ =	swait.ge [sflag:s17], $0x1400  }
0x3b: {  	[sflag:s17] =	ssyncset.done $0x0  }
0x3c: {  	[sflag:s17] =	ssyncadd.s32 $0xFFFFEC00  }
0x3d: {  	[tilespmem:s19], [sflag:$0x5] =	stream.linear.gather [hbm4b:s11+s3], $0x1400, $0x38;
	[tilespmem:$0x1E400] =	vst v63  }
0x3e: {  	_ =	swait.ge [sflag:s17], $0x1400  }
0x3f: {  	[sflag:s17] =	ssyncset.done $0x0  }
0x40: {  	[sflag:s17] =	ssyncadd.s32 $0xFFFFEC00  }
0x41: {  	[tilespmem:s16], [sflag:$0x1] =	stream.indirect.gather [hbm4b:s4+s20], $0x80, s18, s20, $0xb8;
	[tilespmem:$0x1E400] =	vst v63  }
0x42: {  	_ = 	snop  }
0x43: {  	[tilespmem:s22], [sflag:$0x2] =	stream.indirect.gather [hbm4b:s4+s20], $0x80, s21, s20, $0xb8;
	[tilespmem:$0x1E400] =	vst v63  }
0x44: {  	_ =	swait.ge [sflag:s23], $0x4000  }
0x45: {  	[sflag:s23] =	ssyncset.done $0x0  }
0x46: {  	[sflag:s23] =	ssyncadd.s32 $0xFFFFC000  }
0x47: {  	[spmem:s2] =	stream.indirect.scatter.add.f32 [tilespmem:s16], [sflag:$0x3], $0x80, s19, s20, $0xb8;
	[tilespmem:$0x1E400] =	vst v63  }
0x48: {  	_ =	swait.ge [sflag:s24], $0x4000  }
0x49: {  	[sflag:s24] =	ssyncset.done $0x0  }
0x4a: {  	[sflag:s24] =	ssyncadd.s32 $0xFFFFC000  }
0x4b: {  	[spmem:s2] =	stream.indirect.scatter.add.f32 [tilespmem:s22], [sflag:$0x4], $0x80, s25, s20, $0xb8;
	[tilespmem:$0x1E400] =	vst v63  }
0x4c: {  	_ =	swait.ge [sflag:s26], $0x4000  }
0x4d: {  	[sflag:s26] =	ssyncset.done $0x0  }
0x4e: {  	s30 =	simm.s32 $0x13D00;
	[sflag:s26] =	ssyncadd.s32 $0xFFFFC000  }
0x4f: {  	[tilespmem:s16], [sflag:$0x1] =	stream.indirect.gather [hbm4b:s4+s20], $0x80, s30, s20, $0xb8;
	[tilespmem:$0x1E400] =	vst v63  }
0x50: {  	_ =	swait.ge [sflag:s28], $0x4000  }
0x51: {  	[sflag:s28] =	ssyncset.done $0x0  }
0x52: {  	s30 =	simm.s32 $0x13D80;
	[sflag:s28] =	ssyncadd.s32 $0xFFFFC000  }
0x53: {  	[tilespmem:s22], [sflag:$0x2] =	stream.indirect.gather [hbm4b:s4+s20], $0x80, s30, s20, $0xb8;
	[tilespmem:$0x1E400] =	vst v63  }
0x54: {  	_ =	swait.ge [sflag:s23], $0x4000  }
0x55: {  	[sflag:s23] =	ssyncset.done $0x0  }
0x56: {  	s30 =	simm.s32 $0x15100;
	[sflag:s23] =	ssyncadd.s32 $0xFFFFC000  }
0x57: {  	[spmem:s2] =	stream.indirect.scatter.add.f32 [tilespmem:s16], [sflag:$0x3], $0x80, s30, s20, $0xb8;
	[tilespmem:$0x1E400] =	vst v63  }
0x58: {  	_ =	swait.ge [sflag:s24], $0x4000  }
0x59: {  	[sflag:s24] =	ssyncset.done $0x0  }
0x5a: {  	s31 =	simm.s32 $0x15180;
	s30 =	simm.s32 $0xFFFFB800;
	[sflag:s24] =	ssyncadd.s32 $0xFFFFC000  }
.LBB2_4:
0x5b: {  	[spmem:s2] =	stream.indirect.scatter.add.f32 [tilespmem:s22], [sflag:$0x4], $0x80, s31, s20, $0xb8;
	[tilespmem:$0x1E400] =	vst v63  }
0x5c: {  	s31 =	smov.u32 s30  }
0x5d: {  	p0 =	sne.s32 s30, $0xFFFFFC00;
	s30 =	sadd.s32 $0x400, s30;
	_ =	swait.ge [sflag:s26], $0x4000  }
0x5e: {  	s31 =	sshra.s32 s31, $0x2;
	[sflag:s26] =	ssyncset.done $0x0  }
0x5f: {  	s0 =	sadd.s32 $0x15000, s31;
	[sflag:s26] =	ssyncadd.s32 $0xFFFFC000  }
0x60: {  	[tilespmem:s16], [sflag:$0x1] =	stream.indirect.gather [hbm4b:s4+s20], $0x80, s0, s20, $0xb8;
	[tilespmem:$0x1E400] =	vst v63  }
0x61: {  	_ =	swait.ge [sflag:s28], $0x4000  }
0x62: {  	[sflag:s28] =	ssyncset.done $0x0  }
0x63: {  	s0 =	sadd.s32 $0x15080, s31;
	[sflag:s28] =	ssyncadd.s32 $0xFFFFC000  }
0x64: {  	[tilespmem:s22], [sflag:$0x2] =	stream.indirect.gather [hbm4b:s4+s20], $0x80, s0, s20, $0xb8;
	[tilespmem:$0x1E400] =	vst v63  }
0x65: {  	_ =	swait.ge [sflag:s23], $0x4000  }
0x66: {  	[sflag:s23] =	ssyncset.done $0x0  }
.Ltmp1:
0x67: {  	s0 =	sadd.s32 $0x16400, s31;
	[sflag:s23] =	ssyncadd.s32 $0xFFFFC000;
	(pc) =	sbr.rel @p0 .LBB2_4-.Ltmp1, $4  }
0x68: {  	[spmem:s2] =	stream.indirect.scatter.add.f32 [tilespmem:s16], [sflag:$0x3], $0x80, s0, s20, $0xb8;
	[tilespmem:$0x1E400] =	vst v63  }
0x69: {  	_ =	swait.ge [sflag:s24], $0x4000  }
0x6a: {  	[sflag:s24] =	ssyncset.done $0x0  }
0x6b: {  	s31 =	sadd.s32 $0x16480, s31;
	[sflag:s24] =	ssyncadd.s32 $0xFFFFC000  }
0x6c: {  	[spmem:s2] =	stream.indirect.scatter.add.f32 [tilespmem:s22], [sflag:$0x4], $0x80, s31, s20, $0xb8;
	[tilespmem:$0x1E400] =	vst v63  }
0x6d: {  	_ =	swait.ge [sflag:s26], $0x4000  }
0x6e: {  	[sflag:s26] =	ssyncset.done $0x0  }
0x6f: {  	[sflag:s26] =	ssyncadd.s32 $0xFFFFC000  }
0x70: {  	_ =	swait.ge [sflag:s28], $0x4000  }
0x71: {  	[sflag:s28] =	ssyncset.done $0x0  }
0x72: {  	[sflag:s28] =	ssyncadd.s32 $0xFFFFC000  }
0x73: {  	[tilespmem:s18], [sflag:$0x5] =	stream.linear.gather [hbm4b:s12+s3], $0x1400, $0x38;
	[tilespmem:$0x1E400] =	vst v63  }
0x74: {  	_ =	swait.ge [sflag:s17], $0x1400  }
0x75: {  	[sflag:s17] =	ssyncset.done $0x0  }
0x76: {  	[sflag:s17] =	ssyncadd.s32 $0xFFFFEC00  }
0x77: {  	[tilespmem:s19], [sflag:$0x5] =	stream.linear.gather [hbm4b:s13+s3], $0x1400, $0x38;
	[tilespmem:$0x1E400] =	vst v63  }
0x78: {  	_ =	swait.ge [sflag:s17], $0x1400  }
0x79: {  	[sflag:s17] =	ssyncset.done $0x0  }
0x7a: {  	[sflag:s17] =	ssyncadd.s32 $0xFFFFEC00  }
0x7b: {  	[tilespmem:s16], [sflag:$0x1] =	stream.indirect.gather [hbm4b:s4+s20], $0x80, s18, s20, $0xb8;
	[tilespmem:$0x1E400] =	vst v63  }
0x7c: {  	_ = 	snop  }
0x7d: {  	[tilespmem:s22], [sflag:$0x2] =	stream.indirect.gather [hbm4b:s4+s20], $0x80, s21, s20, $0xb8;
	[tilespmem:$0x1E400] =	vst v63  }
0x7e: {  	_ =	swait.ge [sflag:s23], $0x4000  }
0x7f: {  	[sflag:s23] =	ssyncset.done $0x0  }
0x80: {  	[sflag:s23] =	ssyncadd.s32 $0xFFFFC000  }
0x81: {  	[spmem:s2] =	stream.indirect.scatter.add.f32 [tilespmem:s16], [sflag:$0x3], $0x80, s19, s20, $0xb8;
	[tilespmem:$0x1E400] =	vst v63  }
0x82: {  	_ =	swait.ge [sflag:s24], $0x4000  }
0x83: {  	[sflag:s24] =	ssyncset.done $0x0  }
0x84: {  	[sflag:s24] =	ssyncadd.s32 $0xFFFFC000  }
0x85: {  	[spmem:s2] =	stream.indirect.scatter.add.f32 [tilespmem:s22], [sflag:$0x4], $0x80, s25, s20, $0xb8;
	[tilespmem:$0x1E400] =	vst v63  }
0x86: {  	_ =	swait.ge [sflag:s26], $0x4000  }
0x87: {  	[sflag:s26] =	ssyncset.done $0x0  }
0x88: {  	s0 =	simm.s32 $0x13D00;
	[sflag:s26] =	ssyncadd.s32 $0xFFFFC000  }
0x89: {  	[tilespmem:s16], [sflag:$0x1] =	stream.indirect.gather [hbm4b:s4+s20], $0x80, s0, s20, $0xb8;
	[tilespmem:$0x1E400] =	vst v63  }
0x8a: {  	_ =	swait.ge [sflag:s28], $0x4000  }
0x8b: {  	[sflag:s28] =	ssyncset.done $0x0  }
0x8c: {  	s0 =	simm.s32 $0x13D80;
	[sflag:s28] =	ssyncadd.s32 $0xFFFFC000  }
0x8d: {  	[tilespmem:s22], [sflag:$0x2] =	stream.indirect.gather [hbm4b:s4+s20], $0x80, s0, s20, $0xb8;
	[tilespmem:$0x1E400] =	vst v63  }
0x8e: {  	_ =	swait.ge [sflag:s23], $0x4000  }
0x8f: {  	[sflag:s23] =	ssyncset.done $0x0  }
0x90: {  	s0 =	simm.s32 $0x15100;
	[sflag:s23] =	ssyncadd.s32 $0xFFFFC000  }
0x91: {  	[spmem:s2] =	stream.indirect.scatter.add.f32 [tilespmem:s16], [sflag:$0x3], $0x80, s0, s20, $0xb8;
	[tilespmem:$0x1E400] =	vst v63  }
0x92: {  	_ =	swait.ge [sflag:s24], $0x4000  }
0x93: {  	[sflag:s24] =	ssyncset.done $0x0  }
0x94: {  	s30 =	simm.s32 $0xFFFFB800;
	s31 =	simm.s32 $0x15180;
	[sflag:s24] =	ssyncadd.s32 $0xFFFFC000  }
.LBB2_6:
0x95: {  	[spmem:s2] =	stream.indirect.scatter.add.f32 [tilespmem:s22], [sflag:$0x4], $0x80, s31, s20, $0xb8;
	[tilespmem:$0x1E400] =	vst v63  }
0x96: {  	s0 =	smov.u32 s30  }
0x97: {  	p0 =	sne.s32 s30, $0xFFFFFC00;
	s30 =	sadd.s32 $0x400, s30;
	_ =	swait.ge [sflag:s26], $0x4000  }
0x98: {  	s0 =	sshra.s32 s0, $0x2;
	[sflag:s26] =	ssyncset.done $0x0  }
0x99: {  	s31 =	sadd.s32 $0x15000, s0;
	[sflag:s26] =	ssyncadd.s32 $0xFFFFC000  }
0x9a: {  	[tilespmem:s16], [sflag:$0x1] =	stream.indirect.gather [hbm4b:s4+s20], $0x80, s31, s20, $0xb8;
	[tilespmem:$0x1E400] =	vst v63  }
0x9b: {  	_ =	swait.ge [sflag:s28], $0x4000  }
0x9c: {  	[sflag:s28] =	ssyncset.done $0x0  }
0x9d: {  	s31 =	sadd.s32 $0x15080, s0;
	[sflag:s28] =	ssyncadd.s32 $0xFFFFC000  }
0x9e: {  	[tilespmem:s22], [sflag:$0x2] =	stream.indirect.gather [hbm4b:s4+s20], $0x80, s31, s20, $0xb8;
	[tilespmem:$0x1E400] =	vst v63  }
0x9f: {  	_ =	swait.ge [sflag:s23], $0x4000  }
0xa0: {  	[sflag:s23] =	ssyncset.done $0x0  }
.Ltmp2:
0xa1: {  	s31 =	sadd.s32 $0x16400, s0;
	[sflag:s23] =	ssyncadd.s32 $0xFFFFC000;
	(pc) =	sbr.rel @p0 .LBB2_6-.Ltmp2, $4  }
0xa2: {  	[spmem:s2] =	stream.indirect.scatter.add.f32 [tilespmem:s16], [sflag:$0x3], $0x80, s31, s20, $0xb8;
	[tilespmem:$0x1E400] =	vst v63  }
0xa3: {  	_ =	swait.ge [sflag:s24], $0x4000  }
0xa4: {  	[sflag:s24] =	ssyncset.done $0x0  }
0xa5: {  	s31 =	sadd.s32 $0x16480, s0;
	[sflag:s24] =	ssyncadd.s32 $0xFFFFC000  }
0xa6: {  	[spmem:s2] =	stream.indirect.scatter.add.f32 [tilespmem:s22], [sflag:$0x4], $0x80, s31, s20, $0xb8;
	[tilespmem:$0x1E400] =	vst v63  }
0xa7: {  	_ =	swait.ge [sflag:s26], $0x4000  }
0xa8: {  	[sflag:s26] =	ssyncset.done $0x0  }
0xa9: {  	[sflag:s26] =	ssyncadd.s32 $0xFFFFC000  }
0xaa: {  	_ =	swait.ge [sflag:s28], $0x4000  }
0xab: {  	s0 =	sshll.u32 s1, $0x6;
	s29 =	sadd.s32 $0x1, s29;
	[sflag:s28] =	ssyncset.done $0x0  }
0xac: {  	s30 =	sshrl.u32 s5, $0x3;
	p0 =	sne.s32 s29, s15;
	[sflag:s28] =	ssyncadd.s32 $0xFFFFC000  }
.Ltmp3:
0xad: {  	s0 =	sor.u32 $0x1C05, s0;
	[bflag:$0x0] =	sbarrier.arrive $0xFFFF;
	(pc) =	sbr.rel @p0 .LBB2_1-.Ltmp3, $4  }
0xae: {  	[hbm:s14], [sflag:s0] =	dma.local [spmem:s30], $0x2780  }
0xaf: {  	_ =	swait.ge [sflag:s17], $0x2780  }
0xb0: {  	[sflag:s17] =	ssyncset.done $0x0  }
0xb1: {  	[sflag:s17] =	ssyncadd.s32 $0xFFFFD880  }
0xb2: {  	_ =	sfence.sel $0x180000  }
0xb3: {  	[bflag:$0x0] =	sbarrier.arrive $0xFFFF  }
0xb4: {  	_ =	strace $0x9000004D  }
0xb5: {  	[bflag:$0x2] =	sbarrier.arrive $0xFFFF  }
0xb6: {  	p0 =	sne.s32 s1, $0x0;
	s0 =	rddreg [dreg:$0x2]  }
0xb7: {  	s0 =	sadd.s32 @!p0 $0x100000, s0  }
0xb8: {  	[sflag:s0] =	ssyncadd.tile.s32 @!p0 $0x1;
	_ =	shalt  }
.Lfunc_end2:
_tile_overlayer_lowered:
.L_overlay_start_2:
0xb9: {  	(tag) =	ssettag $0x2  }
0xba: {  	s0 =	rddreg [dreg:$0x0];
	s2 =	stileid.u32  }
0xbb: {  	s1 =	rddreg [dreg:$0x1];
	p0 =	sne.s32 s2, $0x0  }
0xbc: {  	s3 =	rddreg [dreg:$0x2];
	[bflag:$0x3] =	sbarrier.arrive $0xFFFF;
	s2 =	simm.s32 @!p0 $0x1C05  }
0xbd: {  	[timem:s3], [sflag:s2] =	dma.local @!p0 [hbm:s0], s1  }
0xbe: {  	s0 =	simm.s32 @!p0 $0x5  }
0xbf: {  	_ =	swait.ge @!p0 [sflag:s0], s1  }
0xc0: {  	s1 =	ssub.s32 @!p0 $0x0, s1;
	[sflag:s0] =	ssyncset.done @!p0 $0x0  }
0xc1: {  	[sflag:s0] =	ssyncadd.s32 @!p0 s1  }
0xc2: {  	[bflag:$0x3] =	sbarrier.arrive $0xFFFF  }
0xc3: {  	_ =	shalt  }

// kernel: kernel.8.cloned.1.call-start
scs
__scs_entry_jumppad:
0x0: {  	(pc) =	sbr.rel $0x88, $3  }
0x1: {  	(tag) =	ssettag $0x0;
	lr =	simm.s32 $0x1  }
0x2: {  	[smem:$0x3F94] =	sst lr;
	_ =	strace $0xD0000000  }
0x3: {  	_ = 	snop  }
0x4: {  	_ = 	snop  }
0x5: {  	_ = 	snop  }
0x6: {  	_ = 	snop  }
0x7: {  	_ = 	snop  }
__scs_overlays_trampoline_lowered:
0x8: {  	[smem:$0x3FA3] =	sst s0  }
0x9: {  	[smem:$0x3FA4] =	sst s1  }
0xa: {  	[smem:$0x3FA5] =	sst s2  }
0xb: {  	[smem:$0x3FA6] =	sst s3  }
0xc: {  	[smem:$0x3FA7] =	sst s4  }
0xd: {  	[smem:$0x3FA8] =	sst s5  }
0xe: {  	[smem:$0x3FA9] =	sst s6  }
0xf: {  	[smem:$0x3FAA] =	sst s7  }
0x10: {  	[smem:$0x3FAB] =	sst s8  }
0x11: {  	[smem:$0x3FAC] =	sst s9;
	s0 =	simm.s32 @!p0 $0x0  }
0x12: {  	s1 =	sld [smem:$0x3F92];
	s0 =	simm.s32 @p0 $0x1  }
0x13: {  	[smem:$0x3FAD] =	sst s0;
	s0 =	simm.s32 @!p1 $0x0  }
0x14: {  	s2 =	sld [smem:$0x3F91];
	s0 =	simm.s32 @p1 $0x1  }
0x15: {  	[smem:$0x3FAE] =	sst s0;
	s0 =	simm.s32 @!p2 $0x0  }
0x16: {  	s3 =	sld [smem:$0x3FDB];
	s0 =	simm.s32 @p2 $0x1  }
0x17: {  	s4 =	simm.s32 $0x1BF5;
	[smem:$0x3FB0] =	sst s0  }
0x18: {  	s0 =	sld [smem:$0x3F93];
	_ =	swait.ge [sflag:s4], $0x0  }
0x19: {  	s7 =	sld [smem:$0x3F94]  }
0x1a: {  	s8 =	sadd.s32 $0xFFFFE003, lr  }
0x1b: {  	s9 =	sadd.s32 $0xFFFFFEF7, lr;
	s5 =	simm.s32 $0xFFFFFFFF;
	p2 =	slt.u32 s8, $0xFFFFF086  }
0x1c: {  	p1 =	slt.u32 s9, $0xF7A;
	s5 =	simm.s32 @!p2 $0x0  }
0x1d: {  	s5 =	simm.s32 @p1 $0x1;
	p0 =	seq.s32 s7, s2  }
0x1e: {  	s7 =	smul.u32 @!p0 $0xF7A, s2;
	p2 =	seq.s32 @!p0 s5, $0x0  }
0x1f: {  	s9 =	smul.u32 $0xF7A, s1;
	s8 =	simm.s32 @!p0 $0x1BF5;
	p2 =	por !p2, p0  }
0x20: {  	[sflag:s8] =	ssyncset.s32 @!p0 $0xFFFFF086;
	s6 =	sadd.s32 @!p0 s3, s7;
	s7 =	simm.s32 @!p0 $0x108  }
0x21: {  	s3 =	sadd.s32 s3, s9;
	s6 =	sadd.s32 @!p0 $0x88, s6;
	s7 =	simm.s32 @p2 $0x1082  }
0x22: {  	[simem:s7], [sflag:s8] =	dma.local @!p0 [hbm:s6], $0xF7A  }
0x23: {  	s9 =	sor.u32 $0xD0000000, s2;
	s6 =	simm.s32 $0x108;
	_ =	swait.ge @!p0 [sflag:s8], $0x0  }
0x24: {  	s3 =	sadd.s32 $0x88, s3;
	s6 =	simm.s32 @!p1 $0x1082;
	[sflag:s4] =	ssyncset.s32 $0xFFFFF086  }
0x25: {  	[simem:s6], [sflag:s4] =	dma.local [hbm:s3], $0xF7A  }
0x26: {  	[smem:$0x3F94] =	sst s1;
	(tag) =	ssettag s2;
	_ =	strace s9  }
0x27: {  	s1 =	sld [smem:$0x3FA4]  }
0x28: {  	s2 =	sld [smem:$0x3FA5]  }
0x29: {  	s4 =	sld [smem:$0x3FA7]  }
0x2a: {  	p0 =	seq.s32 s5, $0x0;
	s5 =	sld [smem:$0x3FA8]  }
0x2b: {  	s6 =	sld [smem:$0x3FA9]  }
0x2c: {  	s7 =	sld [smem:$0x3FAA]  }
0x2d: {  	s3 =	simm.s32 $0x108;
	s8 =	sld [smem:$0x3FAB]  }
0x2e: {  	s3 =	simm.s32 @!p0 $0x1082;
	s9 =	sld [smem:$0x3FAC]  }
0x2f: {  	lr =	sadd.s32 s0, s3;
	s0 =	sld [smem:$0x3FA3]  }
0x30: {  	s3 =	sld [smem:$0x3FA6]  }
0x31: {  	[smem:$0x3FAF] =	sst s10  }
0x32: {  	s10 =	sld [smem:$0x3FAD];
	_ =	sdelay $0x3  }
0x33: {  	p0 =	seq.s32 s10, $0x1;
	s10 =	sld [smem:$0x3FAF];
	_ =	sdelay $0x3  }
0x34: {  	[smem:$0x3FAF] =	sst s10  }
0x35: {  	s10 =	sld [smem:$0x3FAE];
	_ =	sdelay $0x3  }
0x36: {  	p1 =	seq.s32 s10, $0x1;
	s10 =	sld [smem:$0x3FAF];
	_ =	sdelay $0x3  }
0x37: {  	[smem:$0x3FAF] =	sst s10  }
0x38: {  	s10 =	sld [smem:$0x3FB0]  }
0x39: {  	_ = 	snop;
	(pc) =	sbr.ind lr, $3  }
0x3a: {  	_ = 	snop  }
0x3b: {  	_ = 	snop  }
0x3c: {  	p2 =	seq.s32 s10, $0x1;
	s10 =	sld [smem:$0x3FAF]  }
0x3d: {  	_ =	shalt  }
0x3e: {  	_ =	shalt  }
0x3f: {  	_ =	shalt  }
0x40: {  	_ =	shalt  }
0x41: {  	_ =	shalt  }
0x42: {  	_ =	shalt  }
0x43: {  	_ =	shalt  }
0x44: {  	_ =	shalt  }
0x45: {  	_ =	shalt  }
0x46: {  	_ =	shalt  }
0x47: {  	_ =	shalt  }
0x48: {  	_ =	shalt  }
0x49: {  	_ =	shalt  }
0x4a: {  	_ =	shalt  }
0x4b: {  	_ =	shalt  }
0x4c: {  	_ =	shalt  }
0x4d: {  	_ =	shalt  }
0x4e: {  	_ =	shalt  }
0x4f: {  	_ =	shalt  }
0x50: {  	_ =	shalt  }
0x51: {  	_ =	shalt  }
0x52: {  	_ =	shalt  }
0x53: {  	_ =	shalt  }
0x54: {  	_ =	shalt  }
0x55: {  	_ =	shalt  }
0x56: {  	_ =	shalt  }
0x57: {  	_ =	shalt  }
0x58: {  	_ =	shalt  }
0x59: {  	_ =	shalt  }
0x5a: {  	_ =	shalt  }
0x5b: {  	_ =	shalt  }
0x5c: {  	_ =	shalt  }
0x5d: {  	_ =	shalt  }
0x5e: {  	_ =	shalt  }
0x5f: {  	_ =	shalt  }
0x60: {  	_ =	shalt  }
0x61: {  	_ =	shalt  }
0x62: {  	_ =	shalt  }
0x63: {  	_ =	shalt  }
0x64: {  	_ =	shalt  }
0x65: {  	_ =	shalt  }
0x66: {  	_ =	shalt  }
0x67: {  	_ =	shalt  }
0x68: {  	_ =	shalt  }
0x69: {  	_ =	shalt  }
0x6a: {  	_ =	shalt  }
0x6b: {  	_ =	shalt  }
0x6c: {  	_ =	shalt  }
0x6d: {  	_ =	shalt  }
0x6e: {  	_ =	shalt  }
0x6f: {  	_ =	shalt  }
0x70: {  	_ =	shalt  }
0x71: {  	_ =	shalt  }
0x72: {  	_ =	shalt  }
0x73: {  	_ =	shalt  }
0x74: {  	_ =	shalt  }
0x75: {  	_ =	shalt  }
0x76: {  	_ =	shalt  }
0x77: {  	_ =	shalt  }
0x78: {  	_ =	shalt  }
0x79: {  	_ =	shalt  }
0x7a: {  	_ =	shalt  }
0x7b: {  	_ =	shalt  }
0x7c: {  	_ =	shalt  }
0x7d: {  	_ =	shalt  }
0x7e: {  	_ =	shalt  }
0x7f: {  	_ =	shalt  }
0x80: {  	_ =	shalt  }
0x81: {  	_ =	shalt  }
0x82: {  	_ =	shalt  }
0x83: {  	_ =	shalt  }
0x84: {  	_ =	shalt  }
0x85: {  	_ =	shalt  }
0x86: {  	_ =	shalt  }
0x87: {  	_ =	shalt  }
.Lfunc_end0:
.L_simem_size_0:
called_computation_lowered:
.L_overlay_start_0:
0x88: {  	s2 =	sld [smem:$0x3FD9]  }
0x89: {  	s3 =	sld [smem:$0x3FFE];
	_ =	sdelay $0x1  }
0x8a: {  	s1 =	srdreg.scid  }
0x8b: {  	s0 =	sand.u32 $0x1, s1  }
0x8c: {  	s14 =	sshll.u32 s0, $0xA;
	s2 =	sadd.s32 s3, s2  }
0x8d: {  	s2 =	sadd.s32 s2, s14  }
0x8e: {  	[smem:$0x3FBB] =	sst s2  }
0x8f: {  	_ = 	snop  }
0x90: {  	s2 =	sld [smem:$0x3FD0];
	_ =	sdelay $0x2  }
0x91: {  	s15 =	simm.s32 $0xA;
	s4 =	simm.s32 $0x10  }
0x92: {  	[smem:s4], [sflag:s15] =	dma.local [hbm:s2], $0x1  }
0x93: {  	_ =	swait.eq [sflag:s15], $0x1  }
0x94: {  	[sflag:s15] =	ssyncset.done $0x0  }
0x95: {  	[sflag:s15] =	ssyncadd.s32 $0xFFFFFFFF  }
0x96: {  	s16 =	sld [smem:$0x11];
	(tm) =	ssettm $0x1  }
0x97: {  	s17 =	sld [smem:$0x3FFB];
	_ =	sdelay $0x3  }
0x98: {  	_ =	strace s17  }
0x99: {  	s3 =	sld [smem:$0x3FFC];
	_ =	sdelay $0x3  }
0x9a: {  	_ =	strace s3  }
0x9b: {  	s3 =	sld [smem:$0x3FFD];
	_ =	sdelay $0x3  }
0x9c: {  	_ =	strace s3  }
0x9d: {  	_ =	strace $0x8FFFFFFF  }
0x9e: {  	s18 =	sld [smem:$0x3FDB];
	_ =	sdelay $0x1  }
0x9f: {  	s19 =	simm.s32 $_scs_section_size  }
0xa0: {  	s5 =	simm.s32 $_size__tile_overlayer_lowered;
	s6 =	simm.s32 $_tile_overlayer_lowered  }
0xa1: {  	s22 =	simm.s32 $0x1BFF;
	s21 =	sshll.u32 s6, $0x1;
	s3 =	sadd.s32 s19, s18  }
0xa2: {  	s7 =	simm.s32 $0x0;
	s20 =	sshll.u32 s5, $0x1;
	s5 =	sadd.s32 s21, s3  }
0xa3: {  	[timem:s7], [sflag:s22] =	dma.local [hbm:s5], s20  }
0xa4: {  	_ =	swait.ge [sflag:s22], s20  }
0xa5: {  	s4 =	ssub.s32 $0x0, s20;
	[sflag:s22] =	ssyncset.done $0x0  }
0xa6: {  	[sflag:s22] =	ssyncadd.s32 s4;
	_ =	sdelay $0x1  }
0xa7: {  	s23 =	simm.s32 $0x1B8B  }
0xa8: {  	_ =	swait.ge [sflag:s23], $0x1  }
0xa9: {  	[sflag:s23] =	ssyncset.done $0x0  }
0xaa: {  	s25 =	simm.s32 $0x1B8E;
	s24 =	sld [smem:$0x3FFE];
	[sflag:s23] =	ssyncadd.s32 $0xFFFFFFFF  }
0xab: {  	s26 =	simm.s32 $execute0_lowered;
	[smem:$0x3FD2] =	sst s25  }
0xac: {  	s5 =	sshll.u32 s26, $0x1;
	_ =	strace $0x80000046;
	[dreg:$0x1] =	wrdreg $0xFFFFFFFF  }
0xad: {  	s28 =	simm.s32 $_size_execute0_lowered;
	s3 =	sadd.s32 s3, s5;
	[dreg:$0x0] =	wrdreg $0x0  }
0xae: {  	s5 =	sshll.u32 s28, $0x1;
	[dreg:$0x2] =	wrdreg s3  }
0xaf: {  	[dreg:$0x3] =	wrdreg s5  }
0xb0: {  	[dreg:$0x4] =	wrdreg $0xC0  }
0xb1: {  	_ =	task [dreg:s7], $0x5FFFF  }
0xb2: {  	[dreg:$0x1] =	wrdreg $0xFFFFFFFF  }
0xb3: {  	[dreg:$0x0] =	wrdreg $0x60  }
0xb4: {  	[dreg:$0x2] =	wrdreg s24  }
0xb5: {  	[dreg:$0x3] =	wrdreg s16  }
0xb6: {  	[dreg:$0x4] =	wrdreg $0x0  }
0xb7: {  	[dreg:$0x5] =	wrdreg $0x2800  }
0xb8: {  	[dreg:$0x6] =	wrdreg $0x9  }
0xb9: {  	_ =	task.clear_ibuf [dreg:s7], $0x7FFFF;
	_ =	strace $0x90000046  }
0xba: {  	s29 =	simm.s32 $0x9;
	_ =	strace $0x80000048  }
0xbb: {  	_ =	swait.ge [sflag:s29], $0x1  }
0xbc: {  	[sflag:s29] =	ssyncadd.s32 $0xFFFFFFFF  }
0xbd: {  	_ =	strace $0x90000048  }
0xbe: {  	_ =	sfence  }
0xbf: {  	s30 =	sld [smem:$0x0];
	_ =	sdelay $0x2  }
0xc0: {  	s31 =	sshll.u32 s1, $0xD;
	s1 =	sshrl.u32 s1, $0x2  }
0xc1: {  	s3 =	sand.u32 $0x4000, s31;
	s1 =	sadd.s32 s1, s30  }
0xc2: {  	s0 =	sor.u32 s3, s0;
	s1 =	sshll.u32 s1, $0x11  }
0xc3: {  	s0 =	sor.u32 s1, s0  }
0xc4: {  	s0 =	sadd.s32 $0x8F2B, s0  }
0xc5: {  	[sflag:s0] =	ssyncadd.remote.s32 $0x1  }
0xc6: {  	_ =	sfence.sel $0xFFFF  }
0xc7: {  	[dreg:$0x0] =	wrdreg $0xFFFFFFFF;
	(pc) =	sbr.abs _section_cstart, $3  }
0xc8: {  	[dreg:$0x1] =	wrdreg $0xFFFFFFFF  }
0xc9: {  	_ =	task.clear_ibuf [dreg:s7], $0x2FFFF;
	_ =	strace $0x9FFFFFFF  }
0xca: {  	(tm) =	ssettm $0x7FFFFFFF  }
0xcb: {  	_ =	shalt  }
tec
execute0_lowered:
.L_overlay_start_1:
0x0: {  	(tag) =	ssettag $0x1  }
0x1: {  	s0 =	rddreg [dreg:$0x0]  }
0x2: {  	s1 =	rddreg [dreg:$0x1];
	s3 =	srdreg.scid  }
0x3: {  	s2 =	rddreg [dreg:$0x2];
	s14 =	stileid.u32;
	s4 =	simm.s32 $0x0  }
0x4: {  	s20 =	simm.s32 $0x18C0;
	s28 =	simm.s32 $0x1;
	s29 =	simm.s32 $0x2  }
0x5: {  	s30 =	simm.s32 $0x16C0;
	s31 =	simm.s32 $0x1740;
	s7 =	smul.u32 $0x140, s14  }
0x6: {  	s6 =	sand.u32 $0x1, s3;
	s3 =	rddreg [dreg:$0x3];
	s8 =	smul.u32 $0x280, s14  }
0x7: {  	[smem:$0x7FF] =	sst s4;
	s12 =	sadd.s32 $0x4000, s0;
	s5 =	smul.u32 $0x1400, s6  }
0x8: {  	s10 =	sshll.u32 s14, $0x6;
	s17 =	sshll.u32 s14, $0x5;
	s21 =	smul.u32 $0x2800, s6  }
0x9: {  	_ =	strace $0x80000047;
	s23 =	ssub.s32 $0x2, s6;
	s9 =	sshll.u32 s6, $0x4  }
0xa: {  	s10 =	sadd.s32 s10, s3;
	s6 =	sshll.u32 s6, $0x9;
	s24 =	sshrl.u32 s23, $0x1  }
0xb: {  	s9 =	sor.u32 s14, s9;
	s6 =	sor.u32 s17, s6;
	s17 =	sadd.s32 s17, s3  }
0xc: {  	s5 =	sadd.s32 s7, s5;
	s22 =	sadd.s32 s8, s21;
	s11 =	smul.u32 $0x500, s9  }
0xd: {  	s7 =	ssub.s32 s23, s24;
	s13 =	smul.u32 $0x2800, s9;
	s6 =	sshrl.u32 s6, $0x3  }
0xe: {  	s21 =	simm.s32 $0x3;
	s23 =	simm.s32 $0x2C0;
	s24 =	simm.s32 $0x80  }
0xf: {  	s5 =	sshrl.u32 s5, $0x3;
	s18 =	sadd.s32 s1, s6;
	s19 =	smax.u32 s7, $0x1  }
0x10: {  	s1 =	simm.s32 $0x17C0;
	s15 =	sadd.s32 s5, s0;
	s5 =	sshrl.u32 s22, $0x3  }
0x11: {  	s11 =	sadd.s32 s12, s11;
	s13 =	sshrl.u32 s13, $0x3;
	s22 =	simm.s32 $0x1940  }
0x12: {  	s0 =	sadd.s32 s5, s0;
	s5 =	sadd.s32 s8, s2;
	s12 =	sadd.s32 s12, s13  }
0x13: {  	s13 =	sadd.s32 $0x3A00, s15;
	s14 =	sadd.s32 $0x3A10, s15;
	s15 =	sadd.s32 $0x3A20, s15  }
0x14: {  	s8 =	sadd.s32 $0x80, s5;
	s25 =	sadd.s32 $0x100, s5;
	s26 =	sadd.s32 $0x180, s5  }
0x15: {  	s9 =	sadd.s32 $0x200, s5;
	s12 =	sadd.s32 $0x280, s12;
	[dreg:$0x5] =	wrdreg s8  }
0x16: {  	s16 =	sadd.s32 $0x18000, s0;
	s0 =	simm.s32 $0x0;
	[dreg:$0x6] =	wrdreg s25  }
0x17: {  	v0 =	vimm.f32 $1.000000000e+00;
	v1 =	vimm.f32 $5.000000000e-01;
	v2 =	vimm.f32 $0.0e+00;
	[dreg:$0x7] =	wrdreg s26;
	s25 =	simm.s32 $0x1840;
	s26 =	simm.s32 $0x340  }
.LBB2_1:
0x18: {  	[tilespmem:$0x1840] =	vst v0  }
0x19: {  	[tilespmem:$0x18C0] =	vst v1  }
0x1a: {  	[tilespmem:$0x1940] =	vst v2  }
0x1b: {  	[tilespmem:$0x1850] =	vst v0  }
0x1c: {  	[tilespmem:$0x18D0] =	vst v1  }
0x1d: {  	[tilespmem:$0x1950] =	vst v2  }
0x1e: {  	[tilespmem:$0x1860] =	vst v0  }
0x1f: {  	[tilespmem:$0x18E0] =	vst v1  }
0x20: {  	[tilespmem:$0x1960] =	vst v2  }
0x21: {  	[tilespmem:$0x1870] =	vst v0  }
0x22: {  	[tilespmem:$0x18F0] =	vst v1  }
0x23: {  	[tilespmem:$0x1970] =	vst v2  }
0x24: {  	[tilespmem:$0x1880] =	vst v0  }
0x25: {  	[tilespmem:$0x1900] =	vst v1  }
0x26: {  	[tilespmem:$0x1980] =	vst v2  }
0x27: {  	[tilespmem:$0x1890] =	vst v0  }
0x28: {  	[tilespmem:$0x1910] =	vst v1  }
0x29: {  	[tilespmem:$0x1990] =	vst v2  }
0x2a: {  	[tilespmem:$0x18A0] =	vst v0  }
0x2b: {  	[tilespmem:$0x1920] =	vst v1  }
0x2c: {  	[tilespmem:$0x19A0] =	vst v2  }
0x2d: {  	[tilespmem:$0x18B0] =	vst v0  }
0x2e: {  	[tilespmem:$0x1930] =	vst v1  }
0x2f: {  	[tilespmem:$0x19B0] =	vst v2  }
0x30: {  	[spmem:s5] =	stream.linear.scatter [tilespmem:s20], [sflag:$0x3], $0x80, $0x38;
	[tilespmem:$0x1BC0] =	vst v63  }
0x31: {  	_ =	swait.ge [sflag:s21], $0x80  }
0x32: {  	[sflag:s21] =	ssyncset.done $0x0  }
0x33: {  	s6 =	rddreg [dreg:$0x5];
	[sflag:s21] =	ssyncadd.s32 $0xFFFFFF80  }
0x34: {  	[spmem:s6] =	stream.linear.scatter [tilespmem:s20], [sflag:$0x3], $0x80, $0x38;
	[tilespmem:$0x1BC0] =	vst v63  }
0x35: {  	_ =	swait.ge [sflag:s21], $0x80  }
0x36: {  	[sflag:s21] =	ssyncset.done $0x0  }
0x37: {  	s8 =	rddreg [dreg:$0x6];
	[sflag:s21] =	ssyncadd.s32 $0xFFFFFF80  }
0x38: {  	[spmem:s8] =	stream.linear.scatter [tilespmem:s20], [sflag:$0x3], $0x80, $0x38;
	[tilespmem:$0x1BC0] =	vst v63  }
0x39: {  	_ =	swait.ge [sflag:s21], $0x80  }
0x3a: {  	[sflag:s21] =	ssyncset.done $0x0  }
0x3b: {  	s7 =	rddreg [dreg:$0x7];
	[sflag:s21] =	ssyncadd.s32 $0xFFFFFF80  }
0x3c: {  	[spmem:s7] =	stream.linear.scatter [tilespmem:s20], [sflag:$0x3], $0x80, $0x38;
	[tilespmem:$0x1BC0] =	vst v63  }
0x3d: {  	_ =	swait.ge [sflag:s21], $0x80  }
0x3e: {  	[sflag:s21] =	ssyncset.done $0x0  }
0x3f: {  	[sflag:s21] =	ssyncadd.s32 $0xFFFFFF80  }
0x40: {  	[spmem:s9] =	stream.linear.scatter [tilespmem:s20], [sflag:$0x3], $0x80, $0x38;
	[tilespmem:$0x1BC0] =	vst v63  }
0x41: {  	_ =	swait.ge [sflag:s21], $0x80  }
0x42: {  	[sflag:s21] =	ssyncset.done $0x0  }
0x43: {  	[sflag:s21] =	ssyncadd.s32 $0xFFFFFF80  }
0x44: {  	[spmem:s10] =	stream.linear.scatter [tilespmem:s22], [sflag:$0x3], $0x40, $0x38;
	[tilespmem:$0x1BC0] =	vst v63  }
0x45: {  	_ =	swait.ge [sflag:s21], $0x40  }
0x46: {  	[sflag:s21] =	ssyncset.done $0x0  }
0x47: {  	[sflag:s21] =	ssyncadd.s32 $0xFFFFFFC0  }
0x48: {  	[bflag:$0x0] =	sbarrier.arrive $0xFFFF  }
0x49: {  	[tilespmem:s23], [sflag:$0x3] =	stream.linear.gather [hbm4b:s11+s4], $0x1400, $0x38;
	[tilespmem:$0x1BC0] =	vst v63  }
0x4a: {  	_ =	swait.ge [sflag:s21], $0x1400  }
0x4b: {  	[sflag:s21] =	ssyncset.done $0x0  }
0x4c: {  	[sflag:s21] =	ssyncadd.s32 $0xFFFFEC00  }
0x4d: {  	[spmem:s2] =	stream.indirect.scatter.add.f32 [tilespmem:s25], [sflag:$0x1], $0x1, s23, s24, $0xb8;
	[tilespmem:$0x1BC0] =	vst v63  }
0x4e: {  	_ = 	snop  }
0x4f: {  	[spmem:s2] =	stream.indirect.scatter.add.f32 [tilespmem:s25], [sflag:$0x2], $0x1, s26, s24, $0xb8;
	[tilespmem:$0x1BC0] =	vst v63  }
0x50: {  	_ =	swait.ge [sflag:s28], $0x80  }
0x51: {  	[sflag:s28] =	ssyncset.done $0x0  }
0x52: {  	s8 =	simm.s32 $0x3C0;
	[sflag:s28] =	ssyncadd.s32 $0xFFFFFF80  }
0x53: {  	[spmem:s2] =	stream.indirect.scatter.add.f32 [tilespmem:s25], [sflag:$0x1], $0x1, s8, s24, $0xb8;
	[tilespmem:$0x1BC0] =	vst v63  }
0x54: {  	_ =	swait.ge [sflag:s29], $0x80  }
0x55: {  	[sflag:s29] =	ssyncset.done $0x0  }
0x56: {  	s6 =	simm.s32 $0xFFFFB800;
	s7 =	simm.s32 $0x440;
	[sflag:s29] =	ssyncadd.s32 $0xFFFFFF80  }
.LBB2_2:
0x57: {  	[spmem:s2] =	stream.indirect.scatter.add.f32 [tilespmem:s25], [sflag:$0x2], $0x1, s7, s24, $0xb8;
	[tilespmem:$0x1BC0] =	vst v63  }
0x58: {  	s7 =	smov.u32 s6  }
0x59: {  	p0 =	sne.s32 s6, $0xFFFFFC00;
	s6 =	sadd.s32 $0x400, s6;
	_ =	swait.ge [sflag:s28], $0x80  }
0x5a: {  	s7 =	sshra.s32 s7, $0x2;
	[sflag:s28] =	ssyncset.done $0x0  }
.Ltmp0:
0x5b: {  	s8 =	sadd.s32 $0x16C0, s7;
	[sflag:s28] =	ssyncadd.s32 $0xFFFFFF80;
	(pc) =	sbr.rel @p0 .LBB2_2-.Ltmp0, $4  }
0x5c: {  	[spmem:s2] =	stream.indirect.scatter.add.f32 [tilespmem:s25], [sflag:$0x1], $0x1, s8, s24, $0xb8;
	[tilespmem:$0x1BC0] =	vst v63  }
0x5d: {  	_ =	swait.ge [sflag:s29], $0x80  }
0x5e: {  	[sflag:s29] =	ssyncset.done $0x0  }
0x5f: {  	s7 =	sadd.s32 $0x1740, s7;
	[sflag:s29] =	ssyncadd.s32 $0xFFFFFF80  }
0x60: {  	[spmem:s2] =	stream.indirect.scatter.add.f32 [tilespmem:s25], [sflag:$0x2], $0x1, s7, s24, $0xb8;
	[tilespmem:$0x1BC0] =	vst v63  }
0x61: {  	_ =	swait.ge [sflag:s28], $0x80  }
0x62: {  	[sflag:s28] =	ssyncset.done $0x0  }
0x63: {  	[sflag:s28] =	ssyncadd.s32 $0xFFFFFF80  }
0x64: {  	_ =	swait.ge [sflag:s29], $0x80  }
0x65: {  	[sflag:s29] =	ssyncset.done $0x0  }
0x66: {  	[sflag:s29] =	ssyncadd.s32 $0xFFFFFF80  }
0x67: {  	[tilespmem:s23], [sflag:$0x3] =	stream.linear.gather [hbm4b:s12+s4], $0x1400, $0x38;
	[tilespmem:$0x1BC0] =	vst v63  }
0x68: {  	_ =	swait.ge [sflag:s21], $0x1400  }
0x69: {  	[sflag:s21] =	ssyncset.done $0x0  }
0x6a: {  	[sflag:s21] =	ssyncadd.s32 $0xFFFFEC00  }
0x6b: {  	[spmem:s2] =	stream.indirect.scatter.add.f32 [tilespmem:s25], [sflag:$0x1], $0x1, s23, s24, $0xb8;
	[tilespmem:$0x1BC0] =	vst v63  }
0x6c: {  	_ = 	snop  }
0x6d: {  	[spmem:s2] =	stream.indirect.scatter.add.f32 [tilespmem:s25], [sflag:$0x2], $0x1, s26, s24, $0xb8;
	[tilespmem:$0x1BC0] =	vst v63  }
0x6e: {  	_ =	swait.ge [sflag:s28], $0x80  }
0x6f: {  	[sflag:s28] =	ssyncset.done $0x0  }
0x70: {  	s6 =	simm.s32 $0x3C0;
	[sflag:s28] =	ssyncadd.s32 $0xFFFFFF80  }
0x71: {  	[spmem:s2] =	stream.indirect.scatter.add.f32 [tilespmem:s25], [sflag:$0x1], $0x1, s6, s24, $0xb8;
	[tilespmem:$0x1BC0] =	vst v63  }
0x72: {  	_ =	swait.ge [sflag:s29], $0x80  }
0x73: {  	[sflag:s29] =	ssyncset.done $0x0  }
0x74: {  	s7 =	simm.s32 $0x440;
	s6 =	simm.s32 $0xFFFFB800;
	[sflag:s29] =	ssyncadd.s32 $0xFFFFFF80  }
.LBB2_4:
0x75: {  	[spmem:s2] =	stream.indirect.scatter.add.f32 [tilespmem:s25], [sflag:$0x2], $0x1, s7, s24, $0xb8;
	[tilespmem:$0x1BC0] =	vst v63  }
0x76: {  	s7 =	smov.u32 s6  }
0x77: {  	p0 =	sne.s32 s6, $0xFFFFFC00;
	s6 =	sadd.s32 $0x400, s6;
	_ =	swait.ge [sflag:s28], $0x80  }
0x78: {  	s7 =	sshra.s32 s7, $0x2;
	[sflag:s28] =	ssyncset.done $0x0  }
.Ltmp1:
0x79: {  	s8 =	sadd.s32 $0x16C0, s7;
	[sflag:s28] =	ssyncadd.s32 $0xFFFFFF80;
	(pc) =	sbr.rel @p0 .LBB2_4-.Ltmp1, $4  }
0x7a: {  	[spmem:s2] =	stream.indirect.scatter.add.f32 [tilespmem:s25], [sflag:$0x1], $0x1, s8, s24, $0xb8;
	[tilespmem:$0x1BC0] =	vst v63  }
0x7b: {  	_ =	swait.ge [sflag:s29], $0x80  }
0x7c: {  	[sflag:s29] =	ssyncset.done $0x0  }
0x7d: {  	s7 =	sadd.s32 $0x1740, s7;
	[sflag:s29] =	ssyncadd.s32 $0xFFFFFF80  }
0x7e: {  	[spmem:s2] =	stream.indirect.scatter.add.f32 [tilespmem:s25], [sflag:$0x2], $0x1, s7, s24, $0xb8;
	[tilespmem:$0x1BC0] =	vst v63  }
0x7f: {  	_ =	swait.ge [sflag:s28], $0x80  }
0x80: {  	[sflag:s28] =	ssyncset.done $0x0  }
0x81: {  	[sflag:s28] =	ssyncadd.s32 $0xFFFFFF80  }
0x82: {  	_ =	swait.ge [sflag:s29], $0x80  }
0x83: {  	[sflag:s29] =	ssyncset.done $0x0  }
0x84: {  	[sflag:s29] =	ssyncadd.s32 $0xFFFFFF80  }
0x85: {  	[tilespmem:s30], [sflag:$0x3] =	stream.linear.gather [hbm4b:s13+s4], $0x80, $0x38;
	[tilespmem:$0x1BC0] =	vst v63  }
0x86: {  	_ =	swait.ge [sflag:s21], $0x80  }
0x87: {  	[sflag:s21] =	ssyncset.done $0x0  }
0x88: {  	[sflag:s21] =	ssyncadd.s32 $0xFFFFFF80  }
0x89: {  	[spmem:s3] =	stream.indirect.scatter.add.f32 [tilespmem:s25], [sflag:$0x3], $0x1, s30, s24, $0xb8;
	[tilespmem:$0x1BC0] =	vst v63  }
0x8a: {  	_ =	swait.ge [sflag:s21], $0x80  }
0x8b: {  	[sflag:s21] =	ssyncset.done $0x0  }
0x8c: {  	[sflag:s21] =	ssyncadd.s32 $0xFFFFFF80  }
0x8d: {  	[tilespmem:s31], [sflag:$0x3] =	stream.linear.gather [hbm4b:s14+s4], $0x80, $0x38;
	[tilespmem:$0x1BC0] =	vst v63  }
0x8e: {  	_ =	swait.ge [sflag:s21], $0x80  }
0x8f: {  	[sflag:s21] =	ssyncset.done $0x0  }
0x90: {  	[sflag:s21] =	ssyncadd.s32 $0xFFFFFF80  }
0x91: {  	[spmem:s3] =	stream.indirect.scatter.add.f32 [tilespmem:s25], [sflag:$0x3], $0x1, s31, s24, $0xb8;
	[tilespmem:$0x1BC0] =	vst v63  }
0x92: {  	_ =	swait.ge [sflag:s21], $0x80  }
0x93: {  	[sflag:s21] =	ssyncset.done $0x0  }
0x94: {  	[sflag:s21] =	ssyncadd.s32 $0xFFFFFF80  }
0x95: {  	[tilespmem:s1], [sflag:$0x3] =	stream.linear.gather [hbm4b:s15+s4], $0x40, $0x38;
	[tilespmem:$0x1BC0] =	vst v63  }
0x96: {  	_ =	swait.ge [sflag:s21], $0x40  }
0x97: {  	[sflag:s21] =	ssyncset.done $0x0  }
0x98: {  	s6 =	simm.s32 $0x40;
	[sflag:s21] =	ssyncadd.s32 $0xFFFFFFC0  }
0x99: {  	[spmem:s3] =	stream.indirect.scatter.add.f32 [tilespmem:s25], [sflag:$0x3], $0x1, s1, s6, $0xb8;
	[tilespmem:$0x1BC0] =	vst v63  }
0x9a: {  	_ =	swait.ge [sflag:s21], $0x40  }
0x9b: {  	[sflag:s21] =	ssyncset.done $0x0  }
0x9c: {  	[sflag:s21] =	ssyncadd.s32 $0xFFFFFFC0  }
0x9d: {  	[bflag:$0x0] =	sbarrier.arrive $0xFFFF  }
0x9e: {  	[tilespmem:s22], [sflag:$0x3] =	stream.linear.gather [spmem:s5], $0x280, $0x38;
	[tilespmem:$0x1BC0] =	vst v63  }
0x9f: {  	_ =	swait.ge [sflag:s21], $0x280  }
0xa0: {  	[sflag:s21] =	ssyncset.done $0x0  }
0xa1: {  	[sflag:s21] =	ssyncadd.s32 $0xFFFFFD80  }
0xa2: {  	[hbm4b:s16+s4] =	stream.linear.scatter [tilespmem:s22], [sflag:$0x3], $0x280, $0x38;
	[tilespmem:$0x1BC0] =	vst v63  }
0xa3: {  	_ =	swait.ge [sflag:s21], $0x280  }
0xa4: {  	[sflag:s21] =	ssyncset.done $0x0  }
0xa5: {  	[sflag:s21] =	ssyncadd.s32 $0xFFFFFD80  }
0xa6: {  	[tilespmem:s22], [sflag:$0x3] =	stream.linear.gather [spmem:s17], $0x20, $0x38;
	[tilespmem:$0x1BC0] =	vst v63  }
0xa7: {  	s0 =	sadd.s32 $0x1, s0;
	_ =	swait.ge [sflag:s21], $0x20  }
0xa8: {  	p0 =	sne.s32 s0, s19;
	[sflag:s21] =	ssyncset.done $0x0  }
.Ltmp2:
0xa9: {  	[sflag:s21] =	ssyncadd.s32 $0xFFFFFFE0;
	(pc) =	sbr.rel @p0 .LBB2_1-.Ltmp2, $4  }
0xaa: {  	[hbm4b:s18+s4] =	stream.linear.scatter [tilespmem:s22], [sflag:$0x3], $0x20, $0x38;
	[tilespmem:$0x1BC0] =	vst v63  }
0xab: {  	_ =	swait.ge [sflag:s21], $0x20  }
0xac: {  	[sflag:s21] =	ssyncset.done $0x0  }
0xad: {  	[sflag:s21] =	ssyncadd.s32 $0xFFFFFFE0  }
0xae: {  	_ =	sfence.sel $0x180000  }
0xaf: {  	[bflag:$0x0] =	sbarrier.arrive $0xFFFF  }
0xb0: {  	_ =	strace $0x90000047  }
0xb1: {  	s0 =	stileid.u32;
	[bflag:$0x2] =	sbarrier.arrive $0xFFFF  }
0xb2: {  	p0 =	sne.s32 s0, $0x0;
	s0 =	rddreg [dreg:$0x4]  }
0xb3: {  	s0 =	sadd.s32 @!p0 $0x100000, s0  }
0xb4: {  	[sflag:s0] =	ssyncadd.tile.s32 @!p0 $0x1;
	_ =	shalt  }
.Lfunc_end2:
_tile_overlayer_lowered:
.L_overlay_start_2:
0xb5: {  	(tag) =	ssettag $0x2  }
0xb6: {  	s0 =	rddreg [dreg:$0x0];
	s2 =	stileid.u32  }
0xb7: {  	s1 =	rddreg [dreg:$0x1];
	p0 =	sne.s32 s2, $0x0  }
0xb8: {  	s3 =	rddreg [dreg:$0x2];
	[bflag:$0x3] =	sbarrier.arrive $0xFFFF;
	s2 =	simm.s32 @!p0 $0x1C03  }
0xb9: {  	[timem:s3], [sflag:s2] =	dma.local @!p0 [hbm:s0], s1  }
0xba: {  	s0 =	simm.s32 @!p0 $0x3  }
0xbb: {  	_ =	swait.ge @!p0 [sflag:s0], s1  }
0xbc: {  	s1 =	ssub.s32 @!p0 $0x0, s1;
	[sflag:s0] =	ssyncset.done @!p0 $0x0  }
0xbd: {  	[sflag:s0] =	ssyncadd.s32 @!p0 s1  }
0xbe: {  	[bflag:$0x3] =	sbarrier.arrive $0xFFFF  }
0xbf: {  	_ =	shalt  }

</sc_bundles>
